<compile_context>
chip_gen: v7x
topology: tpu7x:2x2x1
jax: 0.10.2.dev20260603
libtpu: 0.0.44.dev20260713+nightly
codegen_flags: <defaults>
</compile_context>

<pallas_src>
import functools

import jax
import jax.numpy as jnp
import numpy as np
from jax import lax
from jax.experimental import pallas as pl
from jax.experimental.pallas import tpu as pltpu
from jax.experimental.pallas import tpu_sc as plsc

HUBERT_HOP = 320
HUBERT_SR = 16000
MEL_HOP = 512
MEL_SR = 44100
RATIO = (MEL_HOP / MEL_SR) / (HUBERT_HOP / HUBERT_SR)

N_FRAMES_STATIC = 28000
T_UNITS = 16384
C_DIM = 256

G = 16
NGROUPS = N_FRAMES_STATIC // G
NUM_WORKERS = 32
STEPS = -(-NGROUPS // NUM_WORKERS)
MAGIC = np.float32(8388608.0)
RATIO_F32 = np.float32(RATIO)


def _sc_body(units_hbm, dn_hbm, out_hbm, dn_v, idx_v, rows_v, tile_v, sem):
    core = lax.axis_index("c")
    subcore = lax.axis_index("s")
    wid = subcore * 2 + core

    pltpu.sync_copy(dn_hbm, dn_v)
    dn_f = dn_v[...].astype(jnp.float32)
    lanes = lax.broadcasted_iota(jnp.int32, (16,), 0)
    lanes_f = lanes.astype(jnp.float32)

    def step(k, _):
        g = k * NUM_WORKERS + wid

        @pl.when(g < NGROUPS)
        def _():
            t0 = (g * G).astype(jnp.float32)
            x = (t0 + lanes_f + dn_f) * RATIO_F32
            r = (x + MAGIC) - MAGIC
            idx = jnp.minimum(r.astype(jnp.int32), T_UNITS - 1)
            idx_v[...] = idx
            pltpu.async_copy(units_hbm.at[idx_v], rows_v, sem).wait()
            for c in range(C_DIM):
                col = plsc.load_gather(
                    rows_v, [lanes, jnp.full((16,), c, jnp.int32)]
                )
                tile_v[c] = col
            pltpu.sync_copy(tile_v, out_hbm.at[:, pl.ds(g * G, G)])

        return None

    lax.fori_loop(0, STEPS, step, None)


def kernel(units, n_frames):
    units2d = units.reshape(T_UNITS, C_DIM)
    dn = jnp.asarray(n_frames, jnp.int32) - N_FRAMES_STATIC
    dn_vec = jnp.broadcast_to(dn, (16,)).astype(jnp.int32)

    mesh = plsc.VectorSubcoreMesh(
        core_axis_name="c", subcore_axis_name="s", num_cores=2, num_subcores=16
    )
    sc_call = functools.partial(
        pl.kernel,
        out_type=jax.ShapeDtypeStruct((C_DIM, N_FRAMES_STATIC), jnp.float32),
        mesh=mesh,
        scratch_types=[
            pltpu.VMEM((16,), jnp.int32),
            pltpu.VMEM((16,), jnp.int32),
            pltpu.VMEM((G, C_DIM), jnp.float32),
            pltpu.VMEM((C_DIM, G), jnp.float32),
            pltpu.SemaphoreType.DMA,
        ],
        compiler_params=pltpu.CompilerParams(
            use_tc_tiling_on_sc=False, needs_layout_passes=False
        ),
    )(_sc_body)
    out2d = sc_call(units2d, dn_vec)
    return out2d.reshape(1, C_DIM, N_FRAMES_STATIC)

# --- scband reference (transcript-rebuilt; emitter-appended) ---
"""Pipeline reference for scband-units-aligner-35734127902857 (READ-ONLY COPY).

The authoritative reference and input builder live on the scoring server;
editing this copy changes nothing except your own understanding.
"""

import jax, jax.numpy as jnp
import numpy as np

HUBERT_HOP = 320
HUBERT_SR = 16000
MEL_HOP = 512
MEL_SR = 44100
RATIO = (MEL_HOP / MEL_SR) / (HUBERT_HOP / HUBERT_SR)

N_FRAMES_STATIC = 28000


def setup_inputs(seed: int = 0) -> dict:
    key = jax.random.key(seed)
    units = jax.random.normal(key, (1, 16384, 256), dtype=jnp.float32)
    n_frames = 28000
    return {"units": units, "n_frames": n_frames}


def reference(units, n_frames):
    # index = clamp(round(ratio * arange(n_frames)), max=T_units-1)
    frame_ids = jnp.arange(N_FRAMES_STATIC, dtype=jnp.float32) + (n_frames - N_FRAMES_STATIC)
    index = jnp.minimum(
        jnp.round(RATIO * frame_ids).astype(jnp.int32),
        units.shape[1] - 1,
    )
    # torch.gather(units, 1, index[None,:,None].repeat([1,1,d])) == units[:, index, :]
    units_aligned = jnp.take(units, index, axis=1)
    return jnp.transpose(units_aligned, (0, 2, 1))

if __name__ == "__main__":
    import jax
    _d = setup_inputs()
    print(jax.jit(kernel)(*tuple(_d.values())))

</pallas_src>

<mosaic_0001>
#map = affine_map<(d0, d1) -> (0, 0)>
#map1 = affine_map<(d0, d1) -> (0)>
module attributes {stable_mosaic.version = 14 : i64} {
  func.func @_sc_body(%arg0: i32, %arg1: i32, %arg2: memref<16384x256xf32, #tpu.memory_space<hbm>>, %arg3: memref<16xi32, #tpu.memory_space<hbm>>, %arg4: memref<256x28000xf32, #tpu.memory_space<hbm>>, %arg5: memref<16xi32, #tpu.memory_space<vmem>>, %arg6: memref<16xi32, #tpu.memory_space<vmem>>, %arg7: memref<16x256xf32, #tpu.memory_space<vmem>>, %arg8: memref<256x16xf32, #tpu.memory_space<vmem>>, %arg9: memref<!tpu.dma_semaphore, #tpu.memory_space<semaphore_mem>>) attributes {dimension_semantics = [#tpu.dimension_semantics<core_parallel>, #tpu.dimension_semantics<subcore_parallel>], iteration_bounds = array<i64: 2, 16>, scalar_prefetch = 0 : i64, scratch_operands = 5 : i64, tpu.core_type = #tpu.core_type<sc_vector_subcore>, window_params = [{transform_indices = #map}, {transform_indices = #map1}, {transform_indices = #map}]} {
    %mul3A = arith.constant 2 : i32
    %mul3A_0 = arith.muli %arg1, %mul3A : i32
    %add3A = arith.addi %mul3A_0, %arg0 : i32
    "tpu.region"() ({
      %run_scoped3A = tpu.sem_alloc : memref<!tpu.dma_semaphore, #tpu.memory_space<semaphore_mem>>
      tpu.enqueue_dma source(%arg3 : memref<16xi32, #tpu.memory_space<hbm>>) target(%arg5 : memref<16xi32, #tpu.memory_space<vmem>>) target_semaphore(%run_scoped3A : memref<!tpu.dma_semaphore, #tpu.memory_space<semaphore_mem>>)
      tpu.wait_dma2 semaphore(%run_scoped3A : memref<!tpu.dma_semaphore, #tpu.memory_space<semaphore_mem>>) src(%arg3 : memref<16xi32, #tpu.memory_space<hbm>>) dst(%arg5 : memref<16xi32, #tpu.memory_space<vmem>>)
      tpu.yield
    }) : () -> ()
    %get3A = arith.constant 0 : index
    %get3A_1 = tpu.vector_load %arg5[%get3A] {strides = array<i32>} : memref<16xi32, #tpu.memory_space<vmem>>, vector<16xi32>,
    %convert_element_type3A = arith.sitofp %get3A_1 : vector<16xi32> to vector<16xf32>
    %iota3A = tpu.iota {dimensions = array<i32: 0>} : vector<16xi32>
    %convert_element_type3A_2 = arith.sitofp %iota3A : vector<16xi32> to vector<16xf32>
    %scan3A = arith.constant 0 : i32
    %scan3A_3 = arith.constant 55 : i32
    %scan3A_4 = arith.addi %scan3A, %scan3A_3 : i32
    %scan3A_5 = arith.constant 1 : i32
    scf.for %scan3A_7 = %scan3A to %scan3A_4 step %scan3A_5  : i32 {
      %mul3A_8 = arith.constant 32 : i32
      %mul3A_9 = arith.muli %scan3A_7, %mul3A_8 : i32
      %add3A_10 = arith.addi %mul3A_9, %add3A : i32
      %lt3A = arith.constant 1750 : i32
      %lt3A_11 = arith.cmpi slt, %add3A_10, %lt3A : i32
      %convert_element_type3A_12 = arith.extui %lt3A_11 : i1 to i32
      %cond3A = arith.constant 0 : i32
      %cond3A_13 = arith.cmpi ne, %convert_element_type3A_12, %cond3A : i32
      scf.if %cond3A_13 {
        %mul3A_14 = arith.constant 16 : i32
        %mul3A_15 = arith.muli %add3A_10, %mul3A_14 : i32
        %convert_element_type3A_16 = arith.sitofp %mul3A_15 : i32 to f32
        %add3A_17 = vector.broadcast %convert_element_type3A_16 : f32 to vector<16xf32>
        %add3A_18 = arith.addf %add3A_17, %convert_element_type3A_2 : vector<16xf32>
        %add3A_19 = arith.addf %add3A_18, %convert_element_type3A : vector<16xf32>
        %mul3A_20 = arith.constant 0.580498874 : f32
        %mul3A_21 = vector.broadcast %mul3A_20 : f32 to vector<16xf32>
        %mul3A_22 = arith.mulf %add3A_19, %mul3A_21 : vector<16xf32>
        %add3A_23 = arith.constant 0x4B000000 : f32
        %add3A_24 = vector.broadcast %add3A_23 : f32 to vector<16xf32>
        %add3A_25 = arith.addf %mul3A_22, %add3A_24 : vector<16xf32>
        %sub3A = arith.constant 0x4B000000 : f32
        %sub3A_26 = vector.broadcast %sub3A : f32 to vector<16xf32>
        %sub3A_27 = arith.subf %add3A_25, %sub3A_26 : vector<16xf32>
        %convert_element_type3A_28 = arith.fptosi %sub3A_27 : vector<16xf32> to vector<16xi32>
        %min3A = arith.constant 16383 : i32
        %min3A_29 = vector.broadcast %min3A : i32 to vector<16xi32>
        %min3A_30 = arith.minsi %convert_element_type3A_28, %min3A_29 : vector<16xi32>
        %swap3A = arith.constant 0 : index
        %swap3A_31 = tpu.vector_load %arg6[%swap3A] {strides = array<i32>} : memref<16xi32, #tpu.memory_space<vmem>>, vector<16xi32>,
        tpu.vector_store %arg6[%swap3A], %min3A_30 {strides = array<i32>} : memref<16xi32, #tpu.memory_space<vmem>>, vector<16xi32>,
        %dma_start3A = arith.constant 0 : i32
        %dma_start3A_32 = arith.constant 0 : i32
        %dma_start3A_33 = tpu.memref_slice %arg2[%dma_start3A, %dma_start3A_32] : memref<16384x256xf32, #tpu.memory_space<hbm>> -> memref<16384x256xf32, #tpu.memory_space<hbm>>
        tpu.enqueue_indirect_dma source(%dma_start3A_33 : memref<16384x256xf32, #tpu.memory_space<hbm>>) target(%arg7 : memref<16x256xf32, #tpu.memory_space<vmem>>) offsets(%arg6 : memref<16xi32, #tpu.memory_space<vmem>>) semaphore(%arg9 : memref<!tpu.dma_semaphore, #tpu.memory_space<semaphore_mem>>)
        %dma_wait3A = arith.constant 0 : i32
        %dma_wait3A_34 = arith.constant 0 : i32
        %dma_wait3A_35 = tpu.memref_slice %arg2[%dma_wait3A, %dma_wait3A_34] : memref<16384x256xf32, #tpu.memory_space<hbm>> -> memref<16384x256xf32, #tpu.memory_space<hbm>>
        tpu.wait_indirect_dma semaphore(%arg9 : memref<!tpu.dma_semaphore, #tpu.memory_space<semaphore_mem>>) src(%dma_wait3A_35 : memref<16384x256xf32, #tpu.memory_space<hbm>>) dst(%arg7 : memref<16x256xf32, #tpu.memory_space<vmem>>)
        %broadcast_in_dim3A = arith.constant 0 : i32
        %broadcast_in_dim3A_36 = vector.broadcast %broadcast_in_dim3A : i32 to vector<16xi32>
        %gather3A = tpu.vector_load_idx %arg7[%iota3A, %broadcast_in_dim3A_36] : memref<16x256xf32, #tpu.memory_space<vmem>>[vector<16xi32>, vector<16xi32>], vector<16xf32>,
        %swap3A_37 = arith.constant 0 : i32
        %swap3A_38 = arith.index_cast %swap3A_37 : i32 to index
        %swap3A_39 = arith.constant 0 : index
        %swap3A_40 = tpu.vector_load %arg8[%swap3A_38, %swap3A_39] {strides = array<i32>} : memref<256x16xf32, #tpu.memory_space<vmem>>, vector<16xf32>,
        tpu.vector_store %arg8[%swap3A_38, %swap3A_39], %gather3A {strides = array<i32>} : memref<256x16xf32, #tpu.memory_space<vmem>>, vector<16xf32>,
        %broadcast_in_dim3A_41 = arith.constant 1 : i32
        %broadcast_in_dim3A_42 = vector.broadcast %broadcast_in_dim3A_41 : i32 to vector<16xi32>
        %gather3A_43 = tpu.vector_load_idx %arg7[%iota3A, %broadcast_in_dim3A_42] : memref<16x256xf32, #tpu.memory_space<vmem>>[vector<16xi32>, vector<16xi32>], vector<16xf32>,
        %swap3A_44 = arith.constant 1 : i32
        %swap3A_45 = arith.index_cast %swap3A_44 : i32 to index
        %swap3A_46 = arith.constant 0 : index
        %swap3A_47 = tpu.vector_load %arg8[%swap3A_45, %swap3A_46] {strides = array<i32>} : memref<256x16xf32, #tpu.memory_space<vmem>>, vector<16xf32>,
        tpu.vector_store %arg8[%swap3A_45, %swap3A_46], %gather3A_43 {strides = array<i32>} : memref<256x16xf32, #tpu.memory_space<vmem>>, vector<16xf32>,
        %broadcast_in_dim3A_48 = arith.constant 2 : i32
        %broadcast_in_dim3A_49 = vector.broadcast %broadcast_in_dim3A_48 : i32 to vector<16xi32>
        %gather3A_50 = tpu.vector_load_idx %arg7[%iota3A, %broadcast_in_dim3A_49] : memref<16x256xf32, #tpu.memory_space<vmem>>[vector<16xi32>, vector<16xi32>], vector<16xf32>,
        %swap3A_51 = arith.constant 2 : i32
        %swap3A_52 = arith.index_cast %swap3A_51 : i32 to index
        %swap3A_53 = arith.constant 0 : index
        %swap3A_54 = tpu.vector_load %arg8[%swap3A_52, %swap3A_53] {strides = array<i32>} : memref<256x16xf32, #tpu.memory_space<vmem>>, vector<16xf32>,
        tpu.vector_store %arg8[%swap3A_52, %swap3A_53], %gather3A_50 {strides = array<i32>} : memref<256x16xf32, #tpu.memory_space<vmem>>, vector<16xf32>,
        %broadcast_in_dim3A_55 = arith.constant 3 : i32
        %broadcast_in_dim3A_56 = vector.broadcast %broadcast_in_dim3A_55 : i32 to vector<16xi32>
        %gather3A_57 = tpu.vector_load_idx %arg7[%iota3A, %broadcast_in_dim3A_56] : memref<16x256xf32, #tpu.memory_space<vmem>>[vector<16xi32>, vector<16xi32>], vector<16xf32>,
        %swap3A_58 = arith.constant 3 : i32
        %swap3A_59 = arith.index_cast %swap3A_58 : i32 to index
        %swap3A_60 = arith.constant 0 : index
        %swap3A_61 = tpu.vector_load %arg8[%swap3A_59, %swap3A_60] {strides = array<i32>} : memref<256x16xf32, #tpu.memory_space<vmem>>, vector<16xf32>,
        tpu.vector_store %arg8[%swap3A_59, %swap3A_60], %gather3A_57 {strides = array<i32>} : memref<256x16xf32, #tpu.memory_space<vmem>>, vector<16xf32>,
        %broadcast_in_dim3A_62 = arith.constant 4 : i32
        %broadcast_in_dim3A_63 = vector.broadcast %broadcast_in_dim3A_62 : i32 to vector<16xi32>
        %gather3A_64 = tpu.vector_load_idx %arg7[%iota3A, %broadcast_in_dim3A_63] : memref<16x256xf32, #tpu.memory_space<vmem>>[vector<16xi32>, vector<16xi32>], vector<16xf32>,
        %swap3A_65 = arith.constant 4 : i32
        %swap3A_66 = arith.index_cast %swap3A_65 : i32 to index
        %swap3A_67 = arith.constant 0 : index
        %swap3A_68 = tpu.vector_load %arg8[%swap3A_66, %swap3A_67] {strides = array<i32>} : memref<256x16xf32, #tpu.memory_space<vmem>>, vector<16xf32>,
        tpu.vector_store %arg8[%swap3A_66, %swap3A_67], %gather3A_64 {strides = array<i32>} : memref<256x16xf32, #tpu.memory_space<vmem>>, vector<16xf32>,
        %broadcast_in_dim3A_69 = arith.constant 5 : i32
        %broadcast_in_dim3A_70 = vector.broadcast %broadcast_in_dim3A_69 : i32 to vector<16xi32>
        %gather3A_71 = tpu.vector_load_idx %arg7[%iota3A, %broadcast_in_dim3A_70] : memref<16x256xf32, #tpu.memory_space<vmem>>[vector<16xi32>, vector<16xi32>], vector<16xf32>,
        %swap3A_72 = arith.constant 5 : i32
        %swap3A_73 = arith.index_cast %swap3A_72 : i32 to index
        %swap3A_74 = arith.constant 0 : index
        %swap3A_75 = tpu.vector_load %arg8[%swap3A_73, %swap3A_74] {strides = array<i32>} : memref<256x16xf32, #tpu.memory_space<vmem>>, vector<16xf32>,
        tpu.vector_store %arg8[%swap3A_73, %swap3A_74], %gather3A_71 {strides = array<i32>} : memref<256x16xf32, #tpu.memory_space<vmem>>, vector<16xf32>,
        %broadcast_in_dim3A_76 = arith.constant 6 : i32
        %broadcast_in_dim3A_77 = vector.broadcast %broadcast_in_dim3A_76 : i32 to vector<16xi32>
        %gather3A_78 = tpu.vector_load_idx %arg7[%iota3A, %broadcast_in_dim3A_77] : memref<16x256xf32, #tpu.memory_space<vmem>>[vector<16xi32>, vector<16xi32>], vector<16xf32>,
        %swap3A_79 = arith.constant 6 : i32
        %swap3A_80 = arith.index_cast %swap3A_79 : i32 to index
        %swap3A_81 = arith.constant 0 : index
        %swap3A_82 = tpu.vector_load %arg8[%swap3A_80, %swap3A_81] {strides = array<i32>} : memref<256x16xf32, #tpu.memory_space<vmem>>, vector<16xf32>,
        tpu.vector_store %arg8[%swap3A_80, %swap3A_81], %gather3A_78 {strides = array<i32>} : memref<256x16xf32, #tpu.memory_space<vmem>>, vector<16xf32>,
        %broadcast_in_dim3A_83 = arith.constant 7 : i32
        %broadcast_in_dim3A_84 = vector.broadcast %broadcast_in_dim3A_83 : i32 to vector<16xi32>
        %gather3A_85 = tpu.vector_load_idx %arg7[%iota3A, %broadcast_in_dim3A_84] : memref<16x256xf32, #tpu.memory_space<vmem>>[vector<16xi32>, vector<16xi32>], vector<16xf32>,
        %swap3A_86 = arith.constant 7 : i32
        %swap3A_87 = arith.index_cast %swap3A_86 : i32 to index
        %swap3A_88 = arith.constant 0 : index
        %swap3A_89 = tpu.vector_load %arg8[%swap3A_87, %swap3A_88] {strides = array<i32>} : memref<256x16xf32, #tpu.memory_space<vmem>>, vector<16xf32>,
        tpu.vector_store %arg8[%swap3A_87, %swap3A_88], %gather3A_85 {strides = array<i32>} : memref<256x16xf32, #tpu.memory_space<vmem>>, vector<16xf32>,
        %broadcast_in_dim3A_90 = arith.constant 8 : i32
        %broadcast_in_dim3A_91 = vector.broadcast %broadcast_in_dim3A_90 : i32 to vector<16xi32>
        %gather3A_92 = tpu.vector_load_idx %arg7[%iota3A, %broadcast_in_dim3A_91] : memref<16x256xf32, #tpu.memory_space<vmem>>[vector<16xi32>, vector<16xi32>], vector<16xf32>,
        %swap3A_93 = arith.constant 8 : i32
        %swap3A_94 = arith.index_cast %swap3A_93 : i32 to index
        %swap3A_95 = arith.constant 0 : index
        %swap3A_96 = tpu.vector_load %arg8[%swap3A_94, %swap3A_95] {strides = array<i32>} : memref<256x16xf32, #tpu.memory_space<vmem>>, vector<16xf32>,
        tpu.vector_store %arg8[%swap3A_94, %swap3A_95], %gather3A_92 {strides = array<i32>} : memref<256x16xf32, #tpu.memory_space<vmem>>, vector<16xf32>,
        %broadcast_in_dim3A_97 = arith.constant 9 : i32
        %broadcast_in_dim3A_98 = vector.broadcast %broadcast_in_dim3A_97 : i32 to vector<16xi32>
        %gather3A_99 = tpu.vector_load_idx %arg7[%iota3A, %broadcast_in_dim3A_98] : memref<16x256xf32, #tpu.memory_space<vmem>>[vector<16xi32>, vector<16xi32>], vector<16xf32>,
        %swap3A_100 = arith.constant 9 : i32
        %swap3A_101 = arith.index_cast %swap3A_100 : i32 to index
        %swap3A_102 = arith.constant 0 : index
        %swap3A_103 = tpu.vector_load %arg8[%swap3A_101, %swap3A_102] {strides = array<i32>} : memref<256x16xf32, #tpu.memory_space<vmem>>, vector<16xf32>,
        tpu.vector_store %arg8[%swap3A_101, %swap3A_102], %gather3A_99 {strides = array<i32>} : memref<256x16xf32, #tpu.memory_space<vmem>>, vector<16xf32>,
        %broadcast_in_dim3A_104 = arith.constant 10 : i32
        %broadcast_in_dim3A_105 = vector.broadcast %broadcast_in_dim3A_104 : i32 to vector<16xi32>
        %gather3A_106 = tpu.vector_load_idx %arg7[%iota3A, %broadcast_in_dim3A_105] : memref<16x256xf32, #tpu.memory_space<vmem>>[vector<16xi32>, vector<16xi32>], vector<16xf32>,
        %swap3A_107 = arith.constant 10 : i32
        %swap3A_108 = arith.index_cast %swap3A_107 : i32 to index
        %swap3A_109 = arith.constant 0 : index
        %swap3A_110 = tpu.vector_load %arg8[%swap3A_108, %swap3A_109] {strides = array<i32>} : memref<256x16xf32, #tpu.memory_space<vmem>>, vector<16xf32>,
        tpu.vector_store %arg8[%swap3A_108, %swap3A_109], %gather3A_106 {strides = array<i32>} : memref<256x16xf32, #tpu.memory_space<vmem>>, vector<16xf32>,
        %broadcast_in_dim3A_111 = arith.constant 11 : i32
        %broadcast_in_dim3A_112 = vector.broadcast %broadcast_in_dim3A_111 : i32 to vector<16xi32>
        %gather3A_113 = tpu.vector_load_idx %arg7[%iota3A, %broadcast_in_dim3A_112] : memref<16x256xf32, #tpu.memory_space<vmem>>[vector<16xi32>, vector<16xi32>], vector<16xf32>,
        %swap3A_114 = arith.constant 11 : i32
        %swap3A_115 = arith.index_cast %swap3A_114 : i32 to index
        %swap3A_116 = arith.constant 0 : index
        %swap3A_117 = tpu.vector_load %arg8[%swap3A_115, %swap3A_116] {strides = array<i32>} : memref<256x16xf32, #tpu.memory_space<vmem>>, vector<16xf32>,
        tpu.vector_store %arg8[%swap3A_115, %swap3A_116], %gather3A_113 {strides = array<i32>} : memref<256x16xf32, #tpu.memory_space<vmem>>, vector<16xf32>,
        %broadcast_in_dim3A_118 = arith.constant 12 : i32
        %broadcast_in_dim3A_119 = vector.broadcast %broadcast_in_dim3A_118 : i32 to vector<16xi32>
        %gather3A_120 = tpu.vector_load_idx %arg7[%iota3A, %broadcast_in_dim3A_119] : memref<16x256xf32, #tpu.memory_space<vmem>>[vector<16xi32>, vector<16xi32>], vector<16xf32>,
        %swap3A_121 = arith.constant 12 : i32
        %swap3A_122 = arith.index_cast %swap3A_121 : i32 to index
        %swap3A_123 = arith.constant 0 : index
        %swap3A_124 = tpu.vector_load %arg8[%swap3A_122, %swap3A_123] {strides = array<i32>} : memref<256x16xf32, #tpu.memory_space<vmem>>, vector<16xf32>,
        tpu.vector_store %arg8[%swap3A_122, %swap3A_123], %gather3A_120 {strides = array<i32>} : memref<256x16xf32, #tpu.memory_space<vmem>>, vector<16xf32>,
        %broadcast_in_dim3A_125 = arith.constant 13 : i32
        %broadcast_in_dim3A_126 = vector.broadcast %broadcast_in_dim3A_125 : i32 to vector<16xi32>
        %gather3A_127 = tpu.vector_load_idx %arg7[%iota3A, %broadcast_in_dim3A_126] : memref<16x256xf32, #tpu.memory_space<vmem>>[vector<16xi32>, vector<16xi32>], vector<16xf32>,
        %swap3A_128 = arith.constant 13 : i32
        %swap3A_129 = arith.index_cast %swap3A_128 : i32 to index
        %swap3A_130 = arith.constant 0 : index
        %swap3A_131 = tpu.vector_load %arg8[%swap3A_129, %swap3A_130] {strides = array<i32>} : memref<256x16xf32, #tpu.memory_space<vmem>>, vector<16xf32>,
        tpu.vector_store %arg8[%swap3A_129, %swap3A_130], %gather3A_127 {strides = array<i32>} : memref<256x16xf32, #tpu.memory_space<vmem>>, vector<16xf32>,
        %broadcast_in_dim3A_132 = arith.constant 14 : i32
        %broadcast_in_dim3A_133 = vector.broadcast %broadcast_in_dim3A_132 : i32 to vector<16xi32>
        %gather3A_134 = tpu.vector_load_idx %arg7[%iota3A, %broadcast_in_dim3A_133] : memref<16x256xf32, #tpu.memory_space<vmem>>[vector<16xi32>, vector<16xi32>], vector<16xf32>,
        %swap3A_135 = arith.constant 14 : i32
        %swap3A_136 = arith.index_cast %swap3A_135 : i32 to index
        %swap3A_137 = arith.constant 0 : index
        %swap3A_138 = tpu.vector_load %arg8[%swap3A_136, %swap3A_137] {strides = array<i32>} : memref<256x16xf32, #tpu.memory_space<vmem>>, vector<16xf32>,
        tpu.vector_store %arg8[%swap3A_136, %swap3A_137], %gather3A_134 {strides = array<i32>} : memref<256x16xf32, #tpu.memory_space<vmem>>, vector<16xf32>,
        %broadcast_in_dim3A_139 = arith.constant 15 : i32
        %broadcast_in_dim3A_140 = vector.broadcast %broadcast_in_dim3A_139 : i32 to vector<16xi32>
        %gather3A_141 = tpu.vector_load_idx %arg7[%iota3A, %broadcast_in_dim3A_140] : memref<16x256xf32, #tpu.memory_space<vmem>>[vector<16xi32>, vector<16xi32>], vector<16xf32>,
        %swap3A_142 = arith.constant 15 : i32
        %swap3A_143 = arith.index_cast %swap3A_142 : i32 to index
        %swap3A_144 = arith.constant 0 : index
        %swap3A_145 = tpu.vector_load %arg8[%swap3A_143, %swap3A_144] {strides = array<i32>} : memref<256x16xf32, #tpu.memory_space<vmem>>, vector<16xf32>,
        tpu.vector_store %arg8[%swap3A_143, %swap3A_144], %gather3A_141 {strides = array<i32>} : memref<256x16xf32, #tpu.memory_space<vmem>>, vector<16xf32>,
        %broadcast_in_dim3A_146 = arith.constant 16 : i32
        %broadcast_in_dim3A_147 = vector.broadcast %broadcast_in_dim3A_146 : i32 to vector<16xi32>
        %gather3A_148 = tpu.vector_load_idx %arg7[%iota3A, %broadcast_in_dim3A_147] : memref<16x256xf32, #tpu.memory_space<vmem>>[vector<16xi32>, vector<16xi32>], vector<16xf32>,
        %swap3A_149 = arith.constant 16 : i32
        %swap3A_150 = arith.index_cast %swap3A_149 : i32 to index
        %swap3A_151 = arith.constant 0 : index
        %swap3A_152 = tpu.vector_load %arg8[%swap3A_150, %swap3A_151] {strides = array<i32>} : memref<256x16xf32, #tpu.memory_space<vmem>>, vector<16xf32>,
        tpu.vector_store %arg8[%swap3A_150, %swap3A_151], %gather3A_148 {strides = array<i32>} : memref<256x16xf32, #tpu.memory_space<vmem>>, vector<16xf32>,
        %broadcast_in_dim3A_153 = arith.constant 17 : i32
        %broadcast_in_dim3A_154 = vector.broadcast %broadcast_in_dim3A_153 : i32 to vector<16xi32>
        %gather3A_155 = tpu.vector_load_idx %arg7[%iota3A, %broadcast_in_dim3A_154] : memref<16x256xf32, #tpu.memory_space<vmem>>[vector<16xi32>, vector<16xi32>], vector<16xf32>,
        %swap3A_156 = arith.constant 17 : i32
        %swap3A_157 = arith.index_cast %swap3A_156 : i32 to index
        %swap3A_158 = arith.constant 0 : index
        %swap3A_159 = tpu.vector_load %arg8[%swap3A_157, %swap3A_158] {strides = array<i32>} : memref<256x16xf32, #tpu.memory_space<vmem>>, vector<16xf32>,
        tpu.vector_store %arg8[%swap3A_157, %swap3A_158], %gather3A_155 {strides = array<i32>} : memref<256x16xf32, #tpu.memory_space<vmem>>, vector<16xf32>,
        %broadcast_in_dim3A_160 = arith.constant 18 : i32
        %broadcast_in_dim3A_161 = vector.broadcast %broadcast_in_dim3A_160 : i32 to vector<16xi32>
        %gather3A_162 = tpu.vector_load_idx %arg7[%iota3A, %broadcast_in_dim3A_161] : memref<16x256xf32, #tpu.memory_space<vmem>>[vector<16xi32>, vector<16xi32>], vector<16xf32>,
        %swap3A_163 = arith.constant 18 : i32
        %swap3A_164 = arith.index_cast %swap3A_163 : i32 to index
        %swap3A_165 = arith.constant 0 : index
        %swap3A_166 = tpu.vector_load %arg8[%swap3A_164, %swap3A_165] {strides = array<i32>} : memref<256x16xf32, #tpu.memory_space<vmem>>, vector<16xf32>,
        tpu.vector_store %arg8[%swap3A_164, %swap3A_165], %gather3A_162 {strides = array<i32>} : memref<256x16xf32, #tpu.memory_space<vmem>>, vector<16xf32>,
        %broadcast_in_dim3A_167 = arith.constant 19 : i32
        %broadcast_in_dim3A_168 = vector.broadcast %broadcast_in_dim3A_167 : i32 to vector<16xi32>
        %gather3A_169 = tpu.vector_load_idx %arg7[%iota3A, %broadcast_in_dim3A_168] : memref<16x256xf32, #tpu.memory_space<vmem>>[vector<16xi32>, vector<16xi32>], vector<16xf32>,
        %swap3A_170 = arith.constant 19 : i32
        %swap3A_171 = arith.index_cast %swap3A_170 : i32 to index
        %swap3A_172 = arith.constant 0 : index
        %swap3A_173 = tpu.vector_load %arg8[%swap3A_171, %swap3A_172] {strides = array<i32>} : memref<256x16xf32, #tpu.memory_space<vmem>>, vector<16xf32>,
        tpu.vector_store %arg8[%swap3A_171, %swap3A_172], %gather3A_169 {strides = array<i32>} : memref<256x16xf32, #tpu.memory_space<vmem>>, vector<16xf32>,
        %broadcast_in_dim3A_174 = arith.constant 20 : i32
        %broadcast_in_dim3A_175 = vector.broadcast %broadcast_in_dim3A_174 : i32 to vector<16xi32>
        %gather3A_176 = tpu.vector_load_idx %arg7[%iota3A, %broadcast_in_dim3A_175] : memref<16x256xf32, #tpu.memory_space<vmem>>[vector<16xi32>, vector<16xi32>], vector<16xf32>,
        %swap3A_177 = arith.constant 20 : i32
        %swap3A_178 = arith.index_cast %swap3A_177 : i32 to index
        %swap3A_179 = arith.constant 0 : index
        %swap3A_180 = tpu.vector_load %arg8[%swap3A_178, %swap3A_179] {strides = array<i32>} : memref<256x16xf32, #tpu.memory_space<vmem>>, vector<16xf32>,
        tpu.vector_store %arg8[%swap3A_178, %swap3A_179], %gather3A_176 {strides = array<i32>} : memref<256x16xf32, #tpu.memory_space<vmem>>, vector<16xf32>,
        %broadcast_in_dim3A_181 = arith.constant 21 : i32
        %broadcast_in_dim3A_182 = vector.broadcast %broadcast_in_dim3A_181 : i32 to vector<16xi32>
        %gather3A_183 = tpu.vector_load_idx %arg7[%iota3A, %broadcast_in_dim3A_182] : memref<16x256xf32, #tpu.memory_space<vmem>>[vector<16xi32>, vector<16xi32>], vector<16xf32>,
        %swap3A_184 = arith.constant 21 : i32
        %swap3A_185 = arith.index_cast %swap3A_184 : i32 to index
        %swap3A_186 = arith.constant 0 : index
        %swap3A_187 = tpu.vector_load %arg8[%swap3A_185, %swap3A_186] {strides = array<i32>} : memref<256x16xf32, #tpu.memory_space<vmem>>, vector<16xf32>,
        tpu.vector_store %arg8[%swap3A_185, %swap3A_186], %gather3A_183 {strides = array<i32>} : memref<256x16xf32, #tpu.memory_space<vmem>>, vector<16xf32>,
        %broadcast_in_dim3A_188 = arith.constant 22 : i32
        %broadcast_in_dim3A_189 = vector.broadcast %broadcast_in_dim3A_188 : i32 to vector<16xi32>
        %gather3A_190 = tpu.vector_load_idx %arg7[%iota3A, %broadcast_in_dim3A_189] : memref<16x256xf32, #tpu.memory_space<vmem>>[vector<16xi32>, vector<16xi32>], vector<16xf32>,
        %swap3A_191 = arith.constant 22 : i32
        %swap3A_192 = arith.index_cast %swap3A_191 : i32 to index
        %swap3A_193 = arith.constant 0 : index
        %swap3A_194 = tpu.vector_load %arg8[%swap3A_192, %swap3A_193] {strides = array<i32>} : memref<256x16xf32, #tpu.memory_space<vmem>>, vector<16xf32>,
        tpu.vector_store %arg8[%swap3A_192, %swap3A_193], %gather3A_190 {strides = array<i32>} : memref<256x16xf32, #tpu.memory_space<vmem>>, vector<16xf32>,
        %broadcast_in_dim3A_195 = arith.constant 23 : i32
        %broadcast_in_dim3A_196 = vector.broadcast %broadcast_in_dim3A_195 : i32 to vector<16xi32>
        %gather3A_197 = tpu.vector_load_idx %arg7[%iota3A, %broadcast_in_dim3A_196] : memref<16x256xf32, #tpu.memory_space<vmem>>[vector<16xi32>, vector<16xi32>], vector<16xf32>,
        %swap3A_198 = arith.constant 23 : i32
        %swap3A_199 = arith.index_cast %swap3A_198 : i32 to index
        %swap3A_200 = arith.constant 0 : index
        %swap3A_201 = tpu.vector_load %arg8[%swap3A_199, %swap3A_200] {strides = array<i32>} : memref<256x16xf32, #tpu.memory_space<vmem>>, vector<16xf32>,
        tpu.vector_store %arg8[%swap3A_199, %swap3A_200], %gather3A_197 {strides = array<i32>} : memref<256x16xf32, #tpu.memory_space<vmem>>, vector<16xf32>,
        %broadcast_in_dim3A_202 = arith.constant 24 : i32
        %broadcast_in_dim3A_203 = vector.broadcast %broadcast_in_dim3A_202 : i32 to vector<16xi32>
        %gather3A_204 = tpu.vector_load_idx %arg7[%iota3A, %broadcast_in_dim3A_203] : memref<16x256xf32, #tpu.memory_space<vmem>>[vector<16xi32>, vector<16xi32>], vector<16xf32>,
        %swap3A_205 = arith.constant 24 : i32
        %swap3A_206 = arith.index_cast %swap3A_205 : i32 to index
        %swap3A_207 = arith.constant 0 : index
        %swap3A_208 = tpu.vector_load %arg8[%swap3A_206, %swap3A_207] {strides = array<i32>} : memref<256x16xf32, #tpu.memory_space<vmem>>, vector<16xf32>,
        tpu.vector_store %arg8[%swap3A_206, %swap3A_207], %gather3A_204 {strides = array<i32>} : memref<256x16xf32, #tpu.memory_space<vmem>>, vector<16xf32>,
        %broadcast_in_dim3A_209 = arith.constant 25 : i32
        %broadcast_in_dim3A_210 = vector.broadcast %broadcast_in_dim3A_209 : i32 to vector<16xi32>
        %gather3A_211 = tpu.vector_load_idx %arg7[%iota3A, %broadcast_in_dim3A_210] : memref<16x256xf32, #tpu.memory_space<vmem>>[vector<16xi32>, vector<16xi32>], vector<16xf32>,
        %swap3A_212 = arith.constant 25 : i32
        %swap3A_213 = arith.index_cast %swap3A_212 : i32 to index
        %swap3A_214 = arith.constant 0 : index
        %swap3A_215 = tpu.vector_load %arg8[%swap3A_213, %swap3A_214] {strides = array<i32>} : memref<256x16xf32, #tpu.memory_space<vmem>>, vector<16xf32>,
        tpu.vector_store %arg8[%swap3A_213, %swap3A_214], %gather3A_211 {strides = array<i32>} : memref<256x16xf32, #tpu.memory_space<vmem>>, vector<16xf32>,
        %broadcast_in_dim3A_216 = arith.constant 26 : i32
        %broadcast_in_dim3A_217 = vector.broadcast %broadcast_in_dim3A_216 : i32 to vector<16xi32>
        %gather3A_218 = tpu.vector_load_idx %arg7[%iota3A, %broadcast_in_dim3A_217] : memref<16x256xf32, #tpu.memory_space<vmem>>[vector<16xi32>, vector<16xi32>], vector<16xf32>,
        %swap3A_219 = arith.constant 26 : i32
        %swap3A_220 = arith.index_cast %swap3A_219 : i32 to index
        %swap3A_221 = arith.constant 0 : index
        %swap3A_222 = tpu.vector_load %arg8[%swap3A_220, %swap3A_221] {strides = array<i32>} : memref<256x16xf32, #tpu.memory_space<vmem>>, vector<16xf32>,
        tpu.vector_store %arg8[%swap3A_220, %swap3A_221], %gather3A_218 {strides = array<i32>} : memref<256x16xf32, #tpu.memory_space<vmem>>, vector<16xf32>,
        %broadcast_in_dim3A_223 = arith.constant 27 : i32
        %broadcast_in_dim3A_224 = vector.broadcast %broadcast_in_dim3A_223 : i32 to vector<16xi32>
        %gather3A_225 = tpu.vector_load_idx %arg7[%iota3A, %broadcast_in_dim3A_224] : memref<16x256xf32, #tpu.memory_space<vmem>>[vector<16xi32>, vector<16xi32>], vector<16xf32>,
        %swap3A_226 = arith.constant 27 : i32
        %swap3A_227 = arith.index_cast %swap3A_226 : i32 to index
        %swap3A_228 = arith.constant 0 : index
        %swap3A_229 = tpu.vector_load %arg8[%swap3A_227, %swap3A_228] {strides = array<i32>} : memref<256x16xf32, #tpu.memory_space<vmem>>, vector<16xf32>,
        tpu.vector_store %arg8[%swap3A_227, %swap3A_228], %gather3A_225 {strides = array<i32>} : memref<256x16xf32, #tpu.memory_space<vmem>>, vector<16xf32>,
        %broadcast_in_dim3A_230 = arith.constant 28 : i32
        %broadcast_in_dim3A_231 = vector.broadcast %broadcast_in_dim3A_230 : i32 to vector<16xi32>
        %gather3A_232 = tpu.vector_load_idx %arg7[%iota3A, %broadcast_in_dim3A_231] : memref<16x256xf32, #tpu.memory_space<vmem>>[vector<16xi32>, vector<16xi32>], vector<16xf32>,
        %swap3A_233 = arith.constant 28 : i32
        %swap3A_234 = arith.index_cast %swap3A_233 : i32 to index
        %swap3A_235 = arith.constant 0 : index
        %swap3A_236 = tpu.vector_load %arg8[%swap3A_234, %swap3A_235] {strides = array<i32>} : memref<256x16xf32, #tpu.memory_space<vmem>>, vector<16xf32>,
        tpu.vector_store %arg8[%swap3A_234, %swap3A_235], %gather3A_232 {strides = array<i32>} : memref<256x16xf32, #tpu.memory_space<vmem>>, vector<16xf32>,
        %broadcast_in_dim3A_237 = arith.constant 29 : i32
        %broadcast_in_dim3A_238 = vector.broadcast %broadcast_in_dim3A_237 : i32 to vector<16xi32>
        %gather3A_239 = tpu.vector_load_idx %arg7[%iota3A, %broadcast_in_dim3A_238] : memref<16x256xf32, #tpu.memory_space<vmem>>[vector<16xi32>, vector<16xi32>], vector<16xf32>,
        %swap3A_240 = arith.constant 29 : i32
        %swap3A_241 = arith.index_cast %swap3A_240 : i32 to index
        %swap3A_242 = arith.constant 0 : index
        %swap3A_243 = tpu.vector_load %arg8[%swap3A_241, %swap3A_242] {strides = array<i32>} : memref<256x16xf32, #tpu.memory_space<vmem>>, vector<16xf32>,
        tpu.vector_store %arg8[%swap3A_241, %swap3A_242], %gather3A_239 {strides = array<i32>} : memref<256x16xf32, #tpu.memory_space<vmem>>, vector<16xf32>,
        %broadcast_in_dim3A_244 = arith.constant 30 : i32
        %broadcast_in_dim3A_245 = vector.broadcast %broadcast_in_dim3A_244 : i32 to vector<16xi32>
        %gather3A_246 = tpu.vector_load_idx %arg7[%iota3A, %broadcast_in_dim3A_245] : memref<16x256xf32, #tpu.memory_space<vmem>>[vector<16xi32>, vector<16xi32>], vector<16xf32>,
        %swap3A_247 = arith.constant 30 : i32
        %swap3A_248 = arith.index_cast %swap3A_247 : i32 to index
        %swap3A_249 = arith.constant 0 : index
        %swap3A_250 = tpu.vector_load %arg8[%swap3A_248, %swap3A_249] {strides = array<i32>} : memref<256x16xf32, #tpu.memory_space<vmem>>, vector<16xf32>,
        tpu.vector_store %arg8[%swap3A_248, %swap3A_249], %gather3A_246 {strides = array<i32>} : memref<256x16xf32, #tpu.memory_space<vmem>>, vector<16xf32>,
        %broadcast_in_dim3A_251 = arith.constant 31 : i32
        %broadcast_in_dim3A_252 = vector.broadcast %broadcast_in_dim3A_251 : i32 to vector<16xi32>
        %gather3A_253 = tpu.vector_load_idx %arg7[%iota3A, %broadcast_in_dim3A_252] : memref<16x256xf32, #tpu.memory_space<vmem>>[vector<16xi32>, vector<16xi32>], vector<16xf32>,
        %swap3A_254 = arith.constant 31 : i32
        %swap3A_255 = arith.index_cast %swap3A_254 : i32 to index
        %swap3A_256 = arith.constant 0 : index
        %swap3A_257 = tpu.vector_load %arg8[%swap3A_255, %swap3A_256] {strides = array<i32>} : memref<256x16xf32, #tpu.memory_space<vmem>>, vector<16xf32>,
        tpu.vector_store %arg8[%swap3A_255, %swap3A_256], %gather3A_253 {strides = array<i32>} : memref<256x16xf32, #tpu.memory_space<vmem>>, vector<16xf32>,
        %broadcast_in_dim3A_258 = arith.constant 32 : i32
        %broadcast_in_dim3A_259 = vector.broadcast %broadcast_in_dim3A_258 : i32 to vector<16xi32>
        %gather3A_260 = tpu.vector_load_idx %arg7[%iota3A, %broadcast_in_dim3A_259] : memref<16x256xf32, #tpu.memory_space<vmem>>[vector<16xi32>, vector<16xi32>], vector<16xf32>,
        %swap3A_261 = arith.constant 32 : i32
        %swap3A_262 = arith.index_cast %swap3A_261 : i32 to index
        %swap3A_263 = arith.constant 0 : index
        %swap3A_264 = tpu.vector_load %arg8[%swap3A_262, %swap3A_263] {strides = array<i32>} : memref<256x16xf32, #tpu.memory_space<vmem>>, vector<16xf32>,
        tpu.vector_store %arg8[%swap3A_262, %swap3A_263], %gather3A_260 {strides = array<i32>} : memref<256x16xf32, #tpu.memory_space<vmem>>, vector<16xf32>,
        %broadcast_in_dim3A_265 = arith.constant 33 : i32
        %broadcast_in_dim3A_266 = vector.broadcast %broadcast_in_dim3A_265 : i32 to vector<16xi32>
        %gather3A_267 = tpu.vector_load_idx %arg7[%iota3A, %broadcast_in_dim3A_266] : memref<16x256xf32, #tpu.memory_space<vmem>>[vector<16xi32>, vector<16xi32>], vector<16xf32>,
        %swap3A_268 = arith.constant 33 : i32
        %swap3A_269 = arith.index_cast %swap3A_268 : i32 to index
        %swap3A_270 = arith.constant 0 : index
        %swap3A_271 = tpu.vector_load %arg8[%swap3A_269, %swap3A_270] {strides = array<i32>} : memref<256x16xf32, #tpu.memory_space<vmem>>, vector<16xf32>,
        tpu.vector_store %arg8[%swap3A_269, %swap3A_270], %gather3A_267 {strides = array<i32>} : memref<256x16xf32, #tpu.memory_space<vmem>>, vector<16xf32>,
        %broadcast_in_dim3A_272 = arith.constant 34 : i32
        %broadcast_in_dim3A_273 = vector.broadcast %broadcast_in_dim3A_272 : i32 to vector<16xi32>
        %gather3A_274 = tpu.vector_load_idx %arg7[%iota3A, %broadcast_in_dim3A_273] : memref<16x256xf32, #tpu.memory_space<vmem>>[vector<16xi32>, vector<16xi32>], vector<16xf32>,
        %swap3A_275 = arith.constant 34 : i32
        %swap3A_276 = arith.index_cast %swap3A_275 : i32 to index
        %swap3A_277 = arith.constant 0 : index
        %swap3A_278 = tpu.vector_load %arg8[%swap3A_276, %swap3A_277] {strides = array<i32>} : memref<256x16xf32, #tpu.memory_space<vmem>>, vector<16xf32>,
        tpu.vector_store %arg8[%swap3A_276, %swap3A_277], %gather3A_274 {strides = array<i32>} : memref<256x16xf32, #tpu.memory_space<vmem>>, vector<16xf32>,
        %broadcast_in_dim3A_279 = arith.constant 35 : i32
        %broadcast_in_dim3A_280 = vector.broadcast %broadcast_in_dim3A_279 : i32 to vector<16xi32>
        %gather3A_281 = tpu.vector_load_idx %arg7[%iota3A, %broadcast_in_dim3A_280] : memref<16x256xf32, #tpu.memory_space<vmem>>[vector<16xi32>, vector<16xi32>], vector<16xf32>,
        %swap3A_282 = arith.constant 35 : i32
        %swap3A_283 = arith.index_cast %swap3A_282 : i32 to index
        %swap3A_284 = arith.constant 0 : index
        %swap3A_285 = tpu.vector_load %arg8[%swap3A_283, %swap3A_284] {strides = array<i32>} : memref<256x16xf32, #tpu.memory_space<vmem>>, vector<16xf32>,
        tpu.vector_store %arg8[%swap3A_283, %swap3A_284], %gather3A_281 {strides = array<i32>} : memref<256x16xf32, #tpu.memory_space<vmem>>, vector<16xf32>,
        %broadcast_in_dim3A_286 = arith.constant 36 : i32
        %broadcast_in_dim3A_287 = vector.broadcast %broadcast_in_dim3A_286 : i32 to vector<16xi32>
        %gather3A_288 = tpu.vector_load_idx %arg7[%iota3A, %broadcast_in_dim3A_287] : memref<16x256xf32, #tpu.memory_space<vmem>>[vector<16xi32>, vector<16xi32>], vector<16xf32>,
        %swap3A_289 = arith.constant 36 : i32
        %swap3A_290 = arith.index_cast %swap3A_289 : i32 to index
        %swap3A_291 = arith.constant 0 : index
        %swap3A_292 = tpu.vector_load %arg8[%swap3A_290, %swap3A_291] {strides = array<i32>} : memref<256x16xf32, #tpu.memory_space<vmem>>, vector<16xf32>,
        tpu.vector_store %arg8[%swap3A_290, %swap3A_291], %gather3A_288 {strides = array<i32>} : memref<256x16xf32, #tpu.memory_space<vmem>>, vector<16xf32>,
        %broadcast_in_dim3A_293 = arith.constant 37 : i32
        %broadcast_in_dim3A_294 = vector.broadcast %broadcast_in_dim3A_293 : i32 to vector<16xi32>
        %gather3A_295 = tpu.vector_load_idx %arg7[%iota3A, %broadcast_in_dim3A_294] : memref<16x256xf32, #tpu.memory_space<vmem>>[vector<16xi32>, vector<16xi32>], vector<16xf32>,
        %swap3A_296 = arith.constant 37 : i32
        %swap3A_297 = arith.index_cast %swap3A_296 : i32 to index
        %swap3A_298 = arith.constant 0 : index
        %swap3A_299 = tpu.vector_load %arg8[%swap3A_297, %swap3A_298] {strides = array<i32>} : memref<256x16xf32, #tpu.memory_space<vmem>>, vector<16xf32>,
        tpu.vector_store %arg8[%swap3A_297, %swap3A_298], %gather3A_295 {strides = array<i32>} : memref<256x16xf32, #tpu.memory_space<vmem>>, vector<16xf32>,
        %broadcast_in_dim3A_300 = arith.constant 38 : i32
        %broadcast_in_dim3A_301 = vector.broadcast %broadcast_in_dim3A_300 : i32 to vector<16xi32>
        %gather3A_302 = tpu.vector_load_idx %arg7[%iota3A, %broadcast_in_dim3A_301] : memref<16x256xf32, #tpu.memory_space<vmem>>[vector<16xi32>, vector<16xi32>], vector<16xf32>,
        %swap3A_303 = arith.constant 38 : i32
        %swap3A_304 = arith.index_cast %swap3A_303 : i32 to index
        %swap3A_305 = arith.constant 0 : index
        %swap3A_306 = tpu.vector_load %arg8[%swap3A_304, %swap3A_305] {strides = array<i32>} : memref<256x16xf32, #tpu.memory_space<vmem>>, vector<16xf32>,
        tpu.vector_store %arg8[%swap3A_304, %swap3A_305], %gather3A_302 {strides = array<i32>} : memref<256x16xf32, #tpu.memory_space<vmem>>, vector<16xf32>,
        %broadcast_in_dim3A_307 = arith.constant 39 : i32
        %broadcast_in_dim3A_308 = vector.broadcast %broadcast_in_dim3A_307 : i32 to vector<16xi32>
        %gather3A_309 = tpu.vector_load_idx %arg7[%iota3A, %broadcast_in_dim3A_308] : memref<16x256xf32, #tpu.memory_space<vmem>>[vector<16xi32>, vector<16xi32>], vector<16xf32>,
        %swap3A_310 = arith.constant 39 : i32
        %swap3A_311 = arith.index_cast %swap3A_310 : i32 to index
        %swap3A_312 = arith.constant 0 : index
        %swap3A_313 = tpu.vector_load %arg8[%swap3A_311, %swap3A_312] {strides = array<i32>} : memref<256x16xf32, #tpu.memory_space<vmem>>, vector<16xf32>,
        tpu.vector_store %arg8[%swap3A_311, %swap3A_312], %gather3A_309 {strides = array<i32>} : memref<256x16xf32, #tpu.memory_space<vmem>>, vector<16xf32>,
        %broadcast_in_dim3A_314 = arith.constant 40 : i32
        %broadcast_in_dim3A_315 = vector.broadcast %broadcast_in_dim3A_314 : i32 to vector<16xi32>
        %gather3A_316 = tpu.vector_load_idx %arg7[%iota3A, %broadcast_in_dim3A_315] : memref<16x256xf32, #tpu.memory_space<vmem>>[vector<16xi32>, vector<16xi32>], vector<16xf32>,
        %swap3A_317 = arith.constant 40 : i32
        %swap3A_318 = arith.index_cast %swap3A_317 : i32 to index
        %swap3A_319 = arith.constant 0 : index
        %swap3A_320 = tpu.vector_load %arg8[%swap3A_318, %swap3A_319] {strides = array<i32>} : memref<256x16xf32, #tpu.memory_space<vmem>>, vector<16xf32>,
        tpu.vector_store %arg8[%swap3A_318, %swap3A_319], %gather3A_316 {strides = array<i32>} : memref<256x16xf32, #tpu.memory_space<vmem>>, vector<16xf32>,
        %broadcast_in_dim3A_321 = arith.constant 41 : i32
        %broadcast_in_dim3A_322 = vector.broadcast %broadcast_in_dim3A_321 : i32 to vector<16xi32>
        %gather3A_323 = tpu.vector_load_idx %arg7[%iota3A, %broadcast_in_dim3A_322] : memref<16x256xf32, #tpu.memory_space<vmem>>[vector<16xi32>, vector<16xi32>], vector<16xf32>,
        %swap3A_324 = arith.constant 41 : i32
        %swap3A_325 = arith.index_cast %swap3A_324 : i32 to index
        %swap3A_326 = arith.constant 0 : index
        %swap3A_327 = tpu.vector_load %arg8[%swap3A_325, %swap3A_326] {strides = array<i32>} : memref<256x16xf32, #tpu.memory_space<vmem>>, vector<16xf32>,
        tpu.vector_store %arg8[%swap3A_325, %swap3A_326], %gather3A_323 {strides = array<i32>} : memref<256x16xf32, #tpu.memory_space<vmem>>, vector<16xf32>,
        %broadcast_in_dim3A_328 = arith.constant 42 : i32
        %broadcast_in_dim3A_329 = vector.broadcast %broadcast_in_dim3A_328 : i32 to vector<16xi32>
        %gather3A_330 = tpu.vector_load_idx %arg7[%iota3A, %broadcast_in_dim3A_329] : memref<16x256xf32, #tpu.memory_space<vmem>>[vector<16xi32>, vector<16xi32>], vector<16xf32>,
        %swap3A_331 = arith.constant 42 : i32
        %swap3A_332 = arith.index_cast %swap3A_331 : i32 to index
        %swap3A_333 = arith.constant 0 : index
        %swap3A_334 = tpu.vector_load %arg8[%swap3A_332, %swap3A_333] {strides = array<i32>} : memref<256x16xf32, #tpu.memory_space<vmem>>, vector<16xf32>,
        tpu.vector_store %arg8[%swap3A_332, %swap3A_333], %gather3A_330 {strides = array<i32>} : memref<256x16xf32, #tpu.memory_space<vmem>>, vector<16xf32>,
        %broadcast_in_dim3A_335 = arith.constant 43 : i32
        %broadcast_in_dim3A_336 = vector.broadcast %broadcast_in_dim3A_335 : i32 to vector<16xi32>
        %gather3A_337 = tpu.vector_load_idx %arg7[%iota3A, %broadcast_in_dim3A_336] : memref<16x256xf32, #tpu.memory_space<vmem>>[vector<16xi32>, vector<16xi32>], vector<16xf32>,
        %swap3A_338 = arith.constant 43 : i32
        %swap3A_339 = arith.index_cast %swap3A_338 : i32 to index
        %swap3A_340 = arith.constant 0 : index
        %swap3A_341 = tpu.vector_load %arg8[%swap3A_339, %swap3A_340] {strides = array<i32>} : memref<256x16xf32, #tpu.memory_space<vmem>>, vector<16xf32>,
        tpu.vector_store %arg8[%swap3A_339, %swap3A_340], %gather3A_337 {strides = array<i32>} : memref<256x16xf32, #tpu.memory_space<vmem>>, vector<16xf32>,
        %broadcast_in_dim3A_342 = arith.constant 44 : i32
        %broadcast_in_dim3A_343 = vector.broadcast %broadcast_in_dim3A_342 : i32 to vector<16xi32>
        %gather3A_344 = tpu.vector_load_idx %arg7[%iota3A, %broadcast_in_dim3A_343] : memref<16x256xf32, #tpu.memory_space<vmem>>[vector<16xi32>, vector<16xi32>], vector<16xf32>,
        %swap3A_345 = arith.constant 44 : i32
        %swap3A_346 = arith.index_cast %swap3A_345 : i32 to index
        %swap3A_347 = arith.constant 0 : index
        %swap3A_348 = tpu.vector_load %arg8[%swap3A_346, %swap3A_347] {strides = array<i32>} : memref<256x16xf32, #tpu.memory_space<vmem>>, vector<16xf32>,
        tpu.vector_store %arg8[%swap3A_346, %swap3A_347], %gather3A_344 {strides = array<i32>} : memref<256x16xf32, #tpu.memory_space<vmem>>, vector<16xf32>,
        %broadcast_in_dim3A_349 = arith.constant 45 : i32
        %broadcast_in_dim3A_350 = vector.broadcast %broadcast_in_dim3A_349 : i32 to vector<16xi32>
        %gather3A_351 = tpu.vector_load_idx %arg7[%iota3A, %broadcast_in_dim3A_350] : memref<16x256xf32, #tpu.memory_space<vmem>>[vector<16xi32>, vector<16xi32>], vector<16xf32>,
        %swap3A_352 = arith.constant 45 : i32
        %swap3A_353 = arith.index_cast %swap3A_352 : i32 to index
        %swap3A_354 = arith.constant 0 : index
        %swap3A_355 = tpu.vector_load %arg8[%swap3A_353, %swap3A_354] {strides = array<i32>} : memref<256x16xf32, #tpu.memory_space<vmem>>, vector<16xf32>,
        tpu.vector_store %arg8[%swap3A_353, %swap3A_354], %gather3A_351 {strides = array<i32>} : memref<256x16xf32, #tpu.memory_space<vmem>>, vector<16xf32>,
        %broadcast_in_dim3A_356 = arith.constant 46 : i32
        %broadcast_in_dim3A_357 = vector.broadcast %broadcast_in_dim3A_356 : i32 to vector<16xi32>
        %gather3A_358 = tpu.vector_load_idx %arg7[%iota3A, %broadcast_in_dim3A_357] : memref<16x256xf32, #tpu.memory_space<vmem>>[vector<16xi32>, vector<16xi32>], vector<16xf32>,
        %swap3A_359 = arith.constant 46 : i32
        %swap3A_360 = arith.index_cast %swap3A_359 : i32 to index
        %swap3A_361 = arith.constant 0 : index
        %swap3A_362 = tpu.vector_load %arg8[%swap3A_360, %swap3A_361] {strides = array<i32>} : memref<256x16xf32, #tpu.memory_space<vmem>>, vector<16xf32>,
        tpu.vector_store %arg8[%swap3A_360, %swap3A_361], %gather3A_358 {strides = array<i32>} : memref<256x16xf32, #tpu.memory_space<vmem>>, vector<16xf32>,
        %broadcast_in_dim3A_363 = arith.constant 47 : i32
        %broadcast_in_dim3A_364 = vector.broadcast %broadcast_in_dim3A_363 : i32 to vector<16xi32>
        %gather3A_365 = tpu.vector_load_idx %arg7[%iota3A, %broadcast_in_dim3A_364] : memref<16x256xf32, #tpu.memory_space<vmem>>[vector<16xi32>, vector<16xi32>], vector<16xf32>,
        %swap3A_366 = arith.constant 47 : i32
        %swap3A_367 = arith.index_cast %swap3A_366 : i32 to index
        %swap3A_368 = arith.constant 0 : index
        %swap3A_369 = tpu.vector_load %arg8[%swap3A_367, %swap3A_368] {strides = array<i32>} : memref<256x16xf32, #tpu.memory_space<vmem>>, vector<16xf32>,
        tpu.vector_store %arg8[%swap3A_367, %swap3A_368], %gather3A_365 {strides = array<i32>} : memref<256x16xf32, #tpu.memory_space<vmem>>, vector<16xf32>,
        %broadcast_in_dim3A_370 = arith.constant 48 : i32
        %broadcast_in_dim3A_371 = vector.broadcast %broadcast_in_dim3A_370 : i32 to vector<16xi32>
        %gather3A_372 = tpu.vector_load_idx %arg7[%iota3A, %broadcast_in_dim3A_371] : memref<16x256xf32, #tpu.memory_space<vmem>>[vector<16xi32>, vector<16xi32>], vector<16xf32>,
        %swap3A_373 = arith.constant 48 : i32
        %swap3A_374 = arith.index_cast %swap3A_373 : i32 to index
        %swap3A_375 = arith.constant 0 : index
        %swap3A_376 = tpu.vector_load %arg8[%swap3A_374, %swap3A_375] {strides = array<i32>} : memref<256x16xf32, #tpu.memory_space<vmem>>, vector<16xf32>,
        tpu.vector_store %arg8[%swap3A_374, %swap3A_375], %gather3A_372 {strides = array<i32>} : memref<256x16xf32, #tpu.memory_space<vmem>>, vector<16xf32>,
        %broadcast_in_dim3A_377 = arith.constant 49 : i32
        %broadcast_in_dim3A_378 = vector.broadcast %broadcast_in_dim3A_377 : i32 to vector<16xi32>
        %gather3A_379 = tpu.vector_load_idx %arg7[%iota3A, %broadcast_in_dim3A_378] : memref<16x256xf32, #tpu.memory_space<vmem>>[vector<16xi32>, vector<16xi32>], vector<16xf32>,
        %swap3A_380 = arith.constant 49 : i32
        %swap3A_381 = arith.index_cast %swap3A_380 : i32 to index
        %swap3A_382 = arith.constant 0 : index
        %swap3A_383 = tpu.vector_load %arg8[%swap3A_381, %swap3A_382] {strides = array<i32>} : memref<256x16xf32, #tpu.memory_space<vmem>>, vector<16xf32>,
        tpu.vector_store %arg8[%swap3A_381, %swap3A_382], %gather3A_379 {strides = array<i32>} : memref<256x16xf32, #tpu.memory_space<vmem>>, vector<16xf32>,
        %broadcast_in_dim3A_384 = arith.constant 50 : i32
        %broadcast_in_dim3A_385 = vector.broadcast %broadcast_in_dim3A_384 : i32 to vector<16xi32>
        %gather3A_386 = tpu.vector_load_idx %arg7[%iota3A, %broadcast_in_dim3A_385] : memref<16x256xf32, #tpu.memory_space<vmem>>[vector<16xi32>, vector<16xi32>], vector<16xf32>,
        %swap3A_387 = arith.constant 50 : i32
        %swap3A_388 = arith.index_cast %swap3A_387 : i32 to index
        %swap3A_389 = arith.constant 0 : index
        %swap3A_390 = tpu.vector_load %arg8[%swap3A_388, %swap3A_389] {strides = array<i32>} : memref<256x16xf32, #tpu.memory_space<vmem>>, vector<16xf32>,
        tpu.vector_store %arg8[%swap3A_388, %swap3A_389], %gather3A_386 {strides = array<i32>} : memref<256x16xf32, #tpu.memory_space<vmem>>, vector<16xf32>,
        %broadcast_in_dim3A_391 = arith.constant 51 : i32
        %broadcast_in_dim3A_392 = vector.broadcast %broadcast_in_dim3A_391 : i32 to vector<16xi32>
        %gather3A_393 = tpu.vector_load_idx %arg7[%iota3A, %broadcast_in_dim3A_392] : memref<16x256xf32, #tpu.memory_space<vmem>>[vector<16xi32>, vector<16xi32>], vector<16xf32>,
        %swap3A_394 = arith.constant 51 : i32
        %swap3A_395 = arith.index_cast %swap3A_394 : i32 to index
        %swap3A_396 = arith.constant 0 : index
        %swap3A_397 = tpu.vector_load %arg8[%swap3A_395, %swap3A_396] {strides = array<i32>} : memref<256x16xf32, #tpu.memory_space<vmem>>, vector<16xf32>,
        tpu.vector_store %arg8[%swap3A_395, %swap3A_396], %gather3A_393 {strides = array<i32>} : memref<256x16xf32, #tpu.memory_space<vmem>>, vector<16xf32>,
        %broadcast_in_dim3A_398 = arith.constant 52 : i32
        %broadcast_in_dim3A_399 = vector.broadcast %broadcast_in_dim3A_398 : i32 to vector<16xi32>
        %gather3A_400 = tpu.vector_load_idx %arg7[%iota3A, %broadcast_in_dim3A_399] : memref<16x256xf32, #tpu.memory_space<vmem>>[vector<16xi32>, vector<16xi32>], vector<16xf32>,
        %swap3A_401 = arith.constant 52 : i32
        %swap3A_402 = arith.index_cast %swap3A_401 : i32 to index
        %swap3A_403 = arith.constant 0 : index
        %swap3A_404 = tpu.vector_load %arg8[%swap3A_402, %swap3A_403] {strides = array<i32>} : memref<256x16xf32, #tpu.memory_space<vmem>>, vector<16xf32>,
        tpu.vector_store %arg8[%swap3A_402, %swap3A_403], %gather3A_400 {strides = array<i32>} : memref<256x16xf32, #tpu.memory_space<vmem>>, vector<16xf32>,
        %broadcast_in_dim3A_405 = arith.constant 53 : i32
        %broadcast_in_dim3A_406 = vector.broadcast %broadcast_in_dim3A_405 : i32 to vector<16xi32>
        %gather3A_407 = tpu.vector_load_idx %arg7[%iota3A, %broadcast_in_dim3A_406] : memref<16x256xf32, #tpu.memory_space<vmem>>[vector<16xi32>, vector<16xi32>], vector<16xf32>,
        %swap3A_408 = arith.constant 53 : i32
        %swap3A_409 = arith.index_cast %swap3A_408 : i32 to index
        %swap3A_410 = arith.constant 0 : index
        %swap3A_411 = tpu.vector_load %arg8[%swap3A_409, %swap3A_410] {strides = array<i32>} : memref<256x16xf32, #tpu.memory_space<vmem>>, vector<16xf32>,
        tpu.vector_store %arg8[%swap3A_409, %swap3A_410], %gather3A_407 {strides = array<i32>} : memref<256x16xf32, #tpu.memory_space<vmem>>, vector<16xf32>,
        %broadcast_in_dim3A_412 = arith.constant 54 : i32
        %broadcast_in_dim3A_413 = vector.broadcast %broadcast_in_dim3A_412 : i32 to vector<16xi32>
        %gather3A_414 = tpu.vector_load_idx %arg7[%iota3A, %broadcast_in_dim3A_413] : memref<16x256xf32, #tpu.memory_space<vmem>>[vector<16xi32>, vector<16xi32>], vector<16xf32>,
        %swap3A_415 = arith.constant 54 : i32
        %swap3A_416 = arith.index_cast %swap3A_415 : i32 to index
        %swap3A_417 = arith.constant 0 : index
        %swap3A_418 = tpu.vector_load %arg8[%swap3A_416, %swap3A_417] {strides = array<i32>} : memref<256x16xf32, #tpu.memory_space<vmem>>, vector<16xf32>,
        tpu.vector_store %arg8[%swap3A_416, %swap3A_417], %gather3A_414 {strides = array<i32>} : memref<256x16xf32, #tpu.memory_space<vmem>>, vector<16xf32>,
        %broadcast_in_dim3A_419 = arith.constant 55 : i32
        %broadcast_in_dim3A_420 = vector.broadcast %broadcast_in_dim3A_419 : i32 to vector<16xi32>
        %gather3A_421 = tpu.vector_load_idx %arg7[%iota3A, %broadcast_in_dim3A_420] : memref<16x256xf32, #tpu.memory_space<vmem>>[vector<16xi32>, vector<16xi32>], vector<16xf32>,
        %swap3A_422 = arith.constant 55 : i32
        %swap3A_423 = arith.index_cast %swap3A_422 : i32 to index
        %swap3A_424 = arith.constant 0 : index
        %swap3A_425 = tpu.vector_load %arg8[%swap3A_423, %swap3A_424] {strides = array<i32>} : memref<256x16xf32, #tpu.memory_space<vmem>>, vector<16xf32>,
        tpu.vector_store %arg8[%swap3A_423, %swap3A_424], %gather3A_421 {strides = array<i32>} : memref<256x16xf32, #tpu.memory_space<vmem>>, vector<16xf32>,
        %broadcast_in_dim3A_426 = arith.constant 56 : i32
        %broadcast_in_dim3A_427 = vector.broadcast %broadcast_in_dim3A_426 : i32 to vector<16xi32>
        %gather3A_428 = tpu.vector_load_idx %arg7[%iota3A, %broadcast_in_dim3A_427] : memref<16x256xf32, #tpu.memory_space<vmem>>[vector<16xi32>, vector<16xi32>], vector<16xf32>,
        %swap3A_429 = arith.constant 56 : i32
        %swap3A_430 = arith.index_cast %swap3A_429 : i32 to index
        %swap3A_431 = arith.constant 0 : index
        %swap3A_432 = tpu.vector_load %arg8[%swap3A_430, %swap3A_431] {strides = array<i32>} : memref<256x16xf32, #tpu.memory_space<vmem>>, vector<16xf32>,
        tpu.vector_store %arg8[%swap3A_430, %swap3A_431], %gather3A_428 {strides = array<i32>} : memref<256x16xf32, #tpu.memory_space<vmem>>, vector<16xf32>,
        %broadcast_in_dim3A_433 = arith.constant 57 : i32
        %broadcast_in_dim3A_434 = vector.broadcast %broadcast_in_dim3A_433 : i32 to vector<16xi32>
        %gather3A_435 = tpu.vector_load_idx %arg7[%iota3A, %broadcast_in_dim3A_434] : memref<16x256xf32, #tpu.memory_space<vmem>>[vector<16xi32>, vector<16xi32>], vector<16xf32>,
        %swap3A_436 = arith.constant 57 : i32
        %swap3A_437 = arith.index_cast %swap3A_436 : i32 to index
        %swap3A_438 = arith.constant 0 : index
        %swap3A_439 = tpu.vector_load %arg8[%swap3A_437, %swap3A_438] {strides = array<i32>} : memref<256x16xf32, #tpu.memory_space<vmem>>, vector<16xf32>,
        tpu.vector_store %arg8[%swap3A_437, %swap3A_438], %gather3A_435 {strides = array<i32>} : memref<256x16xf32, #tpu.memory_space<vmem>>, vector<16xf32>,
        %broadcast_in_dim3A_440 = arith.constant 58 : i32
        %broadcast_in_dim3A_441 = vector.broadcast %broadcast_in_dim3A_440 : i32 to vector<16xi32>
        %gather3A_442 = tpu.vector_load_idx %arg7[%iota3A, %broadcast_in_dim3A_441] : memref<16x256xf32, #tpu.memory_space<vmem>>[vector<16xi32>, vector<16xi32>], vector<16xf32>,
        %swap3A_443 = arith.constant 58 : i32
        %swap3A_444 = arith.index_cast %swap3A_443 : i32 to index
        %swap3A_445 = arith.constant 0 : index
        %swap3A_446 = tpu.vector_load %arg8[%swap3A_444, %swap3A_445] {strides = array<i32>} : memref<256x16xf32, #tpu.memory_space<vmem>>, vector<16xf32>,
        tpu.vector_store %arg8[%swap3A_444, %swap3A_445], %gather3A_442 {strides = array<i32>} : memref<256x16xf32, #tpu.memory_space<vmem>>, vector<16xf32>,
        %broadcast_in_dim3A_447 = arith.constant 59 : i32
        %broadcast_in_dim3A_448 = vector.broadcast %broadcast_in_dim3A_447 : i32 to vector<16xi32>
        %gather3A_449 = tpu.vector_load_idx %arg7[%iota3A, %broadcast_in_dim3A_448] : memref<16x256xf32, #tpu.memory_space<vmem>>[vector<16xi32>, vector<16xi32>], vector<16xf32>,
        %swap3A_450 = arith.constant 59 : i32
        %swap3A_451 = arith.index_cast %swap3A_450 : i32 to index
        %swap3A_452 = arith.constant 0 : index
        %swap3A_453 = tpu.vector_load %arg8[%swap3A_451, %swap3A_452] {strides = array<i32>} : memref<256x16xf32, #tpu.memory_space<vmem>>, vector<16xf32>,
        tpu.vector_store %arg8[%swap3A_451, %swap3A_452], %gather3A_449 {strides = array<i32>} : memref<256x16xf32, #tpu.memory_space<vmem>>, vector<16xf32>,
        %broadcast_in_dim3A_454 = arith.constant 60 : i32
        %broadcast_in_dim3A_455 = vector.broadcast %broadcast_in_dim3A_454 : i32 to vector<16xi32>
        %gather3A_456 = tpu.vector_load_idx %arg7[%iota3A, %broadcast_in_dim3A_455] : memref<16x256xf32, #tpu.memory_space<vmem>>[vector<16xi32>, vector<16xi32>], vector<16xf32>,
        %swap3A_457 = arith.constant 60 : i32
        %swap3A_458 = arith.index_cast %swap3A_457 : i32 to index
        %swap3A_459 = arith.constant 0 : index
        %swap3A_460 = tpu.vector_load %arg8[%swap3A_458, %swap3A_459] {strides = array<i32>} : memref<256x16xf32, #tpu.memory_space<vmem>>, vector<16xf32>,
        tpu.vector_store %arg8[%swap3A_458, %swap3A_459], %gather3A_456 {strides = array<i32>} : memref<256x16xf32, #tpu.memory_space<vmem>>, vector<16xf32>,
        %broadcast_in_dim3A_461 = arith.constant 61 : i32
        %broadcast_in_dim3A_462 = vector.broadcast %broadcast_in_dim3A_461 : i32 to vector<16xi32>
        %gather3A_463 = tpu.vector_load_idx %arg7[%iota3A, %broadcast_in_dim3A_462] : memref<16x256xf32, #tpu.memory_space<vmem>>[vector<16xi32>, vector<16xi32>], vector<16xf32>,
        %swap3A_464 = arith.constant 61 : i32
        %swap3A_465 = arith.index_cast %swap3A_464 : i32 to index
        %swap3A_466 = arith.constant 0 : index
        %swap3A_467 = tpu.vector_load %arg8[%swap3A_465, %swap3A_466] {strides = array<i32>} : memref<256x16xf32, #tpu.memory_space<vmem>>, vector<16xf32>,
        tpu.vector_store %arg8[%swap3A_465, %swap3A_466], %gather3A_463 {strides = array<i32>} : memref<256x16xf32, #tpu.memory_space<vmem>>, vector<16xf32>,
        %broadcast_in_dim3A_468 = arith.constant 62 : i32
        %broadcast_in_dim3A_469 = vector.broadcast %broadcast_in_dim3A_468 : i32 to vector<16xi32>
        %gather3A_470 = tpu.vector_load_idx %arg7[%iota3A, %broadcast_in_dim3A_469] : memref<16x256xf32, #tpu.memory_space<vmem>>[vector<16xi32>, vector<16xi32>], vector<16xf32>,
        %swap3A_471 = arith.constant 62 : i32
        %swap3A_472 = arith.index_cast %swap3A_471 : i32 to index
        %swap3A_473 = arith.constant 0 : index
        %swap3A_474 = tpu.vector_load %arg8[%swap3A_472, %swap3A_473] {strides = array<i32>} : memref<256x16xf32, #tpu.memory_space<vmem>>, vector<16xf32>,
        tpu.vector_store %arg8[%swap3A_472, %swap3A_473], %gather3A_470 {strides = array<i32>} : memref<256x16xf32, #tpu.memory_space<vmem>>, vector<16xf32>,
        %broadcast_in_dim3A_475 = arith.constant 63 : i32
        %broadcast_in_dim3A_476 = vector.broadcast %broadcast_in_dim3A_475 : i32 to vector<16xi32>
        %gather3A_477 = tpu.vector_load_idx %arg7[%iota3A, %broadcast_in_dim3A_476] : memref<16x256xf32, #tpu.memory_space<vmem>>[vector<16xi32>, vector<16xi32>], vector<16xf32>,
        %swap3A_478 = arith.constant 63 : i32
        %swap3A_479 = arith.index_cast %swap3A_478 : i32 to index
        %swap3A_480 = arith.constant 0 : index
        %swap3A_481 = tpu.vector_load %arg8[%swap3A_479, %swap3A_480] {strides = array<i32>} : memref<256x16xf32, #tpu.memory_space<vmem>>, vector<16xf32>,
        tpu.vector_store %arg8[%swap3A_479, %swap3A_480], %gather3A_477 {strides = array<i32>} : memref<256x16xf32, #tpu.memory_space<vmem>>, vector<16xf32>,
        %broadcast_in_dim3A_482 = arith.constant 64 : i32
        %broadcast_in_dim3A_483 = vector.broadcast %broadcast_in_dim3A_482 : i32 to vector<16xi32>
        %gather3A_484 = tpu.vector_load_idx %arg7[%iota3A, %broadcast_in_dim3A_483] : memref<16x256xf32, #tpu.memory_space<vmem>>[vector<16xi32>, vector<16xi32>], vector<16xf32>,
        %swap3A_485 = arith.constant 64 : i32
        %swap3A_486 = arith.index_cast %swap3A_485 : i32 to index
        %swap3A_487 = arith.constant 0 : index
        %swap3A_488 = tpu.vector_load %arg8[%swap3A_486, %swap3A_487] {strides = array<i32>} : memref<256x16xf32, #tpu.memory_space<vmem>>, vector<16xf32>,
        tpu.vector_store %arg8[%swap3A_486, %swap3A_487], %gather3A_484 {strides = array<i32>} : memref<256x16xf32, #tpu.memory_space<vmem>>, vector<16xf32>,
        %broadcast_in_dim3A_489 = arith.constant 65 : i32
        %broadcast_in_dim3A_490 = vector.broadcast %broadcast_in_dim3A_489 : i32 to vector<16xi32>
        %gather3A_491 = tpu.vector_load_idx %arg7[%iota3A, %broadcast_in_dim3A_490] : memref<16x256xf32, #tpu.memory_space<vmem>>[vector<16xi32>, vector<16xi32>], vector<16xf32>,
        %swap3A_492 = arith.constant 65 : i32
        %swap3A_493 = arith.index_cast %swap3A_492 : i32 to index
        %swap3A_494 = arith.constant 0 : index
        %swap3A_495 = tpu.vector_load %arg8[%swap3A_493, %swap3A_494] {strides = array<i32>} : memref<256x16xf32, #tpu.memory_space<vmem>>, vector<16xf32>,
        tpu.vector_store %arg8[%swap3A_493, %swap3A_494], %gather3A_491 {strides = array<i32>} : memref<256x16xf32, #tpu.memory_space<vmem>>, vector<16xf32>,
        %broadcast_in_dim3A_496 = arith.constant 66 : i32
        %broadcast_in_dim3A_497 = vector.broadcast %broadcast_in_dim3A_496 : i32 to vector<16xi32>
        %gather3A_498 = tpu.vector_load_idx %arg7[%iota3A, %broadcast_in_dim3A_497] : memref<16x256xf32, #tpu.memory_space<vmem>>[vector<16xi32>, vector<16xi32>], vector<16xf32>,
        %swap3A_499 = arith.constant 66 : i32
        %swap3A_500 = arith.index_cast %swap3A_499 : i32 to index
        %swap3A_501 = arith.constant 0 : index
        %swap3A_502 = tpu.vector_load %arg8[%swap3A_500, %swap3A_501] {strides = array<i32>} : memref<256x16xf32, #tpu.memory_space<vmem>>, vector<16xf32>,
        tpu.vector_store %arg8[%swap3A_500, %swap3A_501], %gather3A_498 {strides = array<i32>} : memref<256x16xf32, #tpu.memory_space<vmem>>, vector<16xf32>,
        %broadcast_in_dim3A_503 = arith.constant 67 : i32
        %broadcast_in_dim3A_504 = vector.broadcast %broadcast_in_dim3A_503 : i32 to vector<16xi32>
        %gather3A_505 = tpu.vector_load_idx %arg7[%iota3A, %broadcast_in_dim3A_504] : memref<16x256xf32, #tpu.memory_space<vmem>>[vector<16xi32>, vector<16xi32>], vector<16xf32>,
        %swap3A_506 = arith.constant 67 : i32
        %swap3A_507 = arith.index_cast %swap3A_506 : i32 to index
        %swap3A_508 = arith.constant 0 : index
        %swap3A_509 = tpu.vector_load %arg8[%swap3A_507, %swap3A_508] {strides = array<i32>} : memref<256x16xf32, #tpu.memory_space<vmem>>, vector<16xf32>,
        tpu.vector_store %arg8[%swap3A_507, %swap3A_508], %gather3A_505 {strides = array<i32>} : memref<256x16xf32, #tpu.memory_space<vmem>>, vector<16xf32>,
        %broadcast_in_dim3A_510 = arith.constant 68 : i32
        %broadcast_in_dim3A_511 = vector.broadcast %broadcast_in_dim3A_510 : i32 to vector<16xi32>
        %gather3A_512 = tpu.vector_load_idx %arg7[%iota3A, %broadcast_in_dim3A_511] : memref<16x256xf32, #tpu.memory_space<vmem>>[vector<16xi32>, vector<16xi32>], vector<16xf32>,
        %swap3A_513 = arith.constant 68 : i32
        %swap3A_514 = arith.index_cast %swap3A_513 : i32 to index
        %swap3A_515 = arith.constant 0 : index
        %swap3A_516 = tpu.vector_load %arg8[%swap3A_514, %swap3A_515] {strides = array<i32>} : memref<256x16xf32, #tpu.memory_space<vmem>>, vector<16xf32>,
        tpu.vector_store %arg8[%swap3A_514, %swap3A_515], %gather3A_512 {strides = array<i32>} : memref<256x16xf32, #tpu.memory_space<vmem>>, vector<16xf32>,
        %broadcast_in_dim3A_517 = arith.constant 69 : i32
        %broadcast_in_dim3A_518 = vector.broadcast %broadcast_in_dim3A_517 : i32 to vector<16xi32>
        %gather3A_519 = tpu.vector_load_idx %arg7[%iota3A, %broadcast_in_dim3A_518] : memref<16x256xf32, #tpu.memory_space<vmem>>[vector<16xi32>, vector<16xi32>], vector<16xf32>,
        %swap3A_520 = arith.constant 69 : i32
        %swap3A_521 = arith.index_cast %swap3A_520 : i32 to index
        %swap3A_522 = arith.constant 0 : index
        %swap3A_523 = tpu.vector_load %arg8[%swap3A_521, %swap3A_522] {strides = array<i32>} : memref<256x16xf32, #tpu.memory_space<vmem>>, vector<16xf32>,
        tpu.vector_store %arg8[%swap3A_521, %swap3A_522], %gather3A_519 {strides = array<i32>} : memref<256x16xf32, #tpu.memory_space<vmem>>, vector<16xf32>,
        %broadcast_in_dim3A_524 = arith.constant 70 : i32
        %broadcast_in_dim3A_525 = vector.broadcast %broadcast_in_dim3A_524 : i32 to vector<16xi32>
        %gather3A_526 = tpu.vector_load_idx %arg7[%iota3A, %broadcast_in_dim3A_525] : memref<16x256xf32, #tpu.memory_space<vmem>>[vector<16xi32>, vector<16xi32>], vector<16xf32>,
        %swap3A_527 = arith.constant 70 : i32
        %swap3A_528 = arith.index_cast %swap3A_527 : i32 to index
        %swap3A_529 = arith.constant 0 : index
        %swap3A_530 = tpu.vector_load %arg8[%swap3A_528, %swap3A_529] {strides = array<i32>} : memref<256x16xf32, #tpu.memory_space<vmem>>, vector<16xf32>,
        tpu.vector_store %arg8[%swap3A_528, %swap3A_529], %gather3A_526 {strides = array<i32>} : memref<256x16xf32, #tpu.memory_space<vmem>>, vector<16xf32>,
        %broadcast_in_dim3A_531 = arith.constant 71 : i32
        %broadcast_in_dim3A_532 = vector.broadcast %broadcast_in_dim3A_531 : i32 to vector<16xi32>
        %gather3A_533 = tpu.vector_load_idx %arg7[%iota3A, %broadcast_in_dim3A_532] : memref<16x256xf32, #tpu.memory_space<vmem>>[vector<16xi32>, vector<16xi32>], vector<16xf32>,
        %swap3A_534 = arith.constant 71 : i32
        %swap3A_535 = arith.index_cast %swap3A_534 : i32 to index
        %swap3A_536 = arith.constant 0 : index
        %swap3A_537 = tpu.vector_load %arg8[%swap3A_535, %swap3A_536] {strides = array<i32>} : memref<256x16xf32, #tpu.memory_space<vmem>>, vector<16xf32>,
        tpu.vector_store %arg8[%swap3A_535, %swap3A_536], %gather3A_533 {strides = array<i32>} : memref<256x16xf32, #tpu.memory_space<vmem>>, vector<16xf32>,
        %broadcast_in_dim3A_538 = arith.constant 72 : i32
        %broadcast_in_dim3A_539 = vector.broadcast %broadcast_in_dim3A_538 : i32 to vector<16xi32>
        %gather3A_540 = tpu.vector_load_idx %arg7[%iota3A, %broadcast_in_dim3A_539] : memref<16x256xf32, #tpu.memory_space<vmem>>[vector<16xi32>, vector<16xi32>], vector<16xf32>,
        %swap3A_541 = arith.constant 72 : i32
        %swap3A_542 = arith.index_cast %swap3A_541 : i32 to index
        %swap3A_543 = arith.constant 0 : index
        %swap3A_544 = tpu.vector_load %arg8[%swap3A_542, %swap3A_543] {strides = array<i32>} : memref<256x16xf32, #tpu.memory_space<vmem>>, vector<16xf32>,
        tpu.vector_store %arg8[%swap3A_542, %swap3A_543], %gather3A_540 {strides = array<i32>} : memref<256x16xf32, #tpu.memory_space<vmem>>, vector<16xf32>,
        %broadcast_in_dim3A_545 = arith.constant 73 : i32
        %broadcast_in_dim3A_546 = vector.broadcast %broadcast_in_dim3A_545 : i32 to vector<16xi32>
        %gather3A_547 = tpu.vector_load_idx %arg7[%iota3A, %broadcast_in_dim3A_546] : memref<16x256xf32, #tpu.memory_space<vmem>>[vector<16xi32>, vector<16xi32>], vector<16xf32>,
        %swap3A_548 = arith.constant 73 : i32
        %swap3A_549 = arith.index_cast %swap3A_548 : i32 to index
        %swap3A_550 = arith.constant 0 : index
        %swap3A_551 = tpu.vector_load %arg8[%swap3A_549, %swap3A_550] {strides = array<i32>} : memref<256x16xf32, #tpu.memory_space<vmem>>, vector<16xf32>,
        tpu.vector_store %arg8[%swap3A_549, %swap3A_550], %gather3A_547 {strides = array<i32>} : memref<256x16xf32, #tpu.memory_space<vmem>>, vector<16xf32>,
        %broadcast_in_dim3A_552 = arith.constant 74 : i32
        %broadcast_in_dim3A_553 = vector.broadcast %broadcast_in_dim3A_552 : i32 to vector<16xi32>
        %gather3A_554 = tpu.vector_load_idx %arg7[%iota3A, %broadcast_in_dim3A_553] : memref<16x256xf32, #tpu.memory_space<vmem>>[vector<16xi32>, vector<16xi32>], vector<16xf32>,
        %swap3A_555 = arith.constant 74 : i32
        %swap3A_556 = arith.index_cast %swap3A_555 : i32 to index
        %swap3A_557 = arith.constant 0 : index
        %swap3A_558 = tpu.vector_load %arg8[%swap3A_556, %swap3A_557] {strides = array<i32>} : memref<256x16xf32, #tpu.memory_space<vmem>>, vector<16xf32>,
        tpu.vector_store %arg8[%swap3A_556, %swap3A_557], %gather3A_554 {strides = array<i32>} : memref<256x16xf32, #tpu.memory_space<vmem>>, vector<16xf32>,
        %broadcast_in_dim3A_559 = arith.constant 75 : i32
        %broadcast_in_dim3A_560 = vector.broadcast %broadcast_in_dim3A_559 : i32 to vector<16xi32>
        %gather3A_561 = tpu.vector_load_idx %arg7[%iota3A, %broadcast_in_dim3A_560] : memref<16x256xf32, #tpu.memory_space<vmem>>[vector<16xi32>, vector<16xi32>], vector<16xf32>,
        %swap3A_562 = arith.constant 75 : i32
        %swap3A_563 = arith.index_cast %swap3A_562 : i32 to index
        %swap3A_564 = arith.constant 0 : index
        %swap3A_565 = tpu.vector_load %arg8[%swap3A_563, %swap3A_564] {strides = array<i32>} : memref<256x16xf32, #tpu.memory_space<vmem>>, vector<16xf32>,
        tpu.vector_store %arg8[%swap3A_563, %swap3A_564], %gather3A_561 {strides = array<i32>} : memref<256x16xf32, #tpu.memory_space<vmem>>, vector<16xf32>,
        %broadcast_in_dim3A_566 = arith.constant 76 : i32
        %broadcast_in_dim3A_567 = vector.broadcast %broadcast_in_dim3A_566 : i32 to vector<16xi32>
        %gather3A_568 = tpu.vector_load_idx %arg7[%iota3A, %broadcast_in_dim3A_567] : memref<16x256xf32, #tpu.memory_space<vmem>>[vector<16xi32>, vector<16xi32>], vector<16xf32>,
        %swap3A_569 = arith.constant 76 : i32
        %swap3A_570 = arith.index_cast %swap3A_569 : i32 to index
        %swap3A_571 = arith.constant 0 : index
        %swap3A_572 = tpu.vector_load %arg8[%swap3A_570, %swap3A_571] {strides = array<i32>} : memref<256x16xf32, #tpu.memory_space<vmem>>, vector<16xf32>,
        tpu.vector_store %arg8[%swap3A_570, %swap3A_571], %gather3A_568 {strides = array<i32>} : memref<256x16xf32, #tpu.memory_space<vmem>>, vector<16xf32>,
        %broadcast_in_dim3A_573 = arith.constant 77 : i32
        %broadcast_in_dim3A_574 = vector.broadcast %broadcast_in_dim3A_573 : i32 to vector<16xi32>
        %gather3A_575 = tpu.vector_load_idx %arg7[%iota3A, %broadcast_in_dim3A_574] : memref<16x256xf32, #tpu.memory_space<vmem>>[vector<16xi32>, vector<16xi32>], vector<16xf32>,
        %swap3A_576 = arith.constant 77 : i32
        %swap3A_577 = arith.index_cast %swap3A_576 : i32 to index
        %swap3A_578 = arith.constant 0 : index
        %swap3A_579 = tpu.vector_load %arg8[%swap3A_577, %swap3A_578] {strides = array<i32>} : memref<256x16xf32, #tpu.memory_space<vmem>>, vector<16xf32>,
        tpu.vector_store %arg8[%swap3A_577, %swap3A_578], %gather3A_575 {strides = array<i32>} : memref<256x16xf32, #tpu.memory_space<vmem>>, vector<16xf32>,
        %broadcast_in_dim3A_580 = arith.constant 78 : i32
        %broadcast_in_dim3A_581 = vector.broadcast %broadcast_in_dim3A_580 : i32 to vector<16xi32>
        %gather3A_582 = tpu.vector_load_idx %arg7[%iota3A, %broadcast_in_dim3A_581] : memref<16x256xf32, #tpu.memory_space<vmem>>[vector<16xi32>, vector<16xi32>], vector<16xf32>,
        %swap3A_583 = arith.constant 78 : i32
        %swap3A_584 = arith.index_cast %swap3A_583 : i32 to index
        %swap3A_585 = arith.constant 0 : index
        %swap3A_586 = tpu.vector_load %arg8[%swap3A_584, %swap3A_585] {strides = array<i32>} : memref<256x16xf32, #tpu.memory_space<vmem>>, vector<16xf32>,
        tpu.vector_store %arg8[%swap3A_584, %swap3A_585], %gather3A_582 {strides = array<i32>} : memref<256x16xf32, #tpu.memory_space<vmem>>, vector<16xf32>,
        %broadcast_in_dim3A_587 = arith.constant 79 : i32
        %broadcast_in_dim3A_588 = vector.broadcast %broadcast_in_dim3A_587 : i32 to vector<16xi32>
        %gather3A_589 = tpu.vector_load_idx %arg7[%iota3A, %broadcast_in_dim3A_588] : memref<16x256xf32, #tpu.memory_space<vmem>>[vector<16xi32>, vector<16xi32>], vector<16xf32>,
        %swap3A_590 = arith.constant 79 : i32
        %swap3A_591 = arith.index_cast %swap3A_590 : i32 to index
        %swap3A_592 = arith.constant 0 : index
        %swap3A_593 = tpu.vector_load %arg8[%swap3A_591, %swap3A_592] {strides = array<i32>} : memref<256x16xf32, #tpu.memory_space<vmem>>, vector<16xf32>,
        tpu.vector_store %arg8[%swap3A_591, %swap3A_592], %gather3A_589 {strides = array<i32>} : memref<256x16xf32, #tpu.memory_space<vmem>>, vector<16xf32>,
        %broadcast_in_dim3A_594 = arith.constant 80 : i32
        %broadcast_in_dim3A_595 = vector.broadcast %broadcast_in_dim3A_594 : i32 to vector<16xi32>
        %gather3A_596 = tpu.vector_load_idx %arg7[%iota3A, %broadcast_in_dim3A_595] : memref<16x256xf32, #tpu.memory_space<vmem>>[vector<16xi32>, vector<16xi32>], vector<16xf32>,
        %swap3A_597 = arith.constant 80 : i32
        %swap3A_598 = arith.index_cast %swap3A_597 : i32 to index
        %swap3A_599 = arith.constant 0 : index
        %swap3A_600 = tpu.vector_load %arg8[%swap3A_598, %swap3A_599] {strides = array<i32>} : memref<256x16xf32, #tpu.memory_space<vmem>>, vector<16xf32>,
        tpu.vector_store %arg8[%swap3A_598, %swap3A_599], %gather3A_596 {strides = array<i32>} : memref<256x16xf32, #tpu.memory_space<vmem>>, vector<16xf32>,
        %broadcast_in_dim3A_601 = arith.constant 81 : i32
        %broadcast_in_dim3A_602 = vector.broadcast %broadcast_in_dim3A_601 : i32 to vector<16xi32>
        %gather3A_603 = tpu.vector_load_idx %arg7[%iota3A, %broadcast_in_dim3A_602] : memref<16x256xf32, #tpu.memory_space<vmem>>[vector<16xi32>, vector<16xi32>], vector<16xf32>,
        %swap3A_604 = arith.constant 81 : i32
        %swap3A_605 = arith.index_cast %swap3A_604 : i32 to index
        %swap3A_606 = arith.constant 0 : index
        %swap3A_607 = tpu.vector_load %arg8[%swap3A_605, %swap3A_606] {strides = array<i32>} : memref<256x16xf32, #tpu.memory_space<vmem>>, vector<16xf32>,
        tpu.vector_store %arg8[%swap3A_605, %swap3A_606], %gather3A_603 {strides = array<i32>} : memref<256x16xf32, #tpu.memory_space<vmem>>, vector<16xf32>,
        %broadcast_in_dim3A_608 = arith.constant 82 : i32
        %broadcast_in_dim3A_609 = vector.broadcast %broadcast_in_dim3A_608 : i32 to vector<16xi32>
        %gather3A_610 = tpu.vector_load_idx %arg7[%iota3A, %broadcast_in_dim3A_609] : memref<16x256xf32, #tpu.memory_space<vmem>>[vector<16xi32>, vector<16xi32>], vector<16xf32>,
        %swap3A_611 = arith.constant 82 : i32
        %swap3A_612 = arith.index_cast %swap3A_611 : i32 to index
        %swap3A_613 = arith.constant 0 : index
        %swap3A_614 = tpu.vector_load %arg8[%swap3A_612, %swap3A_613] {strides = array<i32>} : memref<256x16xf32, #tpu.memory_space<vmem>>, vector<16xf32>,
        tpu.vector_store %arg8[%swap3A_612, %swap3A_613], %gather3A_610 {strides = array<i32>} : memref<256x16xf32, #tpu.memory_space<vmem>>, vector<16xf32>,
        %broadcast_in_dim3A_615 = arith.constant 83 : i32
        %broadcast_in_dim3A_616 = vector.broadcast %broadcast_in_dim3A_615 : i32 to vector<16xi32>
        %gather3A_617 = tpu.vector_load_idx %arg7[%iota3A, %broadcast_in_dim3A_616] : memref<16x256xf32, #tpu.memory_space<vmem>>[vector<16xi32>, vector<16xi32>], vector<16xf32>,
        %swap3A_618 = arith.constant 83 : i32
        %swap3A_619 = arith.index_cast %swap3A_618 : i32 to index
        %swap3A_620 = arith.constant 0 : index
        %swap3A_621 = tpu.vector_load %arg8[%swap3A_619, %swap3A_620] {strides = array<i32>} : memref<256x16xf32, #tpu.memory_space<vmem>>, vector<16xf32>,
        tpu.vector_store %arg8[%swap3A_619, %swap3A_620], %gather3A_617 {strides = array<i32>} : memref<256x16xf32, #tpu.memory_space<vmem>>, vector<16xf32>,
        %broadcast_in_dim3A_622 = arith.constant 84 : i32
        %broadcast_in_dim3A_623 = vector.broadcast %broadcast_in_dim3A_622 : i32 to vector<16xi32>
        %gather3A_624 = tpu.vector_load_idx %arg7[%iota3A, %broadcast_in_dim3A_623] : memref<16x256xf32, #tpu.memory_space<vmem>>[vector<16xi32>, vector<16xi32>], vector<16xf32>,
        %swap3A_625 = arith.constant 84 : i32
        %swap3A_626 = arith.index_cast %swap3A_625 : i32 to index
        %swap3A_627 = arith.constant 0 : index
        %swap3A_628 = tpu.vector_load %arg8[%swap3A_626, %swap3A_627] {strides = array<i32>} : memref<256x16xf32, #tpu.memory_space<vmem>>, vector<16xf32>,
        tpu.vector_store %arg8[%swap3A_626, %swap3A_627], %gather3A_624 {strides = array<i32>} : memref<256x16xf32, #tpu.memory_space<vmem>>, vector<16xf32>,
        %broadcast_in_dim3A_629 = arith.constant 85 : i32
        %broadcast_in_dim3A_630 = vector.broadcast %broadcast_in_dim3A_629 : i32 to vector<16xi32>
        %gather3A_631 = tpu.vector_load_idx %arg7[%iota3A, %broadcast_in_dim3A_630] : memref<16x256xf32, #tpu.memory_space<vmem>>[vector<16xi32>, vector<16xi32>], vector<16xf32>,
        %swap3A_632 = arith.constant 85 : i32
        %swap3A_633 = arith.index_cast %swap3A_632 : i32 to index
        %swap3A_634 = arith.constant 0 : index
        %swap3A_635 = tpu.vector_load %arg8[%swap3A_633, %swap3A_634] {strides = array<i32>} : memref<256x16xf32, #tpu.memory_space<vmem>>, vector<16xf32>,
        tpu.vector_store %arg8[%swap3A_633, %swap3A_634], %gather3A_631 {strides = array<i32>} : memref<256x16xf32, #tpu.memory_space<vmem>>, vector<16xf32>,
        %broadcast_in_dim3A_636 = arith.constant 86 : i32
        %broadcast_in_dim3A_637 = vector.broadcast %broadcast_in_dim3A_636 : i32 to vector<16xi32>
        %gather3A_638 = tpu.vector_load_idx %arg7[%iota3A, %broadcast_in_dim3A_637] : memref<16x256xf32, #tpu.memory_space<vmem>>[vector<16xi32>, vector<16xi32>], vector<16xf32>,
        %swap3A_639 = arith.constant 86 : i32
        %swap3A_640 = arith.index_cast %swap3A_639 : i32 to index
        %swap3A_641 = arith.constant 0 : index
        %swap3A_642 = tpu.vector_load %arg8[%swap3A_640, %swap3A_641] {strides = array<i32>} : memref<256x16xf32, #tpu.memory_space<vmem>>, vector<16xf32>,
        tpu.vector_store %arg8[%swap3A_640, %swap3A_641], %gather3A_638 {strides = array<i32>} : memref<256x16xf32, #tpu.memory_space<vmem>>, vector<16xf32>,
        %broadcast_in_dim3A_643 = arith.constant 87 : i32
        %broadcast_in_dim3A_644 = vector.broadcast %broadcast_in_dim3A_643 : i32 to vector<16xi32>
        %gather3A_645 = tpu.vector_load_idx %arg7[%iota3A, %broadcast_in_dim3A_644] : memref<16x256xf32, #tpu.memory_space<vmem>>[vector<16xi32>, vector<16xi32>], vector<16xf32>,
        %swap3A_646 = arith.constant 87 : i32
        %swap3A_647 = arith.index_cast %swap3A_646 : i32 to index
        %swap3A_648 = arith.constant 0 : index
        %swap3A_649 = tpu.vector_load %arg8[%swap3A_647, %swap3A_648] {strides = array<i32>} : memref<256x16xf32, #tpu.memory_space<vmem>>, vector<16xf32>,
        tpu.vector_store %arg8[%swap3A_647, %swap3A_648], %gather3A_645 {strides = array<i32>} : memref<256x16xf32, #tpu.memory_space<vmem>>, vector<16xf32>,
        %broadcast_in_dim3A_650 = arith.constant 88 : i32
        %broadcast_in_dim3A_651 = vector.broadcast %broadcast_in_dim3A_650 : i32 to vector<16xi32>
        %gather3A_652 = tpu.vector_load_idx %arg7[%iota3A, %broadcast_in_dim3A_651] : memref<16x256xf32, #tpu.memory_space<vmem>>[vector<16xi32>, vector<16xi32>], vector<16xf32>,
        %swap3A_653 = arith.constant 88 : i32
        %swap3A_654 = arith.index_cast %swap3A_653 : i32 to index
        %swap3A_655 = arith.constant 0 : index
        %swap3A_656 = tpu.vector_load %arg8[%swap3A_654, %swap3A_655] {strides = array<i32>} : memref<256x16xf32, #tpu.memory_space<vmem>>, vector<16xf32>,
        tpu.vector_store %arg8[%swap3A_654, %swap3A_655], %gather3A_652 {strides = array<i32>} : memref<256x16xf32, #tpu.memory_space<vmem>>, vector<16xf32>,
        %broadcast_in_dim3A_657 = arith.constant 89 : i32
        %broadcast_in_dim3A_658 = vector.broadcast %broadcast_in_dim3A_657 : i32 to vector<16xi32>
        %gather3A_659 = tpu.vector_load_idx %arg7[%iota3A, %broadcast_in_dim3A_658] : memref<16x256xf32, #tpu.memory_space<vmem>>[vector<16xi32>, vector<16xi32>], vector<16xf32>,
        %swap3A_660 = arith.constant 89 : i32
        %swap3A_661 = arith.index_cast %swap3A_660 : i32 to index
        %swap3A_662 = arith.constant 0 : index
        %swap3A_663 = tpu.vector_load %arg8[%swap3A_661, %swap3A_662] {strides = array<i32>} : memref<256x16xf32, #tpu.memory_space<vmem>>, vector<16xf32>,
        tpu.vector_store %arg8[%swap3A_661, %swap3A_662], %gather3A_659 {strides = array<i32>} : memref<256x16xf32, #tpu.memory_space<vmem>>, vector<16xf32>,
        %broadcast_in_dim3A_664 = arith.constant 90 : i32
        %broadcast_in_dim3A_665 = vector.broadcast %broadcast_in_dim3A_664 : i32 to vector<16xi32>
        %gather3A_666 = tpu.vector_load_idx %arg7[%iota3A, %broadcast_in_dim3A_665] : memref<16x256xf32, #tpu.memory_space<vmem>>[vector<16xi32>, vector<16xi32>], vector<16xf32>,
        %swap3A_667 = arith.constant 90 : i32
        %swap3A_668 = arith.index_cast %swap3A_667 : i32 to index
        %swap3A_669 = arith.constant 0 : index
        %swap3A_670 = tpu.vector_load %arg8[%swap3A_668, %swap3A_669] {strides = array<i32>} : memref<256x16xf32, #tpu.memory_space<vmem>>, vector<16xf32>,
        tpu.vector_store %arg8[%swap3A_668, %swap3A_669], %gather3A_666 {strides = array<i32>} : memref<256x16xf32, #tpu.memory_space<vmem>>, vector<16xf32>,
        %broadcast_in_dim3A_671 = arith.constant 91 : i32
        %broadcast_in_dim3A_672 = vector.broadcast %broadcast_in_dim3A_671 : i32 to vector<16xi32>
        %gather3A_673 = tpu.vector_load_idx %arg7[%iota3A, %broadcast_in_dim3A_672] : memref<16x256xf32, #tpu.memory_space<vmem>>[vector<16xi32>, vector<16xi32>], vector<16xf32>,
        %swap3A_674 = arith.constant 91 : i32
        %swap3A_675 = arith.index_cast %swap3A_674 : i32 to index
        %swap3A_676 = arith.constant 0 : index
        %swap3A_677 = tpu.vector_load %arg8[%swap3A_675, %swap3A_676] {strides = array<i32>} : memref<256x16xf32, #tpu.memory_space<vmem>>, vector<16xf32>,
        tpu.vector_store %arg8[%swap3A_675, %swap3A_676], %gather3A_673 {strides = array<i32>} : memref<256x16xf32, #tpu.memory_space<vmem>>, vector<16xf32>,
        %broadcast_in_dim3A_678 = arith.constant 92 : i32
        %broadcast_in_dim3A_679 = vector.broadcast %broadcast_in_dim3A_678 : i32 to vector<16xi32>
        %gather3A_680 = tpu.vector_load_idx %arg7[%iota3A, %broadcast_in_dim3A_679] : memref<16x256xf32, #tpu.memory_space<vmem>>[vector<16xi32>, vector<16xi32>], vector<16xf32>,
        %swap3A_681 = arith.constant 92 : i32
        %swap3A_682 = arith.index_cast %swap3A_681 : i32 to index
        %swap3A_683 = arith.constant 0 : index
        %swap3A_684 = tpu.vector_load %arg8[%swap3A_682, %swap3A_683] {strides = array<i32>} : memref<256x16xf32, #tpu.memory_space<vmem>>, vector<16xf32>,
        tpu.vector_store %arg8[%swap3A_682, %swap3A_683], %gather3A_680 {strides = array<i32>} : memref<256x16xf32, #tpu.memory_space<vmem>>, vector<16xf32>,
        %broadcast_in_dim3A_685 = arith.constant 93 : i32
        %broadcast_in_dim3A_686 = vector.broadcast %broadcast_in_dim3A_685 : i32 to vector<16xi32>
        %gather3A_687 = tpu.vector_load_idx %arg7[%iota3A, %broadcast_in_dim3A_686] : memref<16x256xf32, #tpu.memory_space<vmem>>[vector<16xi32>, vector<16xi32>], vector<16xf32>,
        %swap3A_688 = arith.constant 93 : i32
        %swap3A_689 = arith.index_cast %swap3A_688 : i32 to index
        %swap3A_690 = arith.constant 0 : index
        %swap3A_691 = tpu.vector_load %arg8[%swap3A_689, %swap3A_690] {strides = array<i32>} : memref<256x16xf32, #tpu.memory_space<vmem>>, vector<16xf32>,
        tpu.vector_store %arg8[%swap3A_689, %swap3A_690], %gather3A_687 {strides = array<i32>} : memref<256x16xf32, #tpu.memory_space<vmem>>, vector<16xf32>,
        %broadcast_in_dim3A_692 = arith.constant 94 : i32
        %broadcast_in_dim3A_693 = vector.broadcast %broadcast_in_dim3A_692 : i32 to vector<16xi32>
        %gather3A_694 = tpu.vector_load_idx %arg7[%iota3A, %broadcast_in_dim3A_693] : memref<16x256xf32, #tpu.memory_space<vmem>>[vector<16xi32>, vector<16xi32>], vector<16xf32>,
        %swap3A_695 = arith.constant 94 : i32
        %swap3A_696 = arith.index_cast %swap3A_695 : i32 to index
        %swap3A_697 = arith.constant 0 : index
        %swap3A_698 = tpu.vector_load %arg8[%swap3A_696, %swap3A_697] {strides = array<i32>} : memref<256x16xf32, #tpu.memory_space<vmem>>, vector<16xf32>,
        tpu.vector_store %arg8[%swap3A_696, %swap3A_697], %gather3A_694 {strides = array<i32>} : memref<256x16xf32, #tpu.memory_space<vmem>>, vector<16xf32>,
        %broadcast_in_dim3A_699 = arith.constant 95 : i32
        %broadcast_in_dim3A_700 = vector.broadcast %broadcast_in_dim3A_699 : i32 to vector<16xi32>
        %gather3A_701 = tpu.vector_load_idx %arg7[%iota3A, %broadcast_in_dim3A_700] : memref<16x256xf32, #tpu.memory_space<vmem>>[vector<16xi32>, vector<16xi32>], vector<16xf32>,
        %swap3A_702 = arith.constant 95 : i32
        %swap3A_703 = arith.index_cast %swap3A_702 : i32 to index
        %swap3A_704 = arith.constant 0 : index
        %swap3A_705 = tpu.vector_load %arg8[%swap3A_703, %swap3A_704] {strides = array<i32>} : memref<256x16xf32, #tpu.memory_space<vmem>>, vector<16xf32>,
        tpu.vector_store %arg8[%swap3A_703, %swap3A_704], %gather3A_701 {strides = array<i32>} : memref<256x16xf32, #tpu.memory_space<vmem>>, vector<16xf32>,
        %broadcast_in_dim3A_706 = arith.constant 96 : i32
        %broadcast_in_dim3A_707 = vector.broadcast %broadcast_in_dim3A_706 : i32 to vector<16xi32>
        %gather3A_708 = tpu.vector_load_idx %arg7[%iota3A, %broadcast_in_dim3A_707] : memref<16x256xf32, #tpu.memory_space<vmem>>[vector<16xi32>, vector<16xi32>], vector<16xf32>,
        %swap3A_709 = arith.constant 96 : i32
        %swap3A_710 = arith.index_cast %swap3A_709 : i32 to index
        %swap3A_711 = arith.constant 0 : index
        %swap3A_712 = tpu.vector_load %arg8[%swap3A_710, %swap3A_711] {strides = array<i32>} : memref<256x16xf32, #tpu.memory_space<vmem>>, vector<16xf32>,
        tpu.vector_store %arg8[%swap3A_710, %swap3A_711], %gather3A_708 {strides = array<i32>} : memref<256x16xf32, #tpu.memory_space<vmem>>, vector<16xf32>,
        %broadcast_in_dim3A_713 = arith.constant 97 : i32
        %broadcast_in_dim3A_714 = vector.broadcast %broadcast_in_dim3A_713 : i32 to vector<16xi32>
        %gather3A_715 = tpu.vector_load_idx %arg7[%iota3A, %broadcast_in_dim3A_714] : memref<16x256xf32, #tpu.memory_space<vmem>>[vector<16xi32>, vector<16xi32>], vector<16xf32>,
        %swap3A_716 = arith.constant 97 : i32
        %swap3A_717 = arith.index_cast %swap3A_716 : i32 to index
        %swap3A_718 = arith.constant 0 : index
        %swap3A_719 = tpu.vector_load %arg8[%swap3A_717, %swap3A_718] {strides = array<i32>} : memref<256x16xf32, #tpu.memory_space<vmem>>, vector<16xf32>,
        tpu.vector_store %arg8[%swap3A_717, %swap3A_718], %gather3A_715 {strides = array<i32>} : memref<256x16xf32, #tpu.memory_space<vmem>>, vector<16xf32>,
        %broadcast_in_dim3A_720 = arith.constant 98 : i32
        %broadcast_in_dim3A_721 = vector.broadcast %broadcast_in_dim3A_720 : i32 to vector<16xi32>
        %gather3A_722 = tpu.vector_load_idx %arg7[%iota3A, %broadcast_in_dim3A_721] : memref<16x256xf32, #tpu.memory_space<vmem>>[vector<16xi32>, vector<16xi32>], vector<16xf32>,
        %swap3A_723 = arith.constant 98 : i32
        %swap3A_724 = arith.index_cast %swap3A_723 : i32 to index
        %swap3A_725 = arith.constant 0 : index
        %swap3A_726 = tpu.vector_load %arg8[%swap3A_724, %swap3A_725] {strides = array<i32>} : memref<256x16xf32, #tpu.memory_space<vmem>>, vector<16xf32>,
        tpu.vector_store %arg8[%swap3A_724, %swap3A_725], %gather3A_722 {strides = array<i32>} : memref<256x16xf32, #tpu.memory_space<vmem>>, vector<16xf32>,
        %broadcast_in_dim3A_727 = arith.constant 99 : i32
        %broadcast_in_dim3A_728 = vector.broadcast %broadcast_in_dim3A_727 : i32 to vector<16xi32>
        %gather3A_729 = tpu.vector_load_idx %arg7[%iota3A, %broadcast_in_dim3A_728] : memref<16x256xf32, #tpu.memory_space<vmem>>[vector<16xi32>, vector<16xi32>], vector<16xf32>,
        %swap3A_730 = arith.constant 99 : i32
        %swap3A_731 = arith.index_cast %swap3A_730 : i32 to index
        %swap3A_732 = arith.constant 0 : index
        %swap3A_733 = tpu.vector_load %arg8[%swap3A_731, %swap3A_732] {strides = array<i32>} : memref<256x16xf32, #tpu.memory_space<vmem>>, vector<16xf32>,
        tpu.vector_store %arg8[%swap3A_731, %swap3A_732], %gather3A_729 {strides = array<i32>} : memref<256x16xf32, #tpu.memory_space<vmem>>, vector<16xf32>,
        %broadcast_in_dim3A_734 = arith.constant 100 : i32
        %broadcast_in_dim3A_735 = vector.broadcast %broadcast_in_dim3A_734 : i32 to vector<16xi32>
        %gather3A_736 = tpu.vector_load_idx %arg7[%iota3A, %broadcast_in_dim3A_735] : memref<16x256xf32, #tpu.memory_space<vmem>>[vector<16xi32>, vector<16xi32>], vector<16xf32>,
        %swap3A_737 = arith.constant 100 : i32
        %swap3A_738 = arith.index_cast %swap3A_737 : i32 to index
        %swap3A_739 = arith.constant 0 : index
        %swap3A_740 = tpu.vector_load %arg8[%swap3A_738, %swap3A_739] {strides = array<i32>} : memref<256x16xf32, #tpu.memory_space<vmem>>, vector<16xf32>,
        tpu.vector_store %arg8[%swap3A_738, %swap3A_739], %gather3A_736 {strides = array<i32>} : memref<256x16xf32, #tpu.memory_space<vmem>>, vector<16xf32>,
        %broadcast_in_dim3A_741 = arith.constant 101 : i32
        %broadcast_in_dim3A_742 = vector.broadcast %broadcast_in_dim3A_741 : i32 to vector<16xi32>
        %gather3A_743 = tpu.vector_load_idx %arg7[%iota3A, %broadcast_in_dim3A_742] : memref<16x256xf32, #tpu.memory_space<vmem>>[vector<16xi32>, vector<16xi32>], vector<16xf32>,
        %swap3A_744 = arith.constant 101 : i32
        %swap3A_745 = arith.index_cast %swap3A_744 : i32 to index
        %swap3A_746 = arith.constant 0 : index
        %swap3A_747 = tpu.vector_load %arg8[%swap3A_745, %swap3A_746] {strides = array<i32>} : memref<256x16xf32, #tpu.memory_space<vmem>>, vector<16xf32>,
        tpu.vector_store %arg8[%swap3A_745, %swap3A_746], %gather3A_743 {strides = array<i32>} : memref<256x16xf32, #tpu.memory_space<vmem>>, vector<16xf32>,
        %broadcast_in_dim3A_748 = arith.constant 102 : i32
        %broadcast_in_dim3A_749 = vector.broadcast %broadcast_in_dim3A_748 : i32 to vector<16xi32>
        %gather3A_750 = tpu.vector_load_idx %arg7[%iota3A, %broadcast_in_dim3A_749] : memref<16x256xf32, #tpu.memory_space<vmem>>[vector<16xi32>, vector<16xi32>], vector<16xf32>,
        %swap3A_751 = arith.constant 102 : i32
        %swap3A_752 = arith.index_cast %swap3A_751 : i32 to index
        %swap3A_753 = arith.constant 0 : index
        %swap3A_754 = tpu.vector_load %arg8[%swap3A_752, %swap3A_753] {strides = array<i32>} : memref<256x16xf32, #tpu.memory_space<vmem>>, vector<16xf32>,
        tpu.vector_store %arg8[%swap3A_752, %swap3A_753], %gather3A_750 {strides = array<i32>} : memref<256x16xf32, #tpu.memory_space<vmem>>, vector<16xf32>,
        %broadcast_in_dim3A_755 = arith.constant 103 : i32
        %broadcast_in_dim3A_756 = vector.broadcast %broadcast_in_dim3A_755 : i32 to vector<16xi32>
        %gather3A_757 = tpu.vector_load_idx %arg7[%iota3A, %broadcast_in_dim3A_756] : memref<16x256xf32, #tpu.memory_space<vmem>>[vector<16xi32>, vector<16xi32>], vector<16xf32>,
        %swap3A_758 = arith.constant 103 : i32
        %swap3A_759 = arith.index_cast %swap3A_758 : i32 to index
        %swap3A_760 = arith.constant 0 : index
        %swap3A_761 = tpu.vector_load %arg8[%swap3A_759, %swap3A_760] {strides = array<i32>} : memref<256x16xf32, #tpu.memory_space<vmem>>, vector<16xf32>,
        tpu.vector_store %arg8[%swap3A_759, %swap3A_760], %gather3A_757 {strides = array<i32>} : memref<256x16xf32, #tpu.memory_space<vmem>>, vector<16xf32>,
        %broadcast_in_dim3A_762 = arith.constant 104 : i32
        %broadcast_in_dim3A_763 = vector.broadcast %broadcast_in_dim3A_762 : i32 to vector<16xi32>
        %gather3A_764 = tpu.vector_load_idx %arg7[%iota3A, %broadcast_in_dim3A_763] : memref<16x256xf32, #tpu.memory_space<vmem>>[vector<16xi32>, vector<16xi32>], vector<16xf32>,
        %swap3A_765 = arith.constant 104 : i32
        %swap3A_766 = arith.index_cast %swap3A_765 : i32 to index
        %swap3A_767 = arith.constant 0 : index
        %swap3A_768 = tpu.vector_load %arg8[%swap3A_766, %swap3A_767] {strides = array<i32>} : memref<256x16xf32, #tpu.memory_space<vmem>>, vector<16xf32>,
        tpu.vector_store %arg8[%swap3A_766, %swap3A_767], %gather3A_764 {strides = array<i32>} : memref<256x16xf32, #tpu.memory_space<vmem>>, vector<16xf32>,
        %broadcast_in_dim3A_769 = arith.constant 105 : i32
        %broadcast_in_dim3A_770 = vector.broadcast %broadcast_in_dim3A_769 : i32 to vector<16xi32>
        %gather3A_771 = tpu.vector_load_idx %arg7[%iota3A, %broadcast_in_dim3A_770] : memref<16x256xf32, #tpu.memory_space<vmem>>[vector<16xi32>, vector<16xi32>], vector<16xf32>,
        %swap3A_772 = arith.constant 105 : i32
        %swap3A_773 = arith.index_cast %swap3A_772 : i32 to index
        %swap3A_774 = arith.constant 0 : index
        %swap3A_775 = tpu.vector_load %arg8[%swap3A_773, %swap3A_774] {strides = array<i32>} : memref<256x16xf32, #tpu.memory_space<vmem>>, vector<16xf32>,
        tpu.vector_store %arg8[%swap3A_773, %swap3A_774], %gather3A_771 {strides = array<i32>} : memref<256x16xf32, #tpu.memory_space<vmem>>, vector<16xf32>,
        %broadcast_in_dim3A_776 = arith.constant 106 : i32
        %broadcast_in_dim3A_777 = vector.broadcast %broadcast_in_dim3A_776 : i32 to vector<16xi32>
        %gather3A_778 = tpu.vector_load_idx %arg7[%iota3A, %broadcast_in_dim3A_777] : memref<16x256xf32, #tpu.memory_space<vmem>>[vector<16xi32>, vector<16xi32>], vector<16xf32>,
        %swap3A_779 = arith.constant 106 : i32
        %swap3A_780 = arith.index_cast %swap3A_779 : i32 to index
        %swap3A_781 = arith.constant 0 : index
        %swap3A_782 = tpu.vector_load %arg8[%swap3A_780, %swap3A_781] {strides = array<i32>} : memref<256x16xf32, #tpu.memory_space<vmem>>, vector<16xf32>,
        tpu.vector_store %arg8[%swap3A_780, %swap3A_781], %gather3A_778 {strides = array<i32>} : memref<256x16xf32, #tpu.memory_space<vmem>>, vector<16xf32>,
        %broadcast_in_dim3A_783 = arith.constant 107 : i32
        %broadcast_in_dim3A_784 = vector.broadcast %broadcast_in_dim3A_783 : i32 to vector<16xi32>
        %gather3A_785 = tpu.vector_load_idx %arg7[%iota3A, %broadcast_in_dim3A_784] : memref<16x256xf32, #tpu.memory_space<vmem>>[vector<16xi32>, vector<16xi32>], vector<16xf32>,
        %swap3A_786 = arith.constant 107 : i32
        %swap3A_787 = arith.index_cast %swap3A_786 : i32 to index
        %swap3A_788 = arith.constant 0 : index
        %swap3A_789 = tpu.vector_load %arg8[%swap3A_787, %swap3A_788] {strides = array<i32>} : memref<256x16xf32, #tpu.memory_space<vmem>>, vector<16xf32>,
        tpu.vector_store %arg8[%swap3A_787, %swap3A_788], %gather3A_785 {strides = array<i32>} : memref<256x16xf32, #tpu.memory_space<vmem>>, vector<16xf32>,
        %broadcast_in_dim3A_790 = arith.constant 108 : i32
        %broadcast_in_dim3A_791 = vector.broadcast %broadcast_in_dim3A_790 : i32 to vector<16xi32>
        %gather3A_792 = tpu.vector_load_idx %arg7[%iota3A, %broadcast_in_dim3A_791] : memref<16x256xf32, #tpu.memory_space<vmem>>[vector<16xi32>, vector<16xi32>], vector<16xf32>,
        %swap3A_793 = arith.constant 108 : i32
        %swap3A_794 = arith.index_cast %swap3A_793 : i32 to index
        %swap3A_795 = arith.constant 0 : index
        %swap3A_796 = tpu.vector_load %arg8[%swap3A_794, %swap3A_795] {strides = array<i32>} : memref<256x16xf32, #tpu.memory_space<vmem>>, vector<16xf32>,
        tpu.vector_store %arg8[%swap3A_794, %swap3A_795], %gather3A_792 {strides = array<i32>} : memref<256x16xf32, #tpu.memory_space<vmem>>, vector<16xf32>,
        %broadcast_in_dim3A_797 = arith.constant 109 : i32
        %broadcast_in_dim3A_798 = vector.broadcast %broadcast_in_dim3A_797 : i32 to vector<16xi32>
        %gather3A_799 = tpu.vector_load_idx %arg7[%iota3A, %broadcast_in_dim3A_798] : memref<16x256xf32, #tpu.memory_space<vmem>>[vector<16xi32>, vector<16xi32>], vector<16xf32>,
        %swap3A_800 = arith.constant 109 : i32
        %swap3A_801 = arith.index_cast %swap3A_800 : i32 to index
        %swap3A_802 = arith.constant 0 : index
        %swap3A_803 = tpu.vector_load %arg8[%swap3A_801, %swap3A_802] {strides = array<i32>} : memref<256x16xf32, #tpu.memory_space<vmem>>, vector<16xf32>,
        tpu.vector_store %arg8[%swap3A_801, %swap3A_802], %gather3A_799 {strides = array<i32>} : memref<256x16xf32, #tpu.memory_space<vmem>>, vector<16xf32>,
        %broadcast_in_dim3A_804 = arith.constant 110 : i32
        %broadcast_in_dim3A_805 = vector.broadcast %broadcast_in_dim3A_804 : i32 to vector<16xi32>
        %gather3A_806 = tpu.vector_load_idx %arg7[%iota3A, %broadcast_in_dim3A_805] : memref<16x256xf32, #tpu.memory_space<vmem>>[vector<16xi32>, vector<16xi32>], vector<16xf32>,
        %swap3A_807 = arith.constant 110 : i32
        %swap3A_808 = arith.index_cast %swap3A_807 : i32 to index
        %swap3A_809 = arith.constant 0 : index
        %swap3A_810 = tpu.vector_load %arg8[%swap3A_808, %swap3A_809] {strides = array<i32>} : memref<256x16xf32, #tpu.memory_space<vmem>>, vector<16xf32>,
        tpu.vector_store %arg8[%swap3A_808, %swap3A_809], %gather3A_806 {strides = array<i32>} : memref<256x16xf32, #tpu.memory_space<vmem>>, vector<16xf32>,
        %broadcast_in_dim3A_811 = arith.constant 111 : i32
        %broadcast_in_dim3A_812 = vector.broadcast %broadcast_in_dim3A_811 : i32 to vector<16xi32>
        %gather3A_813 = tpu.vector_load_idx %arg7[%iota3A, %broadcast_in_dim3A_812] : memref<16x256xf32, #tpu.memory_space<vmem>>[vector<16xi32>, vector<16xi32>], vector<16xf32>,
        %swap3A_814 = arith.constant 111 : i32
        %swap3A_815 = arith.index_cast %swap3A_814 : i32 to index
        %swap3A_816 = arith.constant 0 : index
        %swap3A_817 = tpu.vector_load %arg8[%swap3A_815, %swap3A_816] {strides = array<i32>} : memref<256x16xf32, #tpu.memory_space<vmem>>, vector<16xf32>,
        tpu.vector_store %arg8[%swap3A_815, %swap3A_816], %gather3A_813 {strides = array<i32>} : memref<256x16xf32, #tpu.memory_space<vmem>>, vector<16xf32>,
        %broadcast_in_dim3A_818 = arith.constant 112 : i32
        %broadcast_in_dim3A_819 = vector.broadcast %broadcast_in_dim3A_818 : i32 to vector<16xi32>
        %gather3A_820 = tpu.vector_load_idx %arg7[%iota3A, %broadcast_in_dim3A_819] : memref<16x256xf32, #tpu.memory_space<vmem>>[vector<16xi32>, vector<16xi32>], vector<16xf32>,
        %swap3A_821 = arith.constant 112 : i32
        %swap3A_822 = arith.index_cast %swap3A_821 : i32 to index
        %swap3A_823 = arith.constant 0 : index
        %swap3A_824 = tpu.vector_load %arg8[%swap3A_822, %swap3A_823] {strides = array<i32>} : memref<256x16xf32, #tpu.memory_space<vmem>>, vector<16xf32>,
        tpu.vector_store %arg8[%swap3A_822, %swap3A_823], %gather3A_820 {strides = array<i32>} : memref<256x16xf32, #tpu.memory_space<vmem>>, vector<16xf32>,
        %broadcast_in_dim3A_825 = arith.constant 113 : i32
        %broadcast_in_dim3A_826 = vector.broadcast %broadcast_in_dim3A_825 : i32 to vector<16xi32>
        %gather3A_827 = tpu.vector_load_idx %arg7[%iota3A, %broadcast_in_dim3A_826] : memref<16x256xf32, #tpu.memory_space<vmem>>[vector<16xi32>, vector<16xi32>], vector<16xf32>,
        %swap3A_828 = arith.constant 113 : i32
        %swap3A_829 = arith.index_cast %swap3A_828 : i32 to index
        %swap3A_830 = arith.constant 0 : index
        %swap3A_831 = tpu.vector_load %arg8[%swap3A_829, %swap3A_830] {strides = array<i32>} : memref<256x16xf32, #tpu.memory_space<vmem>>, vector<16xf32>,
        tpu.vector_store %arg8[%swap3A_829, %swap3A_830], %gather3A_827 {strides = array<i32>} : memref<256x16xf32, #tpu.memory_space<vmem>>, vector<16xf32>,
        %broadcast_in_dim3A_832 = arith.constant 114 : i32
        %broadcast_in_dim3A_833 = vector.broadcast %broadcast_in_dim3A_832 : i32 to vector<16xi32>
        %gather3A_834 = tpu.vector_load_idx %arg7[%iota3A, %broadcast_in_dim3A_833] : memref<16x256xf32, #tpu.memory_space<vmem>>[vector<16xi32>, vector<16xi32>], vector<16xf32>,
        %swap3A_835 = arith.constant 114 : i32
        %swap3A_836 = arith.index_cast %swap3A_835 : i32 to index
        %swap3A_837 = arith.constant 0 : index
        %swap3A_838 = tpu.vector_load %arg8[%swap3A_836, %swap3A_837] {strides = array<i32>} : memref<256x16xf32, #tpu.memory_space<vmem>>, vector<16xf32>,
        tpu.vector_store %arg8[%swap3A_836, %swap3A_837], %gather3A_834 {strides = array<i32>} : memref<256x16xf32, #tpu.memory_space<vmem>>, vector<16xf32>,
        %broadcast_in_dim3A_839 = arith.constant 115 : i32
        %broadcast_in_dim3A_840 = vector.broadcast %broadcast_in_dim3A_839 : i32 to vector<16xi32>
        %gather3A_841 = tpu.vector_load_idx %arg7[%iota3A, %broadcast_in_dim3A_840] : memref<16x256xf32, #tpu.memory_space<vmem>>[vector<16xi32>, vector<16xi32>], vector<16xf32>,
        %swap3A_842 = arith.constant 115 : i32
        %swap3A_843 = arith.index_cast %swap3A_842 : i32 to index
        %swap3A_844 = arith.constant 0 : index
        %swap3A_845 = tpu.vector_load %arg8[%swap3A_843, %swap3A_844] {strides = array<i32>} : memref<256x16xf32, #tpu.memory_space<vmem>>, vector<16xf32>,
        tpu.vector_store %arg8[%swap3A_843, %swap3A_844], %gather3A_841 {strides = array<i32>} : memref<256x16xf32, #tpu.memory_space<vmem>>, vector<16xf32>,
        %broadcast_in_dim3A_846 = arith.constant 116 : i32
        %broadcast_in_dim3A_847 = vector.broadcast %broadcast_in_dim3A_846 : i32 to vector<16xi32>
        %gather3A_848 = tpu.vector_load_idx %arg7[%iota3A, %broadcast_in_dim3A_847] : memref<16x256xf32, #tpu.memory_space<vmem>>[vector<16xi32>, vector<16xi32>], vector<16xf32>,
        %swap3A_849 = arith.constant 116 : i32
        %swap3A_850 = arith.index_cast %swap3A_849 : i32 to index
        %swap3A_851 = arith.constant 0 : index
        %swap3A_852 = tpu.vector_load %arg8[%swap3A_850, %swap3A_851] {strides = array<i32>} : memref<256x16xf32, #tpu.memory_space<vmem>>, vector<16xf32>,
        tpu.vector_store %arg8[%swap3A_850, %swap3A_851], %gather3A_848 {strides = array<i32>} : memref<256x16xf32, #tpu.memory_space<vmem>>, vector<16xf32>,
        %broadcast_in_dim3A_853 = arith.constant 117 : i32
        %broadcast_in_dim3A_854 = vector.broadcast %broadcast_in_dim3A_853 : i32 to vector<16xi32>
        %gather3A_855 = tpu.vector_load_idx %arg7[%iota3A, %broadcast_in_dim3A_854] : memref<16x256xf32, #tpu.memory_space<vmem>>[vector<16xi32>, vector<16xi32>], vector<16xf32>,
        %swap3A_856 = arith.constant 117 : i32
        %swap3A_857 = arith.index_cast %swap3A_856 : i32 to index
        %swap3A_858 = arith.constant 0 : index
        %swap3A_859 = tpu.vector_load %arg8[%swap3A_857, %swap3A_858] {strides = array<i32>} : memref<256x16xf32, #tpu.memory_space<vmem>>, vector<16xf32>,
        tpu.vector_store %arg8[%swap3A_857, %swap3A_858], %gather3A_855 {strides = array<i32>} : memref<256x16xf32, #tpu.memory_space<vmem>>, vector<16xf32>,
        %broadcast_in_dim3A_860 = arith.constant 118 : i32
        %broadcast_in_dim3A_861 = vector.broadcast %broadcast_in_dim3A_860 : i32 to vector<16xi32>
        %gather3A_862 = tpu.vector_load_idx %arg7[%iota3A, %broadcast_in_dim3A_861] : memref<16x256xf32, #tpu.memory_space<vmem>>[vector<16xi32>, vector<16xi32>], vector<16xf32>,
        %swap3A_863 = arith.constant 118 : i32
        %swap3A_864 = arith.index_cast %swap3A_863 : i32 to index
        %swap3A_865 = arith.constant 0 : index
        %swap3A_866 = tpu.vector_load %arg8[%swap3A_864, %swap3A_865] {strides = array<i32>} : memref<256x16xf32, #tpu.memory_space<vmem>>, vector<16xf32>,
        tpu.vector_store %arg8[%swap3A_864, %swap3A_865], %gather3A_862 {strides = array<i32>} : memref<256x16xf32, #tpu.memory_space<vmem>>, vector<16xf32>,
        %broadcast_in_dim3A_867 = arith.constant 119 : i32
        %broadcast_in_dim3A_868 = vector.broadcast %broadcast_in_dim3A_867 : i32 to vector<16xi32>
        %gather3A_869 = tpu.vector_load_idx %arg7[%iota3A, %broadcast_in_dim3A_868] : memref<16x256xf32, #tpu.memory_space<vmem>>[vector<16xi32>, vector<16xi32>], vector<16xf32>,
        %swap3A_870 = arith.constant 119 : i32
        %swap3A_871 = arith.index_cast %swap3A_870 : i32 to index
        %swap3A_872 = arith.constant 0 : index
        %swap3A_873 = tpu.vector_load %arg8[%swap3A_871, %swap3A_872] {strides = array<i32>} : memref<256x16xf32, #tpu.memory_space<vmem>>, vector<16xf32>,
        tpu.vector_store %arg8[%swap3A_871, %swap3A_872], %gather3A_869 {strides = array<i32>} : memref<256x16xf32, #tpu.memory_space<vmem>>, vector<16xf32>,
        %broadcast_in_dim3A_874 = arith.constant 120 : i32
        %broadcast_in_dim3A_875 = vector.broadcast %broadcast_in_dim3A_874 : i32 to vector<16xi32>
        %gather3A_876 = tpu.vector_load_idx %arg7[%iota3A, %broadcast_in_dim3A_875] : memref<16x256xf32, #tpu.memory_space<vmem>>[vector<16xi32>, vector<16xi32>], vector<16xf32>,
        %swap3A_877 = arith.constant 120 : i32
        %swap3A_878 = arith.index_cast %swap3A_877 : i32 to index
        %swap3A_879 = arith.constant 0 : index
        %swap3A_880 = tpu.vector_load %arg8[%swap3A_878, %swap3A_879] {strides = array<i32>} : memref<256x16xf32, #tpu.memory_space<vmem>>, vector<16xf32>,
        tpu.vector_store %arg8[%swap3A_878, %swap3A_879], %gather3A_876 {strides = array<i32>} : memref<256x16xf32, #tpu.memory_space<vmem>>, vector<16xf32>,
        %broadcast_in_dim3A_881 = arith.constant 121 : i32
        %broadcast_in_dim3A_882 = vector.broadcast %broadcast_in_dim3A_881 : i32 to vector<16xi32>
        %gather3A_883 = tpu.vector_load_idx %arg7[%iota3A, %broadcast_in_dim3A_882] : memref<16x256xf32, #tpu.memory_space<vmem>>[vector<16xi32>, vector<16xi32>], vector<16xf32>,
        %swap3A_884 = arith.constant 121 : i32
        %swap3A_885 = arith.index_cast %swap3A_884 : i32 to index
        %swap3A_886 = arith.constant 0 : index
        %swap3A_887 = tpu.vector_load %arg8[%swap3A_885, %swap3A_886] {strides = array<i32>} : memref<256x16xf32, #tpu.memory_space<vmem>>, vector<16xf32>,
        tpu.vector_store %arg8[%swap3A_885, %swap3A_886], %gather3A_883 {strides = array<i32>} : memref<256x16xf32, #tpu.memory_space<vmem>>, vector<16xf32>,
        %broadcast_in_dim3A_888 = arith.constant 122 : i32
        %broadcast_in_dim3A_889 = vector.broadcast %broadcast_in_dim3A_888 : i32 to vector<16xi32>
        %gather3A_890 = tpu.vector_load_idx %arg7[%iota3A, %broadcast_in_dim3A_889] : memref<16x256xf32, #tpu.memory_space<vmem>>[vector<16xi32>, vector<16xi32>], vector<16xf32>,
        %swap3A_891 = arith.constant 122 : i32
        %swap3A_892 = arith.index_cast %swap3A_891 : i32 to index
        %swap3A_893 = arith.constant 0 : index
        %swap3A_894 = tpu.vector_load %arg8[%swap3A_892, %swap3A_893] {strides = array<i32>} : memref<256x16xf32, #tpu.memory_space<vmem>>, vector<16xf32>,
        tpu.vector_store %arg8[%swap3A_892, %swap3A_893], %gather3A_890 {strides = array<i32>} : memref<256x16xf32, #tpu.memory_space<vmem>>, vector<16xf32>,
        %broadcast_in_dim3A_895 = arith.constant 123 : i32
        %broadcast_in_dim3A_896 = vector.broadcast %broadcast_in_dim3A_895 : i32 to vector<16xi32>
        %gather3A_897 = tpu.vector_load_idx %arg7[%iota3A, %broadcast_in_dim3A_896] : memref<16x256xf32, #tpu.memory_space<vmem>>[vector<16xi32>, vector<16xi32>], vector<16xf32>,
        %swap3A_898 = arith.constant 123 : i32
        %swap3A_899 = arith.index_cast %swap3A_898 : i32 to index
        %swap3A_900 = arith.constant 0 : index
        %swap3A_901 = tpu.vector_load %arg8[%swap3A_899, %swap3A_900] {strides = array<i32>} : memref<256x16xf32, #tpu.memory_space<vmem>>, vector<16xf32>,
        tpu.vector_store %arg8[%swap3A_899, %swap3A_900], %gather3A_897 {strides = array<i32>} : memref<256x16xf32, #tpu.memory_space<vmem>>, vector<16xf32>,
        %broadcast_in_dim3A_902 = arith.constant 124 : i32
        %broadcast_in_dim3A_903 = vector.broadcast %broadcast_in_dim3A_902 : i32 to vector<16xi32>
        %gather3A_904 = tpu.vector_load_idx %arg7[%iota3A, %broadcast_in_dim3A_903] : memref<16x256xf32, #tpu.memory_space<vmem>>[vector<16xi32>, vector<16xi32>], vector<16xf32>,
        %swap3A_905 = arith.constant 124 : i32
        %swap3A_906 = arith.index_cast %swap3A_905 : i32 to index
        %swap3A_907 = arith.constant 0 : index
        %swap3A_908 = tpu.vector_load %arg8[%swap3A_906, %swap3A_907] {strides = array<i32>} : memref<256x16xf32, #tpu.memory_space<vmem>>, vector<16xf32>,
        tpu.vector_store %arg8[%swap3A_906, %swap3A_907], %gather3A_904 {strides = array<i32>} : memref<256x16xf32, #tpu.memory_space<vmem>>, vector<16xf32>,
        %broadcast_in_dim3A_909 = arith.constant 125 : i32
        %broadcast_in_dim3A_910 = vector.broadcast %broadcast_in_dim3A_909 : i32 to vector<16xi32>
        %gather3A_911 = tpu.vector_load_idx %arg7[%iota3A, %broadcast_in_dim3A_910] : memref<16x256xf32, #tpu.memory_space<vmem>>[vector<16xi32>, vector<16xi32>], vector<16xf32>,
        %swap3A_912 = arith.constant 125 : i32
        %swap3A_913 = arith.index_cast %swap3A_912 : i32 to index
        %swap3A_914 = arith.constant 0 : index
        %swap3A_915 = tpu.vector_load %arg8[%swap3A_913, %swap3A_914] {strides = array<i32>} : memref<256x16xf32, #tpu.memory_space<vmem>>, vector<16xf32>,
        tpu.vector_store %arg8[%swap3A_913, %swap3A_914], %gather3A_911 {strides = array<i32>} : memref<256x16xf32, #tpu.memory_space<vmem>>, vector<16xf32>,
        %broadcast_in_dim3A_916 = arith.constant 126 : i32
        %broadcast_in_dim3A_917 = vector.broadcast %broadcast_in_dim3A_916 : i32 to vector<16xi32>
        %gather3A_918 = tpu.vector_load_idx %arg7[%iota3A, %broadcast_in_dim3A_917] : memref<16x256xf32, #tpu.memory_space<vmem>>[vector<16xi32>, vector<16xi32>], vector<16xf32>,
        %swap3A_919 = arith.constant 126 : i32
        %swap3A_920 = arith.index_cast %swap3A_919 : i32 to index
        %swap3A_921 = arith.constant 0 : index
        %swap3A_922 = tpu.vector_load %arg8[%swap3A_920, %swap3A_921] {strides = array<i32>} : memref<256x16xf32, #tpu.memory_space<vmem>>, vector<16xf32>,
        tpu.vector_store %arg8[%swap3A_920, %swap3A_921], %gather3A_918 {strides = array<i32>} : memref<256x16xf32, #tpu.memory_space<vmem>>, vector<16xf32>,
        %broadcast_in_dim3A_923 = arith.constant 127 : i32
        %broadcast_in_dim3A_924 = vector.broadcast %broadcast_in_dim3A_923 : i32 to vector<16xi32>
        %gather3A_925 = tpu.vector_load_idx %arg7[%iota3A, %broadcast_in_dim3A_924] : memref<16x256xf32, #tpu.memory_space<vmem>>[vector<16xi32>, vector<16xi32>], vector<16xf32>,
        %swap3A_926 = arith.constant 127 : i32
        %swap3A_927 = arith.index_cast %swap3A_926 : i32 to index
        %swap3A_928 = arith.constant 0 : index
        %swap3A_929 = tpu.vector_load %arg8[%swap3A_927, %swap3A_928] {strides = array<i32>} : memref<256x16xf32, #tpu.memory_space<vmem>>, vector<16xf32>,
        tpu.vector_store %arg8[%swap3A_927, %swap3A_928], %gather3A_925 {strides = array<i32>} : memref<256x16xf32, #tpu.memory_space<vmem>>, vector<16xf32>,
        %broadcast_in_dim3A_930 = arith.constant 128 : i32
        %broadcast_in_dim3A_931 = vector.broadcast %broadcast_in_dim3A_930 : i32 to vector<16xi32>
        %gather3A_932 = tpu.vector_load_idx %arg7[%iota3A, %broadcast_in_dim3A_931] : memref<16x256xf32, #tpu.memory_space<vmem>>[vector<16xi32>, vector<16xi32>], vector<16xf32>,
        %swap3A_933 = arith.constant 128 : i32
        %swap3A_934 = arith.index_cast %swap3A_933 : i32 to index
        %swap3A_935 = arith.constant 0 : index
        %swap3A_936 = tpu.vector_load %arg8[%swap3A_934, %swap3A_935] {strides = array<i32>} : memref<256x16xf32, #tpu.memory_space<vmem>>, vector<16xf32>,
        tpu.vector_store %arg8[%swap3A_934, %swap3A_935], %gather3A_932 {strides = array<i32>} : memref<256x16xf32, #tpu.memory_space<vmem>>, vector<16xf32>,
        %broadcast_in_dim3A_937 = arith.constant 129 : i32
        %broadcast_in_dim3A_938 = vector.broadcast %broadcast_in_dim3A_937 : i32 to vector<16xi32>
        %gather3A_939 = tpu.vector_load_idx %arg7[%iota3A, %broadcast_in_dim3A_938] : memref<16x256xf32, #tpu.memory_space<vmem>>[vector<16xi32>, vector<16xi32>], vector<16xf32>,
        %swap3A_940 = arith.constant 129 : i32
        %swap3A_941 = arith.index_cast %swap3A_940 : i32 to index
        %swap3A_942 = arith.constant 0 : index
        %swap3A_943 = tpu.vector_load %arg8[%swap3A_941, %swap3A_942] {strides = array<i32>} : memref<256x16xf32, #tpu.memory_space<vmem>>, vector<16xf32>,
        tpu.vector_store %arg8[%swap3A_941, %swap3A_942], %gather3A_939 {strides = array<i32>} : memref<256x16xf32, #tpu.memory_space<vmem>>, vector<16xf32>,
        %broadcast_in_dim3A_944 = arith.constant 130 : i32
        %broadcast_in_dim3A_945 = vector.broadcast %broadcast_in_dim3A_944 : i32 to vector<16xi32>
        %gather3A_946 = tpu.vector_load_idx %arg7[%iota3A, %broadcast_in_dim3A_945] : memref<16x256xf32, #tpu.memory_space<vmem>>[vector<16xi32>, vector<16xi32>], vector<16xf32>,
        %swap3A_947 = arith.constant 130 : i32
        %swap3A_948 = arith.index_cast %swap3A_947 : i32 to index
        %swap3A_949 = arith.constant 0 : index
        %swap3A_950 = tpu.vector_load %arg8[%swap3A_948, %swap3A_949] {strides = array<i32>} : memref<256x16xf32, #tpu.memory_space<vmem>>, vector<16xf32>,
        tpu.vector_store %arg8[%swap3A_948, %swap3A_949], %gather3A_946 {strides = array<i32>} : memref<256x16xf32, #tpu.memory_space<vmem>>, vector<16xf32>,
        %broadcast_in_dim3A_951 = arith.constant 131 : i32
        %broadcast_in_dim3A_952 = vector.broadcast %broadcast_in_dim3A_951 : i32 to vector<16xi32>
        %gather3A_953 = tpu.vector_load_idx %arg7[%iota3A, %broadcast_in_dim3A_952] : memref<16x256xf32, #tpu.memory_space<vmem>>[vector<16xi32>, vector<16xi32>], vector<16xf32>,
        %swap3A_954 = arith.constant 131 : i32
        %swap3A_955 = arith.index_cast %swap3A_954 : i32 to index
        %swap3A_956 = arith.constant 0 : index
        %swap3A_957 = tpu.vector_load %arg8[%swap3A_955, %swap3A_956] {strides = array<i32>} : memref<256x16xf32, #tpu.memory_space<vmem>>, vector<16xf32>,
        tpu.vector_store %arg8[%swap3A_955, %swap3A_956], %gather3A_953 {strides = array<i32>} : memref<256x16xf32, #tpu.memory_space<vmem>>, vector<16xf32>,
        %broadcast_in_dim3A_958 = arith.constant 132 : i32
        %broadcast_in_dim3A_959 = vector.broadcast %broadcast_in_dim3A_958 : i32 to vector<16xi32>
        %gather3A_960 = tpu.vector_load_idx %arg7[%iota3A, %broadcast_in_dim3A_959] : memref<16x256xf32, #tpu.memory_space<vmem>>[vector<16xi32>, vector<16xi32>], vector<16xf32>,
        %swap3A_961 = arith.constant 132 : i32
        %swap3A_962 = arith.index_cast %swap3A_961 : i32 to index
        %swap3A_963 = arith.constant 0 : index
        %swap3A_964 = tpu.vector_load %arg8[%swap3A_962, %swap3A_963] {strides = array<i32>} : memref<256x16xf32, #tpu.memory_space<vmem>>, vector<16xf32>,
        tpu.vector_store %arg8[%swap3A_962, %swap3A_963], %gather3A_960 {strides = array<i32>} : memref<256x16xf32, #tpu.memory_space<vmem>>, vector<16xf32>,
        %broadcast_in_dim3A_965 = arith.constant 133 : i32
        %broadcast_in_dim3A_966 = vector.broadcast %broadcast_in_dim3A_965 : i32 to vector<16xi32>
        %gather3A_967 = tpu.vector_load_idx %arg7[%iota3A, %broadcast_in_dim3A_966] : memref<16x256xf32, #tpu.memory_space<vmem>>[vector<16xi32>, vector<16xi32>], vector<16xf32>,
        %swap3A_968 = arith.constant 133 : i32
        %swap3A_969 = arith.index_cast %swap3A_968 : i32 to index
        %swap3A_970 = arith.constant 0 : index
        %swap3A_971 = tpu.vector_load %arg8[%swap3A_969, %swap3A_970] {strides = array<i32>} : memref<256x16xf32, #tpu.memory_space<vmem>>, vector<16xf32>,
        tpu.vector_store %arg8[%swap3A_969, %swap3A_970], %gather3A_967 {strides = array<i32>} : memref<256x16xf32, #tpu.memory_space<vmem>>, vector<16xf32>,
        %broadcast_in_dim3A_972 = arith.constant 134 : i32
        %broadcast_in_dim3A_973 = vector.broadcast %broadcast_in_dim3A_972 : i32 to vector<16xi32>
        %gather3A_974 = tpu.vector_load_idx %arg7[%iota3A, %broadcast_in_dim3A_973] : memref<16x256xf32, #tpu.memory_space<vmem>>[vector<16xi32>, vector<16xi32>], vector<16xf32>,
        %swap3A_975 = arith.constant 134 : i32
        %swap3A_976 = arith.index_cast %swap3A_975 : i32 to index
        %swap3A_977 = arith.constant 0 : index
        %swap3A_978 = tpu.vector_load %arg8[%swap3A_976, %swap3A_977] {strides = array<i32>} : memref<256x16xf32, #tpu.memory_space<vmem>>, vector<16xf32>,
        tpu.vector_store %arg8[%swap3A_976, %swap3A_977], %gather3A_974 {strides = array<i32>} : memref<256x16xf32, #tpu.memory_space<vmem>>, vector<16xf32>,
        %broadcast_in_dim3A_979 = arith.constant 135 : i32
        %broadcast_in_dim3A_980 = vector.broadcast %broadcast_in_dim3A_979 : i32 to vector<16xi32>
        %gather3A_981 = tpu.vector_load_idx %arg7[%iota3A, %broadcast_in_dim3A_980] : memref<16x256xf32, #tpu.memory_space<vmem>>[vector<16xi32>, vector<16xi32>], vector<16xf32>,
        %swap3A_982 = arith.constant 135 : i32
        %swap3A_983 = arith.index_cast %swap3A_982 : i32 to index
        %swap3A_984 = arith.constant 0 : index
        %swap3A_985 = tpu.vector_load %arg8[%swap3A_983, %swap3A_984] {strides = array<i32>} : memref<256x16xf32, #tpu.memory_space<vmem>>, vector<16xf32>,
        tpu.vector_store %arg8[%swap3A_983, %swap3A_984], %gather3A_981 {strides = array<i32>} : memref<256x16xf32, #tpu.memory_space<vmem>>, vector<16xf32>,
        %broadcast_in_dim3A_986 = arith.constant 136 : i32
        %broadcast_in_dim3A_987 = vector.broadcast %broadcast_in_dim3A_986 : i32 to vector<16xi32>
        %gather3A_988 = tpu.vector_load_idx %arg7[%iota3A, %broadcast_in_dim3A_987] : memref<16x256xf32, #tpu.memory_space<vmem>>[vector<16xi32>, vector<16xi32>], vector<16xf32>,
        %swap3A_989 = arith.constant 136 : i32
        %swap3A_990 = arith.index_cast %swap3A_989 : i32 to index
        %swap3A_991 = arith.constant 0 : index
        %swap3A_992 = tpu.vector_load %arg8[%swap3A_990, %swap3A_991] {strides = array<i32>} : memref<256x16xf32, #tpu.memory_space<vmem>>, vector<16xf32>,
        tpu.vector_store %arg8[%swap3A_990, %swap3A_991], %gather3A_988 {strides = array<i32>} : memref<256x16xf32, #tpu.memory_space<vmem>>, vector<16xf32>,
        %broadcast_in_dim3A_993 = arith.constant 137 : i32
        %broadcast_in_dim3A_994 = vector.broadcast %broadcast_in_dim3A_993 : i32 to vector<16xi32>
        %gather3A_995 = tpu.vector_load_idx %arg7[%iota3A, %broadcast_in_dim3A_994] : memref<16x256xf32, #tpu.memory_space<vmem>>[vector<16xi32>, vector<16xi32>], vector<16xf32>,
        %swap3A_996 = arith.constant 137 : i32
        %swap3A_997 = arith.index_cast %swap3A_996 : i32 to index
        %swap3A_998 = arith.constant 0 : index
        %swap3A_999 = tpu.vector_load %arg8[%swap3A_997, %swap3A_998] {strides = array<i32>} : memref<256x16xf32, #tpu.memory_space<vmem>>, vector<16xf32>,
        tpu.vector_store %arg8[%swap3A_997, %swap3A_998], %gather3A_995 {strides = array<i32>} : memref<256x16xf32, #tpu.memory_space<vmem>>, vector<16xf32>,
        %broadcast_in_dim3A_1000 = arith.constant 138 : i32
        %broadcast_in_dim3A_1001 = vector.broadcast %broadcast_in_dim3A_1000 : i32 to vector<16xi32>
        %gather3A_1002 = tpu.vector_load_idx %arg7[%iota3A, %broadcast_in_dim3A_1001] : memref<16x256xf32, #tpu.memory_space<vmem>>[vector<16xi32>, vector<16xi32>], vector<16xf32>,
        %swap3A_1003 = arith.constant 138 : i32
        %swap3A_1004 = arith.index_cast %swap3A_1003 : i32 to index
        %swap3A_1005 = arith.constant 0 : index
        %swap3A_1006 = tpu.vector_load %arg8[%swap3A_1004, %swap3A_1005] {strides = array<i32>} : memref<256x16xf32, #tpu.memory_space<vmem>>, vector<16xf32>,
        tpu.vector_store %arg8[%swap3A_1004, %swap3A_1005], %gather3A_1002 {strides = array<i32>} : memref<256x16xf32, #tpu.memory_space<vmem>>, vector<16xf32>,
        %broadcast_in_dim3A_1007 = arith.constant 139 : i32
        %broadcast_in_dim3A_1008 = vector.broadcast %broadcast_in_dim3A_1007 : i32 to vector<16xi32>
        %gather3A_1009 = tpu.vector_load_idx %arg7[%iota3A, %broadcast_in_dim3A_1008] : memref<16x256xf32, #tpu.memory_space<vmem>>[vector<16xi32>, vector<16xi32>], vector<16xf32>,
        %swap3A_1010 = arith.constant 139 : i32
        %swap3A_1011 = arith.index_cast %swap3A_1010 : i32 to index
        %swap3A_1012 = arith.constant 0 : index
        %swap3A_1013 = tpu.vector_load %arg8[%swap3A_1011, %swap3A_1012] {strides = array<i32>} : memref<256x16xf32, #tpu.memory_space<vmem>>, vector<16xf32>,
        tpu.vector_store %arg8[%swap3A_1011, %swap3A_1012], %gather3A_1009 {strides = array<i32>} : memref<256x16xf32, #tpu.memory_space<vmem>>, vector<16xf32>,
        %broadcast_in_dim3A_1014 = arith.constant 140 : i32
        %broadcast_in_dim3A_1015 = vector.broadcast %broadcast_in_dim3A_1014 : i32 to vector<16xi32>
        %gather3A_1016 = tpu.vector_load_idx %arg7[%iota3A, %broadcast_in_dim3A_1015] : memref<16x256xf32, #tpu.memory_space<vmem>>[vector<16xi32>, vector<16xi32>], vector<16xf32>,
        %swap3A_1017 = arith.constant 140 : i32
        %swap3A_1018 = arith.index_cast %swap3A_1017 : i32 to index
        %swap3A_1019 = arith.constant 0 : index
        %swap3A_1020 = tpu.vector_load %arg8[%swap3A_1018, %swap3A_1019] {strides = array<i32>} : memref<256x16xf32, #tpu.memory_space<vmem>>, vector<16xf32>,
        tpu.vector_store %arg8[%swap3A_1018, %swap3A_1019], %gather3A_1016 {strides = array<i32>} : memref<256x16xf32, #tpu.memory_space<vmem>>, vector<16xf32>,
        %broadcast_in_dim3A_1021 = arith.constant 141 : i32
        %broadcast_in_dim3A_1022 = vector.broadcast %broadcast_in_dim3A_1021 : i32 to vector<16xi32>
        %gather3A_1023 = tpu.vector_load_idx %arg7[%iota3A, %broadcast_in_dim3A_1022] : memref<16x256xf32, #tpu.memory_space<vmem>>[vector<16xi32>, vector<16xi32>], vector<16xf32>,
        %swap3A_1024 = arith.constant 141 : i32
        %swap3A_1025 = arith.index_cast %swap3A_1024 : i32 to index
        %swap3A_1026 = arith.constant 0 : index
        %swap3A_1027 = tpu.vector_load %arg8[%swap3A_1025, %swap3A_1026] {strides = array<i32>} : memref<256x16xf32, #tpu.memory_space<vmem>>, vector<16xf32>,
        tpu.vector_store %arg8[%swap3A_1025, %swap3A_1026], %gather3A_1023 {strides = array<i32>} : memref<256x16xf32, #tpu.memory_space<vmem>>, vector<16xf32>,
        %broadcast_in_dim3A_1028 = arith.constant 142 : i32
        %broadcast_in_dim3A_1029 = vector.broadcast %broadcast_in_dim3A_1028 : i32 to vector<16xi32>
        %gather3A_1030 = tpu.vector_load_idx %arg7[%iota3A, %broadcast_in_dim3A_1029] : memref<16x256xf32, #tpu.memory_space<vmem>>[vector<16xi32>, vector<16xi32>], vector<16xf32>,
        %swap3A_1031 = arith.constant 142 : i32
        %swap3A_1032 = arith.index_cast %swap3A_1031 : i32 to index
        %swap3A_1033 = arith.constant 0 : index
        %swap3A_1034 = tpu.vector_load %arg8[%swap3A_1032, %swap3A_1033] {strides = array<i32>} : memref<256x16xf32, #tpu.memory_space<vmem>>, vector<16xf32>,
        tpu.vector_store %arg8[%swap3A_1032, %swap3A_1033], %gather3A_1030 {strides = array<i32>} : memref<256x16xf32, #tpu.memory_space<vmem>>, vector<16xf32>,
        %broadcast_in_dim3A_1035 = arith.constant 143 : i32
        %broadcast_in_dim3A_1036 = vector.broadcast %broadcast_in_dim3A_1035 : i32 to vector<16xi32>
        %gather3A_1037 = tpu.vector_load_idx %arg7[%iota3A, %broadcast_in_dim3A_1036] : memref<16x256xf32, #tpu.memory_space<vmem>>[vector<16xi32>, vector<16xi32>], vector<16xf32>,
        %swap3A_1038 = arith.constant 143 : i32
        %swap3A_1039 = arith.index_cast %swap3A_1038 : i32 to index
        %swap3A_1040 = arith.constant 0 : index
        %swap3A_1041 = tpu.vector_load %arg8[%swap3A_1039, %swap3A_1040] {strides = array<i32>} : memref<256x16xf32, #tpu.memory_space<vmem>>, vector<16xf32>,
        tpu.vector_store %arg8[%swap3A_1039, %swap3A_1040], %gather3A_1037 {strides = array<i32>} : memref<256x16xf32, #tpu.memory_space<vmem>>, vector<16xf32>,
        %broadcast_in_dim3A_1042 = arith.constant 144 : i32
        %broadcast_in_dim3A_1043 = vector.broadcast %broadcast_in_dim3A_1042 : i32 to vector<16xi32>
        %gather3A_1044 = tpu.vector_load_idx %arg7[%iota3A, %broadcast_in_dim3A_1043] : memref<16x256xf32, #tpu.memory_space<vmem>>[vector<16xi32>, vector<16xi32>], vector<16xf32>,
        %swap3A_1045 = arith.constant 144 : i32
        %swap3A_1046 = arith.index_cast %swap3A_1045 : i32 to index
        %swap3A_1047 = arith.constant 0 : index
        %swap3A_1048 = tpu.vector_load %arg8[%swap3A_1046, %swap3A_1047] {strides = array<i32>} : memref<256x16xf32, #tpu.memory_space<vmem>>, vector<16xf32>,
        tpu.vector_store %arg8[%swap3A_1046, %swap3A_1047], %gather3A_1044 {strides = array<i32>} : memref<256x16xf32, #tpu.memory_space<vmem>>, vector<16xf32>,
        %broadcast_in_dim3A_1049 = arith.constant 145 : i32
        %broadcast_in_dim3A_1050 = vector.broadcast %broadcast_in_dim3A_1049 : i32 to vector<16xi32>
        %gather3A_1051 = tpu.vector_load_idx %arg7[%iota3A, %broadcast_in_dim3A_1050] : memref<16x256xf32, #tpu.memory_space<vmem>>[vector<16xi32>, vector<16xi32>], vector<16xf32>,
        %swap3A_1052 = arith.constant 145 : i32
        %swap3A_1053 = arith.index_cast %swap3A_1052 : i32 to index
        %swap3A_1054 = arith.constant 0 : index
        %swap3A_1055 = tpu.vector_load %arg8[%swap3A_1053, %swap3A_1054] {strides = array<i32>} : memref<256x16xf32, #tpu.memory_space<vmem>>, vector<16xf32>,
        tpu.vector_store %arg8[%swap3A_1053, %swap3A_1054], %gather3A_1051 {strides = array<i32>} : memref<256x16xf32, #tpu.memory_space<vmem>>, vector<16xf32>,
        %broadcast_in_dim3A_1056 = arith.constant 146 : i32
        %broadcast_in_dim3A_1057 = vector.broadcast %broadcast_in_dim3A_1056 : i32 to vector<16xi32>
        %gather3A_1058 = tpu.vector_load_idx %arg7[%iota3A, %broadcast_in_dim3A_1057] : memref<16x256xf32, #tpu.memory_space<vmem>>[vector<16xi32>, vector<16xi32>], vector<16xf32>,
        %swap3A_1059 = arith.constant 146 : i32
        %swap3A_1060 = arith.index_cast %swap3A_1059 : i32 to index
        %swap3A_1061 = arith.constant 0 : index
        %swap3A_1062 = tpu.vector_load %arg8[%swap3A_1060, %swap3A_1061] {strides = array<i32>} : memref<256x16xf32, #tpu.memory_space<vmem>>, vector<16xf32>,
        tpu.vector_store %arg8[%swap3A_1060, %swap3A_1061], %gather3A_1058 {strides = array<i32>} : memref<256x16xf32, #tpu.memory_space<vmem>>, vector<16xf32>,
        %broadcast_in_dim3A_1063 = arith.constant 147 : i32
        %broadcast_in_dim3A_1064 = vector.broadcast %broadcast_in_dim3A_1063 : i32 to vector<16xi32>
        %gather3A_1065 = tpu.vector_load_idx %arg7[%iota3A, %broadcast_in_dim3A_1064] : memref<16x256xf32, #tpu.memory_space<vmem>>[vector<16xi32>, vector<16xi32>], vector<16xf32>,
        %swap3A_1066 = arith.constant 147 : i32
        %swap3A_1067 = arith.index_cast %swap3A_1066 : i32 to index
        %swap3A_1068 = arith.constant 0 : index
        %swap3A_1069 = tpu.vector_load %arg8[%swap3A_1067, %swap3A_1068] {strides = array<i32>} : memref<256x16xf32, #tpu.memory_space<vmem>>, vector<16xf32>,
        tpu.vector_store %arg8[%swap3A_1067, %swap3A_1068], %gather3A_1065 {strides = array<i32>} : memref<256x16xf32, #tpu.memory_space<vmem>>, vector<16xf32>,
        %broadcast_in_dim3A_1070 = arith.constant 148 : i32
        %broadcast_in_dim3A_1071 = vector.broadcast %broadcast_in_dim3A_1070 : i32 to vector<16xi32>
        %gather3A_1072 = tpu.vector_load_idx %arg7[%iota3A, %broadcast_in_dim3A_1071] : memref<16x256xf32, #tpu.memory_space<vmem>>[vector<16xi32>, vector<16xi32>], vector<16xf32>,
        %swap3A_1073 = arith.constant 148 : i32
        %swap3A_1074 = arith.index_cast %swap3A_1073 : i32 to index
        %swap3A_1075 = arith.constant 0 : index
        %swap3A_1076 = tpu.vector_load %arg8[%swap3A_1074, %swap3A_1075] {strides = array<i32>} : memref<256x16xf32, #tpu.memory_space<vmem>>, vector<16xf32>,
        tpu.vector_store %arg8[%swap3A_1074, %swap3A_1075], %gather3A_1072 {strides = array<i32>} : memref<256x16xf32, #tpu.memory_space<vmem>>, vector<16xf32>,
        %broadcast_in_dim3A_1077 = arith.constant 149 : i32
        %broadcast_in_dim3A_1078 = vector.broadcast %broadcast_in_dim3A_1077 : i32 to vector<16xi32>
        %gather3A_1079 = tpu.vector_load_idx %arg7[%iota3A, %broadcast_in_dim3A_1078] : memref<16x256xf32, #tpu.memory_space<vmem>>[vector<16xi32>, vector<16xi32>], vector<16xf32>,
        %swap3A_1080 = arith.constant 149 : i32
        %swap3A_1081 = arith.index_cast %swap3A_1080 : i32 to index
        %swap3A_1082 = arith.constant 0 : index
        %swap3A_1083 = tpu.vector_load %arg8[%swap3A_1081, %swap3A_1082] {strides = array<i32>} : memref<256x16xf32, #tpu.memory_space<vmem>>, vector<16xf32>,
        tpu.vector_store %arg8[%swap3A_1081, %swap3A_1082], %gather3A_1079 {strides = array<i32>} : memref<256x16xf32, #tpu.memory_space<vmem>>, vector<16xf32>,
        %broadcast_in_dim3A_1084 = arith.constant 150 : i32
        %broadcast_in_dim3A_1085 = vector.broadcast %broadcast_in_dim3A_1084 : i32 to vector<16xi32>
        %gather3A_1086 = tpu.vector_load_idx %arg7[%iota3A, %broadcast_in_dim3A_1085] : memref<16x256xf32, #tpu.memory_space<vmem>>[vector<16xi32>, vector<16xi32>], vector<16xf32>,
        %swap3A_1087 = arith.constant 150 : i32
        %swap3A_1088 = arith.index_cast %swap3A_1087 : i32 to index
        %swap3A_1089 = arith.constant 0 : index
        %swap3A_1090 = tpu.vector_load %arg8[%swap3A_1088, %swap3A_1089] {strides = array<i32>} : memref<256x16xf32, #tpu.memory_space<vmem>>, vector<16xf32>,
        tpu.vector_store %arg8[%swap3A_1088, %swap3A_1089], %gather3A_1086 {strides = array<i32>} : memref<256x16xf32, #tpu.memory_space<vmem>>, vector<16xf32>,
        %broadcast_in_dim3A_1091 = arith.constant 151 : i32
        %broadcast_in_dim3A_1092 = vector.broadcast %broadcast_in_dim3A_1091 : i32 to vector<16xi32>
        %gather3A_1093 = tpu.vector_load_idx %arg7[%iota3A, %broadcast_in_dim3A_1092] : memref<16x256xf32, #tpu.memory_space<vmem>>[vector<16xi32>, vector<16xi32>], vector<16xf32>,
        %swap3A_1094 = arith.constant 151 : i32
        %swap3A_1095 = arith.index_cast %swap3A_1094 : i32 to index
        %swap3A_1096 = arith.constant 0 : index
        %swap3A_1097 = tpu.vector_load %arg8[%swap3A_1095, %swap3A_1096] {strides = array<i32>} : memref<256x16xf32, #tpu.memory_space<vmem>>, vector<16xf32>,
        tpu.vector_store %arg8[%swap3A_1095, %swap3A_1096], %gather3A_1093 {strides = array<i32>} : memref<256x16xf32, #tpu.memory_space<vmem>>, vector<16xf32>,
        %broadcast_in_dim3A_1098 = arith.constant 152 : i32
        %broadcast_in_dim3A_1099 = vector.broadcast %broadcast_in_dim3A_1098 : i32 to vector<16xi32>
        %gather3A_1100 = tpu.vector_load_idx %arg7[%iota3A, %broadcast_in_dim3A_1099] : memref<16x256xf32, #tpu.memory_space<vmem>>[vector<16xi32>, vector<16xi32>], vector<16xf32>,
        %swap3A_1101 = arith.constant 152 : i32
        %swap3A_1102 = arith.index_cast %swap3A_1101 : i32 to index
        %swap3A_1103 = arith.constant 0 : index
        %swap3A_1104 = tpu.vector_load %arg8[%swap3A_1102, %swap3A_1103] {strides = array<i32>} : memref<256x16xf32, #tpu.memory_space<vmem>>, vector<16xf32>,
        tpu.vector_store %arg8[%swap3A_1102, %swap3A_1103], %gather3A_1100 {strides = array<i32>} : memref<256x16xf32, #tpu.memory_space<vmem>>, vector<16xf32>,
        %broadcast_in_dim3A_1105 = arith.constant 153 : i32
        %broadcast_in_dim3A_1106 = vector.broadcast %broadcast_in_dim3A_1105 : i32 to vector<16xi32>
        %gather3A_1107 = tpu.vector_load_idx %arg7[%iota3A, %broadcast_in_dim3A_1106] : memref<16x256xf32, #tpu.memory_space<vmem>>[vector<16xi32>, vector<16xi32>], vector<16xf32>,
        %swap3A_1108 = arith.constant 153 : i32
        %swap3A_1109 = arith.index_cast %swap3A_1108 : i32 to index
        %swap3A_1110 = arith.constant 0 : index
        %swap3A_1111 = tpu.vector_load %arg8[%swap3A_1109, %swap3A_1110] {strides = array<i32>} : memref<256x16xf32, #tpu.memory_space<vmem>>, vector<16xf32>,
        tpu.vector_store %arg8[%swap3A_1109, %swap3A_1110], %gather3A_1107 {strides = array<i32>} : memref<256x16xf32, #tpu.memory_space<vmem>>, vector<16xf32>,
        %broadcast_in_dim3A_1112 = arith.constant 154 : i32
        %broadcast_in_dim3A_1113 = vector.broadcast %broadcast_in_dim3A_1112 : i32 to vector<16xi32>
        %gather3A_1114 = tpu.vector_load_idx %arg7[%iota3A, %broadcast_in_dim3A_1113] : memref<16x256xf32, #tpu.memory_space<vmem>>[vector<16xi32>, vector<16xi32>], vector<16xf32>,
        %swap3A_1115 = arith.constant 154 : i32
        %swap3A_1116 = arith.index_cast %swap3A_1115 : i32 to index
        %swap3A_1117 = arith.constant 0 : index
        %swap3A_1118 = tpu.vector_load %arg8[%swap3A_1116, %swap3A_1117] {strides = array<i32>} : memref<256x16xf32, #tpu.memory_space<vmem>>, vector<16xf32>,
        tpu.vector_store %arg8[%swap3A_1116, %swap3A_1117], %gather3A_1114 {strides = array<i32>} : memref<256x16xf32, #tpu.memory_space<vmem>>, vector<16xf32>,
        %broadcast_in_dim3A_1119 = arith.constant 155 : i32
        %broadcast_in_dim3A_1120 = vector.broadcast %broadcast_in_dim3A_1119 : i32 to vector<16xi32>
        %gather3A_1121 = tpu.vector_load_idx %arg7[%iota3A, %broadcast_in_dim3A_1120] : memref<16x256xf32, #tpu.memory_space<vmem>>[vector<16xi32>, vector<16xi32>], vector<16xf32>,
        %swap3A_1122 = arith.constant 155 : i32
        %swap3A_1123 = arith.index_cast %swap3A_1122 : i32 to index
        %swap3A_1124 = arith.constant 0 : index
        %swap3A_1125 = tpu.vector_load %arg8[%swap3A_1123, %swap3A_1124] {strides = array<i32>} : memref<256x16xf32, #tpu.memory_space<vmem>>, vector<16xf32>,
        tpu.vector_store %arg8[%swap3A_1123, %swap3A_1124], %gather3A_1121 {strides = array<i32>} : memref<256x16xf32, #tpu.memory_space<vmem>>, vector<16xf32>,
        %broadcast_in_dim3A_1126 = arith.constant 156 : i32
        %broadcast_in_dim3A_1127 = vector.broadcast %broadcast_in_dim3A_1126 : i32 to vector<16xi32>
        %gather3A_1128 = tpu.vector_load_idx %arg7[%iota3A, %broadcast_in_dim3A_1127] : memref<16x256xf32, #tpu.memory_space<vmem>>[vector<16xi32>, vector<16xi32>], vector<16xf32>,
        %swap3A_1129 = arith.constant 156 : i32
        %swap3A_1130 = arith.index_cast %swap3A_1129 : i32 to index
        %swap3A_1131 = arith.constant 0 : index
        %swap3A_1132 = tpu.vector_load %arg8[%swap3A_1130, %swap3A_1131] {strides = array<i32>} : memref<256x16xf32, #tpu.memory_space<vmem>>, vector<16xf32>,
        tpu.vector_store %arg8[%swap3A_1130, %swap3A_1131], %gather3A_1128 {strides = array<i32>} : memref<256x16xf32, #tpu.memory_space<vmem>>, vector<16xf32>,
        %broadcast_in_dim3A_1133 = arith.constant 157 : i32
        %broadcast_in_dim3A_1134 = vector.broadcast %broadcast_in_dim3A_1133 : i32 to vector<16xi32>
        %gather3A_1135 = tpu.vector_load_idx %arg7[%iota3A, %broadcast_in_dim3A_1134] : memref<16x256xf32, #tpu.memory_space<vmem>>[vector<16xi32>, vector<16xi32>], vector<16xf32>,
        %swap3A_1136 = arith.constant 157 : i32
        %swap3A_1137 = arith.index_cast %swap3A_1136 : i32 to index
        %swap3A_1138 = arith.constant 0 : index
        %swap3A_1139 = tpu.vector_load %arg8[%swap3A_1137, %swap3A_1138] {strides = array<i32>} : memref<256x16xf32, #tpu.memory_space<vmem>>, vector<16xf32>,
        tpu.vector_store %arg8[%swap3A_1137, %swap3A_1138], %gather3A_1135 {strides = array<i32>} : memref<256x16xf32, #tpu.memory_space<vmem>>, vector<16xf32>,
        %broadcast_in_dim3A_1140 = arith.constant 158 : i32
        %broadcast_in_dim3A_1141 = vector.broadcast %broadcast_in_dim3A_1140 : i32 to vector<16xi32>
        %gather3A_1142 = tpu.vector_load_idx %arg7[%iota3A, %broadcast_in_dim3A_1141] : memref<16x256xf32, #tpu.memory_space<vmem>>[vector<16xi32>, vector<16xi32>], vector<16xf32>,
        %swap3A_1143 = arith.constant 158 : i32
        %swap3A_1144 = arith.index_cast %swap3A_1143 : i32 to index
        %swap3A_1145 = arith.constant 0 : index
        %swap3A_1146 = tpu.vector_load %arg8[%swap3A_1144, %swap3A_1145] {strides = array<i32>} : memref<256x16xf32, #tpu.memory_space<vmem>>, vector<16xf32>,
        tpu.vector_store %arg8[%swap3A_1144, %swap3A_1145], %gather3A_1142 {strides = array<i32>} : memref<256x16xf32, #tpu.memory_space<vmem>>, vector<16xf32>,
        %broadcast_in_dim3A_1147 = arith.constant 159 : i32
        %broadcast_in_dim3A_1148 = vector.broadcast %broadcast_in_dim3A_1147 : i32 to vector<16xi32>
        %gather3A_1149 = tpu.vector_load_idx %arg7[%iota3A, %broadcast_in_dim3A_1148] : memref<16x256xf32, #tpu.memory_space<vmem>>[vector<16xi32>, vector<16xi32>], vector<16xf32>,
        %swap3A_1150 = arith.constant 159 : i32
        %swap3A_1151 = arith.index_cast %swap3A_1150 : i32 to index
        %swap3A_1152 = arith.constant 0 : index
        %swap3A_1153 = tpu.vector_load %arg8[%swap3A_1151, %swap3A_1152] {strides = array<i32>} : memref<256x16xf32, #tpu.memory_space<vmem>>, vector<16xf32>,
        tpu.vector_store %arg8[%swap3A_1151, %swap3A_1152], %gather3A_1149 {strides = array<i32>} : memref<256x16xf32, #tpu.memory_space<vmem>>, vector<16xf32>,
        %broadcast_in_dim3A_1154 = arith.constant 160 : i32
        %broadcast_in_dim3A_1155 = vector.broadcast %broadcast_in_dim3A_1154 : i32 to vector<16xi32>
        %gather3A_1156 = tpu.vector_load_idx %arg7[%iota3A, %broadcast_in_dim3A_1155] : memref<16x256xf32, #tpu.memory_space<vmem>>[vector<16xi32>, vector<16xi32>], vector<16xf32>,
        %swap3A_1157 = arith.constant 160 : i32
        %swap3A_1158 = arith.index_cast %swap3A_1157 : i32 to index
        %swap3A_1159 = arith.constant 0 : index
        %swap3A_1160 = tpu.vector_load %arg8[%swap3A_1158, %swap3A_1159] {strides = array<i32>} : memref<256x16xf32, #tpu.memory_space<vmem>>, vector<16xf32>,
        tpu.vector_store %arg8[%swap3A_1158, %swap3A_1159], %gather3A_1156 {strides = array<i32>} : memref<256x16xf32, #tpu.memory_space<vmem>>, vector<16xf32>,
        %broadcast_in_dim3A_1161 = arith.constant 161 : i32
        %broadcast_in_dim3A_1162 = vector.broadcast %broadcast_in_dim3A_1161 : i32 to vector<16xi32>
        %gather3A_1163 = tpu.vector_load_idx %arg7[%iota3A, %broadcast_in_dim3A_1162] : memref<16x256xf32, #tpu.memory_space<vmem>>[vector<16xi32>, vector<16xi32>], vector<16xf32>,
        %swap3A_1164 = arith.constant 161 : i32
        %swap3A_1165 = arith.index_cast %swap3A_1164 : i32 to index
        %swap3A_1166 = arith.constant 0 : index
        %swap3A_1167 = tpu.vector_load %arg8[%swap3A_1165, %swap3A_1166] {strides = array<i32>} : memref<256x16xf32, #tpu.memory_space<vmem>>, vector<16xf32>,
        tpu.vector_store %arg8[%swap3A_1165, %swap3A_1166], %gather3A_1163 {strides = array<i32>} : memref<256x16xf32, #tpu.memory_space<vmem>>, vector<16xf32>,
        %broadcast_in_dim3A_1168 = arith.constant 162 : i32
        %broadcast_in_dim3A_1169 = vector.broadcast %broadcast_in_dim3A_1168 : i32 to vector<16xi32>
        %gather3A_1170 = tpu.vector_load_idx %arg7[%iota3A, %broadcast_in_dim3A_1169] : memref<16x256xf32, #tpu.memory_space<vmem>>[vector<16xi32>, vector<16xi32>], vector<16xf32>,
        %swap3A_1171 = arith.constant 162 : i32
        %swap3A_1172 = arith.index_cast %swap3A_1171 : i32 to index
        %swap3A_1173 = arith.constant 0 : index
        %swap3A_1174 = tpu.vector_load %arg8[%swap3A_1172, %swap3A_1173] {strides = array<i32>} : memref<256x16xf32, #tpu.memory_space<vmem>>, vector<16xf32>,
        tpu.vector_store %arg8[%swap3A_1172, %swap3A_1173], %gather3A_1170 {strides = array<i32>} : memref<256x16xf32, #tpu.memory_space<vmem>>, vector<16xf32>,
        %broadcast_in_dim3A_1175 = arith.constant 163 : i32
        %broadcast_in_dim3A_1176 = vector.broadcast %broadcast_in_dim3A_1175 : i32 to vector<16xi32>
        %gather3A_1177 = tpu.vector_load_idx %arg7[%iota3A, %broadcast_in_dim3A_1176] : memref<16x256xf32, #tpu.memory_space<vmem>>[vector<16xi32>, vector<16xi32>], vector<16xf32>,
        %swap3A_1178 = arith.constant 163 : i32
        %swap3A_1179 = arith.index_cast %swap3A_1178 : i32 to index
        %swap3A_1180 = arith.constant 0 : index
        %swap3A_1181 = tpu.vector_load %arg8[%swap3A_1179, %swap3A_1180] {strides = array<i32>} : memref<256x16xf32, #tpu.memory_space<vmem>>, vector<16xf32>,
        tpu.vector_store %arg8[%swap3A_1179, %swap3A_1180], %gather3A_1177 {strides = array<i32>} : memref<256x16xf32, #tpu.memory_space<vmem>>, vector<16xf32>,
        %broadcast_in_dim3A_1182 = arith.constant 164 : i32
        %broadcast_in_dim3A_1183 = vector.broadcast %broadcast_in_dim3A_1182 : i32 to vector<16xi32>
        %gather3A_1184 = tpu.vector_load_idx %arg7[%iota3A, %broadcast_in_dim3A_1183] : memref<16x256xf32, #tpu.memory_space<vmem>>[vector<16xi32>, vector<16xi32>], vector<16xf32>,
        %swap3A_1185 = arith.constant 164 : i32
        %swap3A_1186 = arith.index_cast %swap3A_1185 : i32 to index
        %swap3A_1187 = arith.constant 0 : index
        %swap3A_1188 = tpu.vector_load %arg8[%swap3A_1186, %swap3A_1187] {strides = array<i32>} : memref<256x16xf32, #tpu.memory_space<vmem>>, vector<16xf32>,
        tpu.vector_store %arg8[%swap3A_1186, %swap3A_1187], %gather3A_1184 {strides = array<i32>} : memref<256x16xf32, #tpu.memory_space<vmem>>, vector<16xf32>,
        %broadcast_in_dim3A_1189 = arith.constant 165 : i32
        %broadcast_in_dim3A_1190 = vector.broadcast %broadcast_in_dim3A_1189 : i32 to vector<16xi32>
        %gather3A_1191 = tpu.vector_load_idx %arg7[%iota3A, %broadcast_in_dim3A_1190] : memref<16x256xf32, #tpu.memory_space<vmem>>[vector<16xi32>, vector<16xi32>], vector<16xf32>,
        %swap3A_1192 = arith.constant 165 : i32
        %swap3A_1193 = arith.index_cast %swap3A_1192 : i32 to index
        %swap3A_1194 = arith.constant 0 : index
        %swap3A_1195 = tpu.vector_load %arg8[%swap3A_1193, %swap3A_1194] {strides = array<i32>} : memref<256x16xf32, #tpu.memory_space<vmem>>, vector<16xf32>,
        tpu.vector_store %arg8[%swap3A_1193, %swap3A_1194], %gather3A_1191 {strides = array<i32>} : memref<256x16xf32, #tpu.memory_space<vmem>>, vector<16xf32>,
        %broadcast_in_dim3A_1196 = arith.constant 166 : i32
        %broadcast_in_dim3A_1197 = vector.broadcast %broadcast_in_dim3A_1196 : i32 to vector<16xi32>
        %gather3A_1198 = tpu.vector_load_idx %arg7[%iota3A, %broadcast_in_dim3A_1197] : memref<16x256xf32, #tpu.memory_space<vmem>>[vector<16xi32>, vector<16xi32>], vector<16xf32>,
        %swap3A_1199 = arith.constant 166 : i32
        %swap3A_1200 = arith.index_cast %swap3A_1199 : i32 to index
        %swap3A_1201 = arith.constant 0 : index
        %swap3A_1202 = tpu.vector_load %arg8[%swap3A_1200, %swap3A_1201] {strides = array<i32>} : memref<256x16xf32, #tpu.memory_space<vmem>>, vector<16xf32>,
        tpu.vector_store %arg8[%swap3A_1200, %swap3A_1201], %gather3A_1198 {strides = array<i32>} : memref<256x16xf32, #tpu.memory_space<vmem>>, vector<16xf32>,
        %broadcast_in_dim3A_1203 = arith.constant 167 : i32
        %broadcast_in_dim3A_1204 = vector.broadcast %broadcast_in_dim3A_1203 : i32 to vector<16xi32>
        %gather3A_1205 = tpu.vector_load_idx %arg7[%iota3A, %broadcast_in_dim3A_1204] : memref<16x256xf32, #tpu.memory_space<vmem>>[vector<16xi32>, vector<16xi32>], vector<16xf32>,
        %swap3A_1206 = arith.constant 167 : i32
        %swap3A_1207 = arith.index_cast %swap3A_1206 : i32 to index
        %swap3A_1208 = arith.constant 0 : index
        %swap3A_1209 = tpu.vector_load %arg8[%swap3A_1207, %swap3A_1208] {strides = array<i32>} : memref<256x16xf32, #tpu.memory_space<vmem>>, vector<16xf32>,
        tpu.vector_store %arg8[%swap3A_1207, %swap3A_1208], %gather3A_1205 {strides = array<i32>} : memref<256x16xf32, #tpu.memory_space<vmem>>, vector<16xf32>,
        %broadcast_in_dim3A_1210 = arith.constant 168 : i32
        %broadcast_in_dim3A_1211 = vector.broadcast %broadcast_in_dim3A_1210 : i32 to vector<16xi32>
        %gather3A_1212 = tpu.vector_load_idx %arg7[%iota3A, %broadcast_in_dim3A_1211] : memref<16x256xf32, #tpu.memory_space<vmem>>[vector<16xi32>, vector<16xi32>], vector<16xf32>,
        %swap3A_1213 = arith.constant 168 : i32
        %swap3A_1214 = arith.index_cast %swap3A_1213 : i32 to index
        %swap3A_1215 = arith.constant 0 : index
        %swap3A_1216 = tpu.vector_load %arg8[%swap3A_1214, %swap3A_1215] {strides = array<i32>} : memref<256x16xf32, #tpu.memory_space<vmem>>, vector<16xf32>,
        tpu.vector_store %arg8[%swap3A_1214, %swap3A_1215], %gather3A_1212 {strides = array<i32>} : memref<256x16xf32, #tpu.memory_space<vmem>>, vector<16xf32>,
        %broadcast_in_dim3A_1217 = arith.constant 169 : i32
        %broadcast_in_dim3A_1218 = vector.broadcast %broadcast_in_dim3A_1217 : i32 to vector<16xi32>
        %gather3A_1219 = tpu.vector_load_idx %arg7[%iota3A, %broadcast_in_dim3A_1218] : memref<16x256xf32, #tpu.memory_space<vmem>>[vector<16xi32>, vector<16xi32>], vector<16xf32>,
        %swap3A_1220 = arith.constant 169 : i32
        %swap3A_1221 = arith.index_cast %swap3A_1220 : i32 to index
        %swap3A_1222 = arith.constant 0 : index
        %swap3A_1223 = tpu.vector_load %arg8[%swap3A_1221, %swap3A_1222] {strides = array<i32>} : memref<256x16xf32, #tpu.memory_space<vmem>>, vector<16xf32>,
        tpu.vector_store %arg8[%swap3A_1221, %swap3A_1222], %gather3A_1219 {strides = array<i32>} : memref<256x16xf32, #tpu.memory_space<vmem>>, vector<16xf32>,
        %broadcast_in_dim3A_1224 = arith.constant 170 : i32
        %broadcast_in_dim3A_1225 = vector.broadcast %broadcast_in_dim3A_1224 : i32 to vector<16xi32>
        %gather3A_1226 = tpu.vector_load_idx %arg7[%iota3A, %broadcast_in_dim3A_1225] : memref<16x256xf32, #tpu.memory_space<vmem>>[vector<16xi32>, vector<16xi32>], vector<16xf32>,
        %swap3A_1227 = arith.constant 170 : i32
        %swap3A_1228 = arith.index_cast %swap3A_1227 : i32 to index
        %swap3A_1229 = arith.constant 0 : index
        %swap3A_1230 = tpu.vector_load %arg8[%swap3A_1228, %swap3A_1229] {strides = array<i32>} : memref<256x16xf32, #tpu.memory_space<vmem>>, vector<16xf32>,
        tpu.vector_store %arg8[%swap3A_1228, %swap3A_1229], %gather3A_1226 {strides = array<i32>} : memref<256x16xf32, #tpu.memory_space<vmem>>, vector<16xf32>,
        %broadcast_in_dim3A_1231 = arith.constant 171 : i32
        %broadcast_in_dim3A_1232 = vector.broadcast %broadcast_in_dim3A_1231 : i32 to vector<16xi32>
        %gather3A_1233 = tpu.vector_load_idx %arg7[%iota3A, %broadcast_in_dim3A_1232] : memref<16x256xf32, #tpu.memory_space<vmem>>[vector<16xi32>, vector<16xi32>], vector<16xf32>,
        %swap3A_1234 = arith.constant 171 : i32
        %swap3A_1235 = arith.index_cast %swap3A_1234 : i32 to index
        %swap3A_1236 = arith.constant 0 : index
        %swap3A_1237 = tpu.vector_load %arg8[%swap3A_1235, %swap3A_1236] {strides = array<i32>} : memref<256x16xf32, #tpu.memory_space<vmem>>, vector<16xf32>,
        tpu.vector_store %arg8[%swap3A_1235, %swap3A_1236], %gather3A_1233 {strides = array<i32>} : memref<256x16xf32, #tpu.memory_space<vmem>>, vector<16xf32>,
        %broadcast_in_dim3A_1238 = arith.constant 172 : i32
        %broadcast_in_dim3A_1239 = vector.broadcast %broadcast_in_dim3A_1238 : i32 to vector<16xi32>
        %gather3A_1240 = tpu.vector_load_idx %arg7[%iota3A, %broadcast_in_dim3A_1239] : memref<16x256xf32, #tpu.memory_space<vmem>>[vector<16xi32>, vector<16xi32>], vector<16xf32>,
        %swap3A_1241 = arith.constant 172 : i32
        %swap3A_1242 = arith.index_cast %swap3A_1241 : i32 to index
        %swap3A_1243 = arith.constant 0 : index
        %swap3A_1244 = tpu.vector_load %arg8[%swap3A_1242, %swap3A_1243] {strides = array<i32>} : memref<256x16xf32, #tpu.memory_space<vmem>>, vector<16xf32>,
        tpu.vector_store %arg8[%swap3A_1242, %swap3A_1243], %gather3A_1240 {strides = array<i32>} : memref<256x16xf32, #tpu.memory_space<vmem>>, vector<16xf32>,
        %broadcast_in_dim3A_1245 = arith.constant 173 : i32
        %broadcast_in_dim3A_1246 = vector.broadcast %broadcast_in_dim3A_1245 : i32 to vector<16xi32>
        %gather3A_1247 = tpu.vector_load_idx %arg7[%iota3A, %broadcast_in_dim3A_1246] : memref<16x256xf32, #tpu.memory_space<vmem>>[vector<16xi32>, vector<16xi32>], vector<16xf32>,
        %swap3A_1248 = arith.constant 173 : i32
        %swap3A_1249 = arith.index_cast %swap3A_1248 : i32 to index
        %swap3A_1250 = arith.constant 0 : index
        %swap3A_1251 = tpu.vector_load %arg8[%swap3A_1249, %swap3A_1250] {strides = array<i32>} : memref<256x16xf32, #tpu.memory_space<vmem>>, vector<16xf32>,
        tpu.vector_store %arg8[%swap3A_1249, %swap3A_1250], %gather3A_1247 {strides = array<i32>} : memref<256x16xf32, #tpu.memory_space<vmem>>, vector<16xf32>,
        %broadcast_in_dim3A_1252 = arith.constant 174 : i32
        %broadcast_in_dim3A_1253 = vector.broadcast %broadcast_in_dim3A_1252 : i32 to vector<16xi32>
        %gather3A_1254 = tpu.vector_load_idx %arg7[%iota3A, %broadcast_in_dim3A_1253] : memref<16x256xf32, #tpu.memory_space<vmem>>[vector<16xi32>, vector<16xi32>], vector<16xf32>,
        %swap3A_1255 = arith.constant 174 : i32
        %swap3A_1256 = arith.index_cast %swap3A_1255 : i32 to index
        %swap3A_1257 = arith.constant 0 : index
        %swap3A_1258 = tpu.vector_load %arg8[%swap3A_1256, %swap3A_1257] {strides = array<i32>} : memref<256x16xf32, #tpu.memory_space<vmem>>, vector<16xf32>,
        tpu.vector_store %arg8[%swap3A_1256, %swap3A_1257], %gather3A_1254 {strides = array<i32>} : memref<256x16xf32, #tpu.memory_space<vmem>>, vector<16xf32>,
        %broadcast_in_dim3A_1259 = arith.constant 175 : i32
        %broadcast_in_dim3A_1260 = vector.broadcast %broadcast_in_dim3A_1259 : i32 to vector<16xi32>
        %gather3A_1261 = tpu.vector_load_idx %arg7[%iota3A, %broadcast_in_dim3A_1260] : memref<16x256xf32, #tpu.memory_space<vmem>>[vector<16xi32>, vector<16xi32>], vector<16xf32>,
        %swap3A_1262 = arith.constant 175 : i32
        %swap3A_1263 = arith.index_cast %swap3A_1262 : i32 to index
        %swap3A_1264 = arith.constant 0 : index
        %swap3A_1265 = tpu.vector_load %arg8[%swap3A_1263, %swap3A_1264] {strides = array<i32>} : memref<256x16xf32, #tpu.memory_space<vmem>>, vector<16xf32>,
        tpu.vector_store %arg8[%swap3A_1263, %swap3A_1264], %gather3A_1261 {strides = array<i32>} : memref<256x16xf32, #tpu.memory_space<vmem>>, vector<16xf32>,
        %broadcast_in_dim3A_1266 = arith.constant 176 : i32
        %broadcast_in_dim3A_1267 = vector.broadcast %broadcast_in_dim3A_1266 : i32 to vector<16xi32>
        %gather3A_1268 = tpu.vector_load_idx %arg7[%iota3A, %broadcast_in_dim3A_1267] : memref<16x256xf32, #tpu.memory_space<vmem>>[vector<16xi32>, vector<16xi32>], vector<16xf32>,
        %swap3A_1269 = arith.constant 176 : i32
        %swap3A_1270 = arith.index_cast %swap3A_1269 : i32 to index
        %swap3A_1271 = arith.constant 0 : index
        %swap3A_1272 = tpu.vector_load %arg8[%swap3A_1270, %swap3A_1271] {strides = array<i32>} : memref<256x16xf32, #tpu.memory_space<vmem>>, vector<16xf32>,
        tpu.vector_store %arg8[%swap3A_1270, %swap3A_1271], %gather3A_1268 {strides = array<i32>} : memref<256x16xf32, #tpu.memory_space<vmem>>, vector<16xf32>,
        %broadcast_in_dim3A_1273 = arith.constant 177 : i32
        %broadcast_in_dim3A_1274 = vector.broadcast %broadcast_in_dim3A_1273 : i32 to vector<16xi32>
        %gather3A_1275 = tpu.vector_load_idx %arg7[%iota3A, %broadcast_in_dim3A_1274] : memref<16x256xf32, #tpu.memory_space<vmem>>[vector<16xi32>, vector<16xi32>], vector<16xf32>,
        %swap3A_1276 = arith.constant 177 : i32
        %swap3A_1277 = arith.index_cast %swap3A_1276 : i32 to index
        %swap3A_1278 = arith.constant 0 : index
        %swap3A_1279 = tpu.vector_load %arg8[%swap3A_1277, %swap3A_1278] {strides = array<i32>} : memref<256x16xf32, #tpu.memory_space<vmem>>, vector<16xf32>,
        tpu.vector_store %arg8[%swap3A_1277, %swap3A_1278], %gather3A_1275 {strides = array<i32>} : memref<256x16xf32, #tpu.memory_space<vmem>>, vector<16xf32>,
        %broadcast_in_dim3A_1280 = arith.constant 178 : i32
        %broadcast_in_dim3A_1281 = vector.broadcast %broadcast_in_dim3A_1280 : i32 to vector<16xi32>
        %gather3A_1282 = tpu.vector_load_idx %arg7[%iota3A, %broadcast_in_dim3A_1281] : memref<16x256xf32, #tpu.memory_space<vmem>>[vector<16xi32>, vector<16xi32>], vector<16xf32>,
        %swap3A_1283 = arith.constant 178 : i32
        %swap3A_1284 = arith.index_cast %swap3A_1283 : i32 to index
        %swap3A_1285 = arith.constant 0 : index
        %swap3A_1286 = tpu.vector_load %arg8[%swap3A_1284, %swap3A_1285] {strides = array<i32>} : memref<256x16xf32, #tpu.memory_space<vmem>>, vector<16xf32>,
        tpu.vector_store %arg8[%swap3A_1284, %swap3A_1285], %gather3A_1282 {strides = array<i32>} : memref<256x16xf32, #tpu.memory_space<vmem>>, vector<16xf32>,
        %broadcast_in_dim3A_1287 = arith.constant 179 : i32
        %broadcast_in_dim3A_1288 = vector.broadcast %broadcast_in_dim3A_1287 : i32 to vector<16xi32>
        %gather3A_1289 = tpu.vector_load_idx %arg7[%iota3A, %broadcast_in_dim3A_1288] : memref<16x256xf32, #tpu.memory_space<vmem>>[vector<16xi32>, vector<16xi32>], vector<16xf32>,
        %swap3A_1290 = arith.constant 179 : i32
        %swap3A_1291 = arith.index_cast %swap3A_1290 : i32 to index
        %swap3A_1292 = arith.constant 0 : index
        %swap3A_1293 = tpu.vector_load %arg8[%swap3A_1291, %swap3A_1292] {strides = array<i32>} : memref<256x16xf32, #tpu.memory_space<vmem>>, vector<16xf32>,
        tpu.vector_store %arg8[%swap3A_1291, %swap3A_1292], %gather3A_1289 {strides = array<i32>} : memref<256x16xf32, #tpu.memory_space<vmem>>, vector<16xf32>,
        %broadcast_in_dim3A_1294 = arith.constant 180 : i32
        %broadcast_in_dim3A_1295 = vector.broadcast %broadcast_in_dim3A_1294 : i32 to vector<16xi32>
        %gather3A_1296 = tpu.vector_load_idx %arg7[%iota3A, %broadcast_in_dim3A_1295] : memref<16x256xf32, #tpu.memory_space<vmem>>[vector<16xi32>, vector<16xi32>], vector<16xf32>,
        %swap3A_1297 = arith.constant 180 : i32
        %swap3A_1298 = arith.index_cast %swap3A_1297 : i32 to index
        %swap3A_1299 = arith.constant 0 : index
        %swap3A_1300 = tpu.vector_load %arg8[%swap3A_1298, %swap3A_1299] {strides = array<i32>} : memref<256x16xf32, #tpu.memory_space<vmem>>, vector<16xf32>,
        tpu.vector_store %arg8[%swap3A_1298, %swap3A_1299], %gather3A_1296 {strides = array<i32>} : memref<256x16xf32, #tpu.memory_space<vmem>>, vector<16xf32>,
        %broadcast_in_dim3A_1301 = arith.constant 181 : i32
        %broadcast_in_dim3A_1302 = vector.broadcast %broadcast_in_dim3A_1301 : i32 to vector<16xi32>
        %gather3A_1303 = tpu.vector_load_idx %arg7[%iota3A, %broadcast_in_dim3A_1302] : memref<16x256xf32, #tpu.memory_space<vmem>>[vector<16xi32>, vector<16xi32>], vector<16xf32>,
        %swap3A_1304 = arith.constant 181 : i32
        %swap3A_1305 = arith.index_cast %swap3A_1304 : i32 to index
        %swap3A_1306 = arith.constant 0 : index
        %swap3A_1307 = tpu.vector_load %arg8[%swap3A_1305, %swap3A_1306] {strides = array<i32>} : memref<256x16xf32, #tpu.memory_space<vmem>>, vector<16xf32>,
        tpu.vector_store %arg8[%swap3A_1305, %swap3A_1306], %gather3A_1303 {strides = array<i32>} : memref<256x16xf32, #tpu.memory_space<vmem>>, vector<16xf32>,
        %broadcast_in_dim3A_1308 = arith.constant 182 : i32
        %broadcast_in_dim3A_1309 = vector.broadcast %broadcast_in_dim3A_1308 : i32 to vector<16xi32>
        %gather3A_1310 = tpu.vector_load_idx %arg7[%iota3A, %broadcast_in_dim3A_1309] : memref<16x256xf32, #tpu.memory_space<vmem>>[vector<16xi32>, vector<16xi32>], vector<16xf32>,
        %swap3A_1311 = arith.constant 182 : i32
        %swap3A_1312 = arith.index_cast %swap3A_1311 : i32 to index
        %swap3A_1313 = arith.constant 0 : index
        %swap3A_1314 = tpu.vector_load %arg8[%swap3A_1312, %swap3A_1313] {strides = array<i32>} : memref<256x16xf32, #tpu.memory_space<vmem>>, vector<16xf32>,
        tpu.vector_store %arg8[%swap3A_1312, %swap3A_1313], %gather3A_1310 {strides = array<i32>} : memref<256x16xf32, #tpu.memory_space<vmem>>, vector<16xf32>,
        %broadcast_in_dim3A_1315 = arith.constant 183 : i32
        %broadcast_in_dim3A_1316 = vector.broadcast %broadcast_in_dim3A_1315 : i32 to vector<16xi32>
        %gather3A_1317 = tpu.vector_load_idx %arg7[%iota3A, %broadcast_in_dim3A_1316] : memref<16x256xf32, #tpu.memory_space<vmem>>[vector<16xi32>, vector<16xi32>], vector<16xf32>,
        %swap3A_1318 = arith.constant 183 : i32
        %swap3A_1319 = arith.index_cast %swap3A_1318 : i32 to index
        %swap3A_1320 = arith.constant 0 : index
        %swap3A_1321 = tpu.vector_load %arg8[%swap3A_1319, %swap3A_1320] {strides = array<i32>} : memref<256x16xf32, #tpu.memory_space<vmem>>, vector<16xf32>,
        tpu.vector_store %arg8[%swap3A_1319, %swap3A_1320], %gather3A_1317 {strides = array<i32>} : memref<256x16xf32, #tpu.memory_space<vmem>>, vector<16xf32>,
        %broadcast_in_dim3A_1322 = arith.constant 184 : i32
        %broadcast_in_dim3A_1323 = vector.broadcast %broadcast_in_dim3A_1322 : i32 to vector<16xi32>
        %gather3A_1324 = tpu.vector_load_idx %arg7[%iota3A, %broadcast_in_dim3A_1323] : memref<16x256xf32, #tpu.memory_space<vmem>>[vector<16xi32>, vector<16xi32>], vector<16xf32>,
        %swap3A_1325 = arith.constant 184 : i32
        %swap3A_1326 = arith.index_cast %swap3A_1325 : i32 to index
        %swap3A_1327 = arith.constant 0 : index
        %swap3A_1328 = tpu.vector_load %arg8[%swap3A_1326, %swap3A_1327] {strides = array<i32>} : memref<256x16xf32, #tpu.memory_space<vmem>>, vector<16xf32>,
        tpu.vector_store %arg8[%swap3A_1326, %swap3A_1327], %gather3A_1324 {strides = array<i32>} : memref<256x16xf32, #tpu.memory_space<vmem>>, vector<16xf32>,
        %broadcast_in_dim3A_1329 = arith.constant 185 : i32
        %broadcast_in_dim3A_1330 = vector.broadcast %broadcast_in_dim3A_1329 : i32 to vector<16xi32>
        %gather3A_1331 = tpu.vector_load_idx %arg7[%iota3A, %broadcast_in_dim3A_1330] : memref<16x256xf32, #tpu.memory_space<vmem>>[vector<16xi32>, vector<16xi32>], vector<16xf32>,
        %swap3A_1332 = arith.constant 185 : i32
        %swap3A_1333 = arith.index_cast %swap3A_1332 : i32 to index
        %swap3A_1334 = arith.constant 0 : index
        %swap3A_1335 = tpu.vector_load %arg8[%swap3A_1333, %swap3A_1334] {strides = array<i32>} : memref<256x16xf32, #tpu.memory_space<vmem>>, vector<16xf32>,
        tpu.vector_store %arg8[%swap3A_1333, %swap3A_1334], %gather3A_1331 {strides = array<i32>} : memref<256x16xf32, #tpu.memory_space<vmem>>, vector<16xf32>,
        %broadcast_in_dim3A_1336 = arith.constant 186 : i32
        %broadcast_in_dim3A_1337 = vector.broadcast %broadcast_in_dim3A_1336 : i32 to vector<16xi32>
        %gather3A_1338 = tpu.vector_load_idx %arg7[%iota3A, %broadcast_in_dim3A_1337] : memref<16x256xf32, #tpu.memory_space<vmem>>[vector<16xi32>, vector<16xi32>], vector<16xf32>,
        %swap3A_1339 = arith.constant 186 : i32
        %swap3A_1340 = arith.index_cast %swap3A_1339 : i32 to index
        %swap3A_1341 = arith.constant 0 : index
        %swap3A_1342 = tpu.vector_load %arg8[%swap3A_1340, %swap3A_1341] {strides = array<i32>} : memref<256x16xf32, #tpu.memory_space<vmem>>, vector<16xf32>,
        tpu.vector_store %arg8[%swap3A_1340, %swap3A_1341], %gather3A_1338 {strides = array<i32>} : memref<256x16xf32, #tpu.memory_space<vmem>>, vector<16xf32>,
        %broadcast_in_dim3A_1343 = arith.constant 187 : i32
        %broadcast_in_dim3A_1344 = vector.broadcast %broadcast_in_dim3A_1343 : i32 to vector<16xi32>
        %gather3A_1345 = tpu.vector_load_idx %arg7[%iota3A, %broadcast_in_dim3A_1344] : memref<16x256xf32, #tpu.memory_space<vmem>>[vector<16xi32>, vector<16xi32>], vector<16xf32>,
        %swap3A_1346 = arith.constant 187 : i32
        %swap3A_1347 = arith.index_cast %swap3A_1346 : i32 to index
        %swap3A_1348 = arith.constant 0 : index
        %swap3A_1349 = tpu.vector_load %arg8[%swap3A_1347, %swap3A_1348] {strides = array<i32>} : memref<256x16xf32, #tpu.memory_space<vmem>>, vector<16xf32>,
        tpu.vector_store %arg8[%swap3A_1347, %swap3A_1348], %gather3A_1345 {strides = array<i32>} : memref<256x16xf32, #tpu.memory_space<vmem>>, vector<16xf32>,
        %broadcast_in_dim3A_1350 = arith.constant 188 : i32
        %broadcast_in_dim3A_1351 = vector.broadcast %broadcast_in_dim3A_1350 : i32 to vector<16xi32>
        %gather3A_1352 = tpu.vector_load_idx %arg7[%iota3A, %broadcast_in_dim3A_1351] : memref<16x256xf32, #tpu.memory_space<vmem>>[vector<16xi32>, vector<16xi32>], vector<16xf32>,
        %swap3A_1353 = arith.constant 188 : i32
        %swap3A_1354 = arith.index_cast %swap3A_1353 : i32 to index
        %swap3A_1355 = arith.constant 0 : index
        %swap3A_1356 = tpu.vector_load %arg8[%swap3A_1354, %swap3A_1355] {strides = array<i32>} : memref<256x16xf32, #tpu.memory_space<vmem>>, vector<16xf32>,
        tpu.vector_store %arg8[%swap3A_1354, %swap3A_1355], %gather3A_1352 {strides = array<i32>} : memref<256x16xf32, #tpu.memory_space<vmem>>, vector<16xf32>,
        %broadcast_in_dim3A_1357 = arith.constant 189 : i32
        %broadcast_in_dim3A_1358 = vector.broadcast %broadcast_in_dim3A_1357 : i32 to vector<16xi32>
        %gather3A_1359 = tpu.vector_load_idx %arg7[%iota3A, %broadcast_in_dim3A_1358] : memref<16x256xf32, #tpu.memory_space<vmem>>[vector<16xi32>, vector<16xi32>], vector<16xf32>,
        %swap3A_1360 = arith.constant 189 : i32
        %swap3A_1361 = arith.index_cast %swap3A_1360 : i32 to index
        %swap3A_1362 = arith.constant 0 : index
        %swap3A_1363 = tpu.vector_load %arg8[%swap3A_1361, %swap3A_1362] {strides = array<i32>} : memref<256x16xf32, #tpu.memory_space<vmem>>, vector<16xf32>,
        tpu.vector_store %arg8[%swap3A_1361, %swap3A_1362], %gather3A_1359 {strides = array<i32>} : memref<256x16xf32, #tpu.memory_space<vmem>>, vector<16xf32>,
        %broadcast_in_dim3A_1364 = arith.constant 190 : i32
        %broadcast_in_dim3A_1365 = vector.broadcast %broadcast_in_dim3A_1364 : i32 to vector<16xi32>
        %gather3A_1366 = tpu.vector_load_idx %arg7[%iota3A, %broadcast_in_dim3A_1365] : memref<16x256xf32, #tpu.memory_space<vmem>>[vector<16xi32>, vector<16xi32>], vector<16xf32>,
        %swap3A_1367 = arith.constant 190 : i32
        %swap3A_1368 = arith.index_cast %swap3A_1367 : i32 to index
        %swap3A_1369 = arith.constant 0 : index
        %swap3A_1370 = tpu.vector_load %arg8[%swap3A_1368, %swap3A_1369] {strides = array<i32>} : memref<256x16xf32, #tpu.memory_space<vmem>>, vector<16xf32>,
        tpu.vector_store %arg8[%swap3A_1368, %swap3A_1369], %gather3A_1366 {strides = array<i32>} : memref<256x16xf32, #tpu.memory_space<vmem>>, vector<16xf32>,
        %broadcast_in_dim3A_1371 = arith.constant 191 : i32
        %broadcast_in_dim3A_1372 = vector.broadcast %broadcast_in_dim3A_1371 : i32 to vector<16xi32>
        %gather3A_1373 = tpu.vector_load_idx %arg7[%iota3A, %broadcast_in_dim3A_1372] : memref<16x256xf32, #tpu.memory_space<vmem>>[vector<16xi32>, vector<16xi32>], vector<16xf32>,
        %swap3A_1374 = arith.constant 191 : i32
        %swap3A_1375 = arith.index_cast %swap3A_1374 : i32 to index
        %swap3A_1376 = arith.constant 0 : index
        %swap3A_1377 = tpu.vector_load %arg8[%swap3A_1375, %swap3A_1376] {strides = array<i32>} : memref<256x16xf32, #tpu.memory_space<vmem>>, vector<16xf32>,
        tpu.vector_store %arg8[%swap3A_1375, %swap3A_1376], %gather3A_1373 {strides = array<i32>} : memref<256x16xf32, #tpu.memory_space<vmem>>, vector<16xf32>,
        %broadcast_in_dim3A_1378 = arith.constant 192 : i32
        %broadcast_in_dim3A_1379 = vector.broadcast %broadcast_in_dim3A_1378 : i32 to vector<16xi32>
        %gather3A_1380 = tpu.vector_load_idx %arg7[%iota3A, %broadcast_in_dim3A_1379] : memref<16x256xf32, #tpu.memory_space<vmem>>[vector<16xi32>, vector<16xi32>], vector<16xf32>,
        %swap3A_1381 = arith.constant 192 : i32
        %swap3A_1382 = arith.index_cast %swap3A_1381 : i32 to index
        %swap3A_1383 = arith.constant 0 : index
        %swap3A_1384 = tpu.vector_load %arg8[%swap3A_1382, %swap3A_1383] {strides = array<i32>} : memref<256x16xf32, #tpu.memory_space<vmem>>, vector<16xf32>,
        tpu.vector_store %arg8[%swap3A_1382, %swap3A_1383], %gather3A_1380 {strides = array<i32>} : memref<256x16xf32, #tpu.memory_space<vmem>>, vector<16xf32>,
        %broadcast_in_dim3A_1385 = arith.constant 193 : i32
        %broadcast_in_dim3A_1386 = vector.broadcast %broadcast_in_dim3A_1385 : i32 to vector<16xi32>
        %gather3A_1387 = tpu.vector_load_idx %arg7[%iota3A, %broadcast_in_dim3A_1386] : memref<16x256xf32, #tpu.memory_space<vmem>>[vector<16xi32>, vector<16xi32>], vector<16xf32>,
        %swap3A_1388 = arith.constant 193 : i32
        %swap3A_1389 = arith.index_cast %swap3A_1388 : i32 to index
        %swap3A_1390 = arith.constant 0 : index
        %swap3A_1391 = tpu.vector_load %arg8[%swap3A_1389, %swap3A_1390] {strides = array<i32>} : memref<256x16xf32, #tpu.memory_space<vmem>>, vector<16xf32>,
        tpu.vector_store %arg8[%swap3A_1389, %swap3A_1390], %gather3A_1387 {strides = array<i32>} : memref<256x16xf32, #tpu.memory_space<vmem>>, vector<16xf32>,
        %broadcast_in_dim3A_1392 = arith.constant 194 : i32
        %broadcast_in_dim3A_1393 = vector.broadcast %broadcast_in_dim3A_1392 : i32 to vector<16xi32>
        %gather3A_1394 = tpu.vector_load_idx %arg7[%iota3A, %broadcast_in_dim3A_1393] : memref<16x256xf32, #tpu.memory_space<vmem>>[vector<16xi32>, vector<16xi32>], vector<16xf32>,
        %swap3A_1395 = arith.constant 194 : i32
        %swap3A_1396 = arith.index_cast %swap3A_1395 : i32 to index
        %swap3A_1397 = arith.constant 0 : index
        %swap3A_1398 = tpu.vector_load %arg8[%swap3A_1396, %swap3A_1397] {strides = array<i32>} : memref<256x16xf32, #tpu.memory_space<vmem>>, vector<16xf32>,
        tpu.vector_store %arg8[%swap3A_1396, %swap3A_1397], %gather3A_1394 {strides = array<i32>} : memref<256x16xf32, #tpu.memory_space<vmem>>, vector<16xf32>,
        %broadcast_in_dim3A_1399 = arith.constant 195 : i32
        %broadcast_in_dim3A_1400 = vector.broadcast %broadcast_in_dim3A_1399 : i32 to vector<16xi32>
        %gather3A_1401 = tpu.vector_load_idx %arg7[%iota3A, %broadcast_in_dim3A_1400] : memref<16x256xf32, #tpu.memory_space<vmem>>[vector<16xi32>, vector<16xi32>], vector<16xf32>,
        %swap3A_1402 = arith.constant 195 : i32
        %swap3A_1403 = arith.index_cast %swap3A_1402 : i32 to index
        %swap3A_1404 = arith.constant 0 : index
        %swap3A_1405 = tpu.vector_load %arg8[%swap3A_1403, %swap3A_1404] {strides = array<i32>} : memref<256x16xf32, #tpu.memory_space<vmem>>, vector<16xf32>,
        tpu.vector_store %arg8[%swap3A_1403, %swap3A_1404], %gather3A_1401 {strides = array<i32>} : memref<256x16xf32, #tpu.memory_space<vmem>>, vector<16xf32>,
        %broadcast_in_dim3A_1406 = arith.constant 196 : i32
        %broadcast_in_dim3A_1407 = vector.broadcast %broadcast_in_dim3A_1406 : i32 to vector<16xi32>
        %gather3A_1408 = tpu.vector_load_idx %arg7[%iota3A, %broadcast_in_dim3A_1407] : memref<16x256xf32, #tpu.memory_space<vmem>>[vector<16xi32>, vector<16xi32>], vector<16xf32>,
        %swap3A_1409 = arith.constant 196 : i32
        %swap3A_1410 = arith.index_cast %swap3A_1409 : i32 to index
        %swap3A_1411 = arith.constant 0 : index
        %swap3A_1412 = tpu.vector_load %arg8[%swap3A_1410, %swap3A_1411] {strides = array<i32>} : memref<256x16xf32, #tpu.memory_space<vmem>>, vector<16xf32>,
        tpu.vector_store %arg8[%swap3A_1410, %swap3A_1411], %gather3A_1408 {strides = array<i32>} : memref<256x16xf32, #tpu.memory_space<vmem>>, vector<16xf32>,
        %broadcast_in_dim3A_1413 = arith.constant 197 : i32
        %broadcast_in_dim3A_1414 = vector.broadcast %broadcast_in_dim3A_1413 : i32 to vector<16xi32>
        %gather3A_1415 = tpu.vector_load_idx %arg7[%iota3A, %broadcast_in_dim3A_1414] : memref<16x256xf32, #tpu.memory_space<vmem>>[vector<16xi32>, vector<16xi32>], vector<16xf32>,
        %swap3A_1416 = arith.constant 197 : i32
        %swap3A_1417 = arith.index_cast %swap3A_1416 : i32 to index
        %swap3A_1418 = arith.constant 0 : index
        %swap3A_1419 = tpu.vector_load %arg8[%swap3A_1417, %swap3A_1418] {strides = array<i32>} : memref<256x16xf32, #tpu.memory_space<vmem>>, vector<16xf32>,
        tpu.vector_store %arg8[%swap3A_1417, %swap3A_1418], %gather3A_1415 {strides = array<i32>} : memref<256x16xf32, #tpu.memory_space<vmem>>, vector<16xf32>,
        %broadcast_in_dim3A_1420 = arith.constant 198 : i32
        %broadcast_in_dim3A_1421 = vector.broadcast %broadcast_in_dim3A_1420 : i32 to vector<16xi32>
        %gather3A_1422 = tpu.vector_load_idx %arg7[%iota3A, %broadcast_in_dim3A_1421] : memref<16x256xf32, #tpu.memory_space<vmem>>[vector<16xi32>, vector<16xi32>], vector<16xf32>,
        %swap3A_1423 = arith.constant 198 : i32
        %swap3A_1424 = arith.index_cast %swap3A_1423 : i32 to index
        %swap3A_1425 = arith.constant 0 : index
        %swap3A_1426 = tpu.vector_load %arg8[%swap3A_1424, %swap3A_1425] {strides = array<i32>} : memref<256x16xf32, #tpu.memory_space<vmem>>, vector<16xf32>,
        tpu.vector_store %arg8[%swap3A_1424, %swap3A_1425], %gather3A_1422 {strides = array<i32>} : memref<256x16xf32, #tpu.memory_space<vmem>>, vector<16xf32>,
        %broadcast_in_dim3A_1427 = arith.constant 199 : i32
        %broadcast_in_dim3A_1428 = vector.broadcast %broadcast_in_dim3A_1427 : i32 to vector<16xi32>
        %gather3A_1429 = tpu.vector_load_idx %arg7[%iota3A, %broadcast_in_dim3A_1428] : memref<16x256xf32, #tpu.memory_space<vmem>>[vector<16xi32>, vector<16xi32>], vector<16xf32>,
        %swap3A_1430 = arith.constant 199 : i32
        %swap3A_1431 = arith.index_cast %swap3A_1430 : i32 to index
        %swap3A_1432 = arith.constant 0 : index
        %swap3A_1433 = tpu.vector_load %arg8[%swap3A_1431, %swap3A_1432] {strides = array<i32>} : memref<256x16xf32, #tpu.memory_space<vmem>>, vector<16xf32>,
        tpu.vector_store %arg8[%swap3A_1431, %swap3A_1432], %gather3A_1429 {strides = array<i32>} : memref<256x16xf32, #tpu.memory_space<vmem>>, vector<16xf32>,
        %broadcast_in_dim3A_1434 = arith.constant 200 : i32
        %broadcast_in_dim3A_1435 = vector.broadcast %broadcast_in_dim3A_1434 : i32 to vector<16xi32>
        %gather3A_1436 = tpu.vector_load_idx %arg7[%iota3A, %broadcast_in_dim3A_1435] : memref<16x256xf32, #tpu.memory_space<vmem>>[vector<16xi32>, vector<16xi32>], vector<16xf32>,
        %swap3A_1437 = arith.constant 200 : i32
        %swap3A_1438 = arith.index_cast %swap3A_1437 : i32 to index
        %swap3A_1439 = arith.constant 0 : index
        %swap3A_1440 = tpu.vector_load %arg8[%swap3A_1438, %swap3A_1439] {strides = array<i32>} : memref<256x16xf32, #tpu.memory_space<vmem>>, vector<16xf32>,
        tpu.vector_store %arg8[%swap3A_1438, %swap3A_1439], %gather3A_1436 {strides = array<i32>} : memref<256x16xf32, #tpu.memory_space<vmem>>, vector<16xf32>,
        %broadcast_in_dim3A_1441 = arith.constant 201 : i32
        %broadcast_in_dim3A_1442 = vector.broadcast %broadcast_in_dim3A_1441 : i32 to vector<16xi32>
        %gather3A_1443 = tpu.vector_load_idx %arg7[%iota3A, %broadcast_in_dim3A_1442] : memref<16x256xf32, #tpu.memory_space<vmem>>[vector<16xi32>, vector<16xi32>], vector<16xf32>,
        %swap3A_1444 = arith.constant 201 : i32
        %swap3A_1445 = arith.index_cast %swap3A_1444 : i32 to index
        %swap3A_1446 = arith.constant 0 : index
        %swap3A_1447 = tpu.vector_load %arg8[%swap3A_1445, %swap3A_1446] {strides = array<i32>} : memref<256x16xf32, #tpu.memory_space<vmem>>, vector<16xf32>,
        tpu.vector_store %arg8[%swap3A_1445, %swap3A_1446], %gather3A_1443 {strides = array<i32>} : memref<256x16xf32, #tpu.memory_space<vmem>>, vector<16xf32>,
        %broadcast_in_dim3A_1448 = arith.constant 202 : i32
        %broadcast_in_dim3A_1449 = vector.broadcast %broadcast_in_dim3A_1448 : i32 to vector<16xi32>
        %gather3A_1450 = tpu.vector_load_idx %arg7[%iota3A, %broadcast_in_dim3A_1449] : memref<16x256xf32, #tpu.memory_space<vmem>>[vector<16xi32>, vector<16xi32>], vector<16xf32>,
        %swap3A_1451 = arith.constant 202 : i32
        %swap3A_1452 = arith.index_cast %swap3A_1451 : i32 to index
        %swap3A_1453 = arith.constant 0 : index
        %swap3A_1454 = tpu.vector_load %arg8[%swap3A_1452, %swap3A_1453] {strides = array<i32>} : memref<256x16xf32, #tpu.memory_space<vmem>>, vector<16xf32>,
        tpu.vector_store %arg8[%swap3A_1452, %swap3A_1453], %gather3A_1450 {strides = array<i32>} : memref<256x16xf32, #tpu.memory_space<vmem>>, vector<16xf32>,
        %broadcast_in_dim3A_1455 = arith.constant 203 : i32
        %broadcast_in_dim3A_1456 = vector.broadcast %broadcast_in_dim3A_1455 : i32 to vector<16xi32>
        %gather3A_1457 = tpu.vector_load_idx %arg7[%iota3A, %broadcast_in_dim3A_1456] : memref<16x256xf32, #tpu.memory_space<vmem>>[vector<16xi32>, vector<16xi32>], vector<16xf32>,
        %swap3A_1458 = arith.constant 203 : i32
        %swap3A_1459 = arith.index_cast %swap3A_1458 : i32 to index
        %swap3A_1460 = arith.constant 0 : index
        %swap3A_1461 = tpu.vector_load %arg8[%swap3A_1459, %swap3A_1460] {strides = array<i32>} : memref<256x16xf32, #tpu.memory_space<vmem>>, vector<16xf32>,
        tpu.vector_store %arg8[%swap3A_1459, %swap3A_1460], %gather3A_1457 {strides = array<i32>} : memref<256x16xf32, #tpu.memory_space<vmem>>, vector<16xf32>,
        %broadcast_in_dim3A_1462 = arith.constant 204 : i32
        %broadcast_in_dim3A_1463 = vector.broadcast %broadcast_in_dim3A_1462 : i32 to vector<16xi32>
        %gather3A_1464 = tpu.vector_load_idx %arg7[%iota3A, %broadcast_in_dim3A_1463] : memref<16x256xf32, #tpu.memory_space<vmem>>[vector<16xi32>, vector<16xi32>], vector<16xf32>,
        %swap3A_1465 = arith.constant 204 : i32
        %swap3A_1466 = arith.index_cast %swap3A_1465 : i32 to index
        %swap3A_1467 = arith.constant 0 : index
        %swap3A_1468 = tpu.vector_load %arg8[%swap3A_1466, %swap3A_1467] {strides = array<i32>} : memref<256x16xf32, #tpu.memory_space<vmem>>, vector<16xf32>,
        tpu.vector_store %arg8[%swap3A_1466, %swap3A_1467], %gather3A_1464 {strides = array<i32>} : memref<256x16xf32, #tpu.memory_space<vmem>>, vector<16xf32>,
        %broadcast_in_dim3A_1469 = arith.constant 205 : i32
        %broadcast_in_dim3A_1470 = vector.broadcast %broadcast_in_dim3A_1469 : i32 to vector<16xi32>
        %gather3A_1471 = tpu.vector_load_idx %arg7[%iota3A, %broadcast_in_dim3A_1470] : memref<16x256xf32, #tpu.memory_space<vmem>>[vector<16xi32>, vector<16xi32>], vector<16xf32>,
        %swap3A_1472 = arith.constant 205 : i32
        %swap3A_1473 = arith.index_cast %swap3A_1472 : i32 to index
        %swap3A_1474 = arith.constant 0 : index
        %swap3A_1475 = tpu.vector_load %arg8[%swap3A_1473, %swap3A_1474] {strides = array<i32>} : memref<256x16xf32, #tpu.memory_space<vmem>>, vector<16xf32>,
        tpu.vector_store %arg8[%swap3A_1473, %swap3A_1474], %gather3A_1471 {strides = array<i32>} : memref<256x16xf32, #tpu.memory_space<vmem>>, vector<16xf32>,
        %broadcast_in_dim3A_1476 = arith.constant 206 : i32
        %broadcast_in_dim3A_1477 = vector.broadcast %broadcast_in_dim3A_1476 : i32 to vector<16xi32>
        %gather3A_1478 = tpu.vector_load_idx %arg7[%iota3A, %broadcast_in_dim3A_1477] : memref<16x256xf32, #tpu.memory_space<vmem>>[vector<16xi32>, vector<16xi32>], vector<16xf32>,
        %swap3A_1479 = arith.constant 206 : i32
        %swap3A_1480 = arith.index_cast %swap3A_1479 : i32 to index
        %swap3A_1481 = arith.constant 0 : index
        %swap3A_1482 = tpu.vector_load %arg8[%swap3A_1480, %swap3A_1481] {strides = array<i32>} : memref<256x16xf32, #tpu.memory_space<vmem>>, vector<16xf32>,
        tpu.vector_store %arg8[%swap3A_1480, %swap3A_1481], %gather3A_1478 {strides = array<i32>} : memref<256x16xf32, #tpu.memory_space<vmem>>, vector<16xf32>,
        %broadcast_in_dim3A_1483 = arith.constant 207 : i32
        %broadcast_in_dim3A_1484 = vector.broadcast %broadcast_in_dim3A_1483 : i32 to vector<16xi32>
        %gather3A_1485 = tpu.vector_load_idx %arg7[%iota3A, %broadcast_in_dim3A_1484] : memref<16x256xf32, #tpu.memory_space<vmem>>[vector<16xi32>, vector<16xi32>], vector<16xf32>,
        %swap3A_1486 = arith.constant 207 : i32
        %swap3A_1487 = arith.index_cast %swap3A_1486 : i32 to index
        %swap3A_1488 = arith.constant 0 : index
        %swap3A_1489 = tpu.vector_load %arg8[%swap3A_1487, %swap3A_1488] {strides = array<i32>} : memref<256x16xf32, #tpu.memory_space<vmem>>, vector<16xf32>,
        tpu.vector_store %arg8[%swap3A_1487, %swap3A_1488], %gather3A_1485 {strides = array<i32>} : memref<256x16xf32, #tpu.memory_space<vmem>>, vector<16xf32>,
        %broadcast_in_dim3A_1490 = arith.constant 208 : i32
        %broadcast_in_dim3A_1491 = vector.broadcast %broadcast_in_dim3A_1490 : i32 to vector<16xi32>
        %gather3A_1492 = tpu.vector_load_idx %arg7[%iota3A, %broadcast_in_dim3A_1491] : memref<16x256xf32, #tpu.memory_space<vmem>>[vector<16xi32>, vector<16xi32>], vector<16xf32>,
        %swap3A_1493 = arith.constant 208 : i32
        %swap3A_1494 = arith.index_cast %swap3A_1493 : i32 to index
        %swap3A_1495 = arith.constant 0 : index
        %swap3A_1496 = tpu.vector_load %arg8[%swap3A_1494, %swap3A_1495] {strides = array<i32>} : memref<256x16xf32, #tpu.memory_space<vmem>>, vector<16xf32>,
        tpu.vector_store %arg8[%swap3A_1494, %swap3A_1495], %gather3A_1492 {strides = array<i32>} : memref<256x16xf32, #tpu.memory_space<vmem>>, vector<16xf32>,
        %broadcast_in_dim3A_1497 = arith.constant 209 : i32
        %broadcast_in_dim3A_1498 = vector.broadcast %broadcast_in_dim3A_1497 : i32 to vector<16xi32>
        %gather3A_1499 = tpu.vector_load_idx %arg7[%iota3A, %broadcast_in_dim3A_1498] : memref<16x256xf32, #tpu.memory_space<vmem>>[vector<16xi32>, vector<16xi32>], vector<16xf32>,
        %swap3A_1500 = arith.constant 209 : i32
        %swap3A_1501 = arith.index_cast %swap3A_1500 : i32 to index
        %swap3A_1502 = arith.constant 0 : index
        %swap3A_1503 = tpu.vector_load %arg8[%swap3A_1501, %swap3A_1502] {strides = array<i32>} : memref<256x16xf32, #tpu.memory_space<vmem>>, vector<16xf32>,
        tpu.vector_store %arg8[%swap3A_1501, %swap3A_1502], %gather3A_1499 {strides = array<i32>} : memref<256x16xf32, #tpu.memory_space<vmem>>, vector<16xf32>,
        %broadcast_in_dim3A_1504 = arith.constant 210 : i32
        %broadcast_in_dim3A_1505 = vector.broadcast %broadcast_in_dim3A_1504 : i32 to vector<16xi32>
        %gather3A_1506 = tpu.vector_load_idx %arg7[%iota3A, %broadcast_in_dim3A_1505] : memref<16x256xf32, #tpu.memory_space<vmem>>[vector<16xi32>, vector<16xi32>], vector<16xf32>,
        %swap3A_1507 = arith.constant 210 : i32
        %swap3A_1508 = arith.index_cast %swap3A_1507 : i32 to index
        %swap3A_1509 = arith.constant 0 : index
        %swap3A_1510 = tpu.vector_load %arg8[%swap3A_1508, %swap3A_1509] {strides = array<i32>} : memref<256x16xf32, #tpu.memory_space<vmem>>, vector<16xf32>,
        tpu.vector_store %arg8[%swap3A_1508, %swap3A_1509], %gather3A_1506 {strides = array<i32>} : memref<256x16xf32, #tpu.memory_space<vmem>>, vector<16xf32>,
        %broadcast_in_dim3A_1511 = arith.constant 211 : i32
        %broadcast_in_dim3A_1512 = vector.broadcast %broadcast_in_dim3A_1511 : i32 to vector<16xi32>
        %gather3A_1513 = tpu.vector_load_idx %arg7[%iota3A, %broadcast_in_dim3A_1512] : memref<16x256xf32, #tpu.memory_space<vmem>>[vector<16xi32>, vector<16xi32>], vector<16xf32>,
        %swap3A_1514 = arith.constant 211 : i32
        %swap3A_1515 = arith.index_cast %swap3A_1514 : i32 to index
        %swap3A_1516 = arith.constant 0 : index
        %swap3A_1517 = tpu.vector_load %arg8[%swap3A_1515, %swap3A_1516] {strides = array<i32>} : memref<256x16xf32, #tpu.memory_space<vmem>>, vector<16xf32>,
        tpu.vector_store %arg8[%swap3A_1515, %swap3A_1516], %gather3A_1513 {strides = array<i32>} : memref<256x16xf32, #tpu.memory_space<vmem>>, vector<16xf32>,
        %broadcast_in_dim3A_1518 = arith.constant 212 : i32
        %broadcast_in_dim3A_1519 = vector.broadcast %broadcast_in_dim3A_1518 : i32 to vector<16xi32>
        %gather3A_1520 = tpu.vector_load_idx %arg7[%iota3A, %broadcast_in_dim3A_1519] : memref<16x256xf32, #tpu.memory_space<vmem>>[vector<16xi32>, vector<16xi32>], vector<16xf32>,
        %swap3A_1521 = arith.constant 212 : i32
        %swap3A_1522 = arith.index_cast %swap3A_1521 : i32 to index
        %swap3A_1523 = arith.constant 0 : index
        %swap3A_1524 = tpu.vector_load %arg8[%swap3A_1522, %swap3A_1523] {strides = array<i32>} : memref<256x16xf32, #tpu.memory_space<vmem>>, vector<16xf32>,
        tpu.vector_store %arg8[%swap3A_1522, %swap3A_1523], %gather3A_1520 {strides = array<i32>} : memref<256x16xf32, #tpu.memory_space<vmem>>, vector<16xf32>,
        %broadcast_in_dim3A_1525 = arith.constant 213 : i32
        %broadcast_in_dim3A_1526 = vector.broadcast %broadcast_in_dim3A_1525 : i32 to vector<16xi32>
        %gather3A_1527 = tpu.vector_load_idx %arg7[%iota3A, %broadcast_in_dim3A_1526] : memref<16x256xf32, #tpu.memory_space<vmem>>[vector<16xi32>, vector<16xi32>], vector<16xf32>,
        %swap3A_1528 = arith.constant 213 : i32
        %swap3A_1529 = arith.index_cast %swap3A_1528 : i32 to index
        %swap3A_1530 = arith.constant 0 : index
        %swap3A_1531 = tpu.vector_load %arg8[%swap3A_1529, %swap3A_1530] {strides = array<i32>} : memref<256x16xf32, #tpu.memory_space<vmem>>, vector<16xf32>,
        tpu.vector_store %arg8[%swap3A_1529, %swap3A_1530], %gather3A_1527 {strides = array<i32>} : memref<256x16xf32, #tpu.memory_space<vmem>>, vector<16xf32>,
        %broadcast_in_dim3A_1532 = arith.constant 214 : i32
        %broadcast_in_dim3A_1533 = vector.broadcast %broadcast_in_dim3A_1532 : i32 to vector<16xi32>
        %gather3A_1534 = tpu.vector_load_idx %arg7[%iota3A, %broadcast_in_dim3A_1533] : memref<16x256xf32, #tpu.memory_space<vmem>>[vector<16xi32>, vector<16xi32>], vector<16xf32>,
        %swap3A_1535 = arith.constant 214 : i32
        %swap3A_1536 = arith.index_cast %swap3A_1535 : i32 to index
        %swap3A_1537 = arith.constant 0 : index
        %swap3A_1538 = tpu.vector_load %arg8[%swap3A_1536, %swap3A_1537] {strides = array<i32>} : memref<256x16xf32, #tpu.memory_space<vmem>>, vector<16xf32>,
        tpu.vector_store %arg8[%swap3A_1536, %swap3A_1537], %gather3A_1534 {strides = array<i32>} : memref<256x16xf32, #tpu.memory_space<vmem>>, vector<16xf32>,
        %broadcast_in_dim3A_1539 = arith.constant 215 : i32
        %broadcast_in_dim3A_1540 = vector.broadcast %broadcast_in_dim3A_1539 : i32 to vector<16xi32>
        %gather3A_1541 = tpu.vector_load_idx %arg7[%iota3A, %broadcast_in_dim3A_1540] : memref<16x256xf32, #tpu.memory_space<vmem>>[vector<16xi32>, vector<16xi32>], vector<16xf32>,
        %swap3A_1542 = arith.constant 215 : i32
        %swap3A_1543 = arith.index_cast %swap3A_1542 : i32 to index
        %swap3A_1544 = arith.constant 0 : index
        %swap3A_1545 = tpu.vector_load %arg8[%swap3A_1543, %swap3A_1544] {strides = array<i32>} : memref<256x16xf32, #tpu.memory_space<vmem>>, vector<16xf32>,
        tpu.vector_store %arg8[%swap3A_1543, %swap3A_1544], %gather3A_1541 {strides = array<i32>} : memref<256x16xf32, #tpu.memory_space<vmem>>, vector<16xf32>,
        %broadcast_in_dim3A_1546 = arith.constant 216 : i32
        %broadcast_in_dim3A_1547 = vector.broadcast %broadcast_in_dim3A_1546 : i32 to vector<16xi32>
        %gather3A_1548 = tpu.vector_load_idx %arg7[%iota3A, %broadcast_in_dim3A_1547] : memref<16x256xf32, #tpu.memory_space<vmem>>[vector<16xi32>, vector<16xi32>], vector<16xf32>,
        %swap3A_1549 = arith.constant 216 : i32
        %swap3A_1550 = arith.index_cast %swap3A_1549 : i32 to index
        %swap3A_1551 = arith.constant 0 : index
        %swap3A_1552 = tpu.vector_load %arg8[%swap3A_1550, %swap3A_1551] {strides = array<i32>} : memref<256x16xf32, #tpu.memory_space<vmem>>, vector<16xf32>,
        tpu.vector_store %arg8[%swap3A_1550, %swap3A_1551], %gather3A_1548 {strides = array<i32>} : memref<256x16xf32, #tpu.memory_space<vmem>>, vector<16xf32>,
        %broadcast_in_dim3A_1553 = arith.constant 217 : i32
        %broadcast_in_dim3A_1554 = vector.broadcast %broadcast_in_dim3A_1553 : i32 to vector<16xi32>
        %gather3A_1555 = tpu.vector_load_idx %arg7[%iota3A, %broadcast_in_dim3A_1554] : memref<16x256xf32, #tpu.memory_space<vmem>>[vector<16xi32>, vector<16xi32>], vector<16xf32>,
        %swap3A_1556 = arith.constant 217 : i32
        %swap3A_1557 = arith.index_cast %swap3A_1556 : i32 to index
        %swap3A_1558 = arith.constant 0 : index
        %swap3A_1559 = tpu.vector_load %arg8[%swap3A_1557, %swap3A_1558] {strides = array<i32>} : memref<256x16xf32, #tpu.memory_space<vmem>>, vector<16xf32>,
        tpu.vector_store %arg8[%swap3A_1557, %swap3A_1558], %gather3A_1555 {strides = array<i32>} : memref<256x16xf32, #tpu.memory_space<vmem>>, vector<16xf32>,
        %broadcast_in_dim3A_1560 = arith.constant 218 : i32
        %broadcast_in_dim3A_1561 = vector.broadcast %broadcast_in_dim3A_1560 : i32 to vector<16xi32>
        %gather3A_1562 = tpu.vector_load_idx %arg7[%iota3A, %broadcast_in_dim3A_1561] : memref<16x256xf32, #tpu.memory_space<vmem>>[vector<16xi32>, vector<16xi32>], vector<16xf32>,
        %swap3A_1563 = arith.constant 218 : i32
        %swap3A_1564 = arith.index_cast %swap3A_1563 : i32 to index
        %swap3A_1565 = arith.constant 0 : index
        %swap3A_1566 = tpu.vector_load %arg8[%swap3A_1564, %swap3A_1565] {strides = array<i32>} : memref<256x16xf32, #tpu.memory_space<vmem>>, vector<16xf32>,
        tpu.vector_store %arg8[%swap3A_1564, %swap3A_1565], %gather3A_1562 {strides = array<i32>} : memref<256x16xf32, #tpu.memory_space<vmem>>, vector<16xf32>,
        %broadcast_in_dim3A_1567 = arith.constant 219 : i32
        %broadcast_in_dim3A_1568 = vector.broadcast %broadcast_in_dim3A_1567 : i32 to vector<16xi32>
        %gather3A_1569 = tpu.vector_load_idx %arg7[%iota3A, %broadcast_in_dim3A_1568] : memref<16x256xf32, #tpu.memory_space<vmem>>[vector<16xi32>, vector<16xi32>], vector<16xf32>,
        %swap3A_1570 = arith.constant 219 : i32
        %swap3A_1571 = arith.index_cast %swap3A_1570 : i32 to index
        %swap3A_1572 = arith.constant 0 : index
        %swap3A_1573 = tpu.vector_load %arg8[%swap3A_1571, %swap3A_1572] {strides = array<i32>} : memref<256x16xf32, #tpu.memory_space<vmem>>, vector<16xf32>,
        tpu.vector_store %arg8[%swap3A_1571, %swap3A_1572], %gather3A_1569 {strides = array<i32>} : memref<256x16xf32, #tpu.memory_space<vmem>>, vector<16xf32>,
        %broadcast_in_dim3A_1574 = arith.constant 220 : i32
        %broadcast_in_dim3A_1575 = vector.broadcast %broadcast_in_dim3A_1574 : i32 to vector<16xi32>
        %gather3A_1576 = tpu.vector_load_idx %arg7[%iota3A, %broadcast_in_dim3A_1575] : memref<16x256xf32, #tpu.memory_space<vmem>>[vector<16xi32>, vector<16xi32>], vector<16xf32>,
        %swap3A_1577 = arith.constant 220 : i32
        %swap3A_1578 = arith.index_cast %swap3A_1577 : i32 to index
        %swap3A_1579 = arith.constant 0 : index
        %swap3A_1580 = tpu.vector_load %arg8[%swap3A_1578, %swap3A_1579] {strides = array<i32>} : memref<256x16xf32, #tpu.memory_space<vmem>>, vector<16xf32>,
        tpu.vector_store %arg8[%swap3A_1578, %swap3A_1579], %gather3A_1576 {strides = array<i32>} : memref<256x16xf32, #tpu.memory_space<vmem>>, vector<16xf32>,
        %broadcast_in_dim3A_1581 = arith.constant 221 : i32
        %broadcast_in_dim3A_1582 = vector.broadcast %broadcast_in_dim3A_1581 : i32 to vector<16xi32>
        %gather3A_1583 = tpu.vector_load_idx %arg7[%iota3A, %broadcast_in_dim3A_1582] : memref<16x256xf32, #tpu.memory_space<vmem>>[vector<16xi32>, vector<16xi32>], vector<16xf32>,
        %swap3A_1584 = arith.constant 221 : i32
        %swap3A_1585 = arith.index_cast %swap3A_1584 : i32 to index
        %swap3A_1586 = arith.constant 0 : index
        %swap3A_1587 = tpu.vector_load %arg8[%swap3A_1585, %swap3A_1586] {strides = array<i32>} : memref<256x16xf32, #tpu.memory_space<vmem>>, vector<16xf32>,
        tpu.vector_store %arg8[%swap3A_1585, %swap3A_1586], %gather3A_1583 {strides = array<i32>} : memref<256x16xf32, #tpu.memory_space<vmem>>, vector<16xf32>,
        %broadcast_in_dim3A_1588 = arith.constant 222 : i32
        %broadcast_in_dim3A_1589 = vector.broadcast %broadcast_in_dim3A_1588 : i32 to vector<16xi32>
        %gather3A_1590 = tpu.vector_load_idx %arg7[%iota3A, %broadcast_in_dim3A_1589] : memref<16x256xf32, #tpu.memory_space<vmem>>[vector<16xi32>, vector<16xi32>], vector<16xf32>,
        %swap3A_1591 = arith.constant 222 : i32
        %swap3A_1592 = arith.index_cast %swap3A_1591 : i32 to index
        %swap3A_1593 = arith.constant 0 : index
        %swap3A_1594 = tpu.vector_load %arg8[%swap3A_1592, %swap3A_1593] {strides = array<i32>} : memref<256x16xf32, #tpu.memory_space<vmem>>, vector<16xf32>,
        tpu.vector_store %arg8[%swap3A_1592, %swap3A_1593], %gather3A_1590 {strides = array<i32>} : memref<256x16xf32, #tpu.memory_space<vmem>>, vector<16xf32>,
        %broadcast_in_dim3A_1595 = arith.constant 223 : i32
        %broadcast_in_dim3A_1596 = vector.broadcast %broadcast_in_dim3A_1595 : i32 to vector<16xi32>
        %gather3A_1597 = tpu.vector_load_idx %arg7[%iota3A, %broadcast_in_dim3A_1596] : memref<16x256xf32, #tpu.memory_space<vmem>>[vector<16xi32>, vector<16xi32>], vector<16xf32>,
        %swap3A_1598 = arith.constant 223 : i32
        %swap3A_1599 = arith.index_cast %swap3A_1598 : i32 to index
        %swap3A_1600 = arith.constant 0 : index
        %swap3A_1601 = tpu.vector_load %arg8[%swap3A_1599, %swap3A_1600] {strides = array<i32>} : memref<256x16xf32, #tpu.memory_space<vmem>>, vector<16xf32>,
        tpu.vector_store %arg8[%swap3A_1599, %swap3A_1600], %gather3A_1597 {strides = array<i32>} : memref<256x16xf32, #tpu.memory_space<vmem>>, vector<16xf32>,
        %broadcast_in_dim3A_1602 = arith.constant 224 : i32
        %broadcast_in_dim3A_1603 = vector.broadcast %broadcast_in_dim3A_1602 : i32 to vector<16xi32>
        %gather3A_1604 = tpu.vector_load_idx %arg7[%iota3A, %broadcast_in_dim3A_1603] : memref<16x256xf32, #tpu.memory_space<vmem>>[vector<16xi32>, vector<16xi32>], vector<16xf32>,
        %swap3A_1605 = arith.constant 224 : i32
        %swap3A_1606 = arith.index_cast %swap3A_1605 : i32 to index
        %swap3A_1607 = arith.constant 0 : index
        %swap3A_1608 = tpu.vector_load %arg8[%swap3A_1606, %swap3A_1607] {strides = array<i32>} : memref<256x16xf32, #tpu.memory_space<vmem>>, vector<16xf32>,
        tpu.vector_store %arg8[%swap3A_1606, %swap3A_1607], %gather3A_1604 {strides = array<i32>} : memref<256x16xf32, #tpu.memory_space<vmem>>, vector<16xf32>,
        %broadcast_in_dim3A_1609 = arith.constant 225 : i32
        %broadcast_in_dim3A_1610 = vector.broadcast %broadcast_in_dim3A_1609 : i32 to vector<16xi32>
        %gather3A_1611 = tpu.vector_load_idx %arg7[%iota3A, %broadcast_in_dim3A_1610] : memref<16x256xf32, #tpu.memory_space<vmem>>[vector<16xi32>, vector<16xi32>], vector<16xf32>,
        %swap3A_1612 = arith.constant 225 : i32
        %swap3A_1613 = arith.index_cast %swap3A_1612 : i32 to index
        %swap3A_1614 = arith.constant 0 : index
        %swap3A_1615 = tpu.vector_load %arg8[%swap3A_1613, %swap3A_1614] {strides = array<i32>} : memref<256x16xf32, #tpu.memory_space<vmem>>, vector<16xf32>,
        tpu.vector_store %arg8[%swap3A_1613, %swap3A_1614], %gather3A_1611 {strides = array<i32>} : memref<256x16xf32, #tpu.memory_space<vmem>>, vector<16xf32>,
        %broadcast_in_dim3A_1616 = arith.constant 226 : i32
        %broadcast_in_dim3A_1617 = vector.broadcast %broadcast_in_dim3A_1616 : i32 to vector<16xi32>
        %gather3A_1618 = tpu.vector_load_idx %arg7[%iota3A, %broadcast_in_dim3A_1617] : memref<16x256xf32, #tpu.memory_space<vmem>>[vector<16xi32>, vector<16xi32>], vector<16xf32>,
        %swap3A_1619 = arith.constant 226 : i32
        %swap3A_1620 = arith.index_cast %swap3A_1619 : i32 to index
        %swap3A_1621 = arith.constant 0 : index
        %swap3A_1622 = tpu.vector_load %arg8[%swap3A_1620, %swap3A_1621] {strides = array<i32>} : memref<256x16xf32, #tpu.memory_space<vmem>>, vector<16xf32>,
        tpu.vector_store %arg8[%swap3A_1620, %swap3A_1621], %gather3A_1618 {strides = array<i32>} : memref<256x16xf32, #tpu.memory_space<vmem>>, vector<16xf32>,
        %broadcast_in_dim3A_1623 = arith.constant 227 : i32
        %broadcast_in_dim3A_1624 = vector.broadcast %broadcast_in_dim3A_1623 : i32 to vector<16xi32>
        %gather3A_1625 = tpu.vector_load_idx %arg7[%iota3A, %broadcast_in_dim3A_1624] : memref<16x256xf32, #tpu.memory_space<vmem>>[vector<16xi32>, vector<16xi32>], vector<16xf32>,
        %swap3A_1626 = arith.constant 227 : i32
        %swap3A_1627 = arith.index_cast %swap3A_1626 : i32 to index
        %swap3A_1628 = arith.constant 0 : index
        %swap3A_1629 = tpu.vector_load %arg8[%swap3A_1627, %swap3A_1628] {strides = array<i32>} : memref<256x16xf32, #tpu.memory_space<vmem>>, vector<16xf32>,
        tpu.vector_store %arg8[%swap3A_1627, %swap3A_1628], %gather3A_1625 {strides = array<i32>} : memref<256x16xf32, #tpu.memory_space<vmem>>, vector<16xf32>,
        %broadcast_in_dim3A_1630 = arith.constant 228 : i32
        %broadcast_in_dim3A_1631 = vector.broadcast %broadcast_in_dim3A_1630 : i32 to vector<16xi32>
        %gather3A_1632 = tpu.vector_load_idx %arg7[%iota3A, %broadcast_in_dim3A_1631] : memref<16x256xf32, #tpu.memory_space<vmem>>[vector<16xi32>, vector<16xi32>], vector<16xf32>,
        %swap3A_1633 = arith.constant 228 : i32
        %swap3A_1634 = arith.index_cast %swap3A_1633 : i32 to index
        %swap3A_1635 = arith.constant 0 : index
        %swap3A_1636 = tpu.vector_load %arg8[%swap3A_1634, %swap3A_1635] {strides = array<i32>} : memref<256x16xf32, #tpu.memory_space<vmem>>, vector<16xf32>,
        tpu.vector_store %arg8[%swap3A_1634, %swap3A_1635], %gather3A_1632 {strides = array<i32>} : memref<256x16xf32, #tpu.memory_space<vmem>>, vector<16xf32>,
        %broadcast_in_dim3A_1637 = arith.constant 229 : i32
        %broadcast_in_dim3A_1638 = vector.broadcast %broadcast_in_dim3A_1637 : i32 to vector<16xi32>
        %gather3A_1639 = tpu.vector_load_idx %arg7[%iota3A, %broadcast_in_dim3A_1638] : memref<16x256xf32, #tpu.memory_space<vmem>>[vector<16xi32>, vector<16xi32>], vector<16xf32>,
        %swap3A_1640 = arith.constant 229 : i32
        %swap3A_1641 = arith.index_cast %swap3A_1640 : i32 to index
        %swap3A_1642 = arith.constant 0 : index
        %swap3A_1643 = tpu.vector_load %arg8[%swap3A_1641, %swap3A_1642] {strides = array<i32>} : memref<256x16xf32, #tpu.memory_space<vmem>>, vector<16xf32>,
        tpu.vector_store %arg8[%swap3A_1641, %swap3A_1642], %gather3A_1639 {strides = array<i32>} : memref<256x16xf32, #tpu.memory_space<vmem>>, vector<16xf32>,
        %broadcast_in_dim3A_1644 = arith.constant 230 : i32
        %broadcast_in_dim3A_1645 = vector.broadcast %broadcast_in_dim3A_1644 : i32 to vector<16xi32>
        %gather3A_1646 = tpu.vector_load_idx %arg7[%iota3A, %broadcast_in_dim3A_1645] : memref<16x256xf32, #tpu.memory_space<vmem>>[vector<16xi32>, vector<16xi32>], vector<16xf32>,
        %swap3A_1647 = arith.constant 230 : i32
        %swap3A_1648 = arith.index_cast %swap3A_1647 : i32 to index
        %swap3A_1649 = arith.constant 0 : index
        %swap3A_1650 = tpu.vector_load %arg8[%swap3A_1648, %swap3A_1649] {strides = array<i32>} : memref<256x16xf32, #tpu.memory_space<vmem>>, vector<16xf32>,
        tpu.vector_store %arg8[%swap3A_1648, %swap3A_1649], %gather3A_1646 {strides = array<i32>} : memref<256x16xf32, #tpu.memory_space<vmem>>, vector<16xf32>,
        %broadcast_in_dim3A_1651 = arith.constant 231 : i32
        %broadcast_in_dim3A_1652 = vector.broadcast %broadcast_in_dim3A_1651 : i32 to vector<16xi32>
        %gather3A_1653 = tpu.vector_load_idx %arg7[%iota3A, %broadcast_in_dim3A_1652] : memref<16x256xf32, #tpu.memory_space<vmem>>[vector<16xi32>, vector<16xi32>], vector<16xf32>,
        %swap3A_1654 = arith.constant 231 : i32
        %swap3A_1655 = arith.index_cast %swap3A_1654 : i32 to index
        %swap3A_1656 = arith.constant 0 : index
        %swap3A_1657 = tpu.vector_load %arg8[%swap3A_1655, %swap3A_1656] {strides = array<i32>} : memref<256x16xf32, #tpu.memory_space<vmem>>, vector<16xf32>,
        tpu.vector_store %arg8[%swap3A_1655, %swap3A_1656], %gather3A_1653 {strides = array<i32>} : memref<256x16xf32, #tpu.memory_space<vmem>>, vector<16xf32>,
        %broadcast_in_dim3A_1658 = arith.constant 232 : i32
        %broadcast_in_dim3A_1659 = vector.broadcast %broadcast_in_dim3A_1658 : i32 to vector<16xi32>
        %gather3A_1660 = tpu.vector_load_idx %arg7[%iota3A, %broadcast_in_dim3A_1659] : memref<16x256xf32, #tpu.memory_space<vmem>>[vector<16xi32>, vector<16xi32>], vector<16xf32>,
        %swap3A_1661 = arith.constant 232 : i32
        %swap3A_1662 = arith.index_cast %swap3A_1661 : i32 to index
        %swap3A_1663 = arith.constant 0 : index
        %swap3A_1664 = tpu.vector_load %arg8[%swap3A_1662, %swap3A_1663] {strides = array<i32>} : memref<256x16xf32, #tpu.memory_space<vmem>>, vector<16xf32>,
        tpu.vector_store %arg8[%swap3A_1662, %swap3A_1663], %gather3A_1660 {strides = array<i32>} : memref<256x16xf32, #tpu.memory_space<vmem>>, vector<16xf32>,
        %broadcast_in_dim3A_1665 = arith.constant 233 : i32
        %broadcast_in_dim3A_1666 = vector.broadcast %broadcast_in_dim3A_1665 : i32 to vector<16xi32>
        %gather3A_1667 = tpu.vector_load_idx %arg7[%iota3A, %broadcast_in_dim3A_1666] : memref<16x256xf32, #tpu.memory_space<vmem>>[vector<16xi32>, vector<16xi32>], vector<16xf32>,
        %swap3A_1668 = arith.constant 233 : i32
        %swap3A_1669 = arith.index_cast %swap3A_1668 : i32 to index
        %swap3A_1670 = arith.constant 0 : index
        %swap3A_1671 = tpu.vector_load %arg8[%swap3A_1669, %swap3A_1670] {strides = array<i32>} : memref<256x16xf32, #tpu.memory_space<vmem>>, vector<16xf32>,
        tpu.vector_store %arg8[%swap3A_1669, %swap3A_1670], %gather3A_1667 {strides = array<i32>} : memref<256x16xf32, #tpu.memory_space<vmem>>, vector<16xf32>,
        %broadcast_in_dim3A_1672 = arith.constant 234 : i32
        %broadcast_in_dim3A_1673 = vector.broadcast %broadcast_in_dim3A_1672 : i32 to vector<16xi32>
        %gather3A_1674 = tpu.vector_load_idx %arg7[%iota3A, %broadcast_in_dim3A_1673] : memref<16x256xf32, #tpu.memory_space<vmem>>[vector<16xi32>, vector<16xi32>], vector<16xf32>,
        %swap3A_1675 = arith.constant 234 : i32
        %swap3A_1676 = arith.index_cast %swap3A_1675 : i32 to index
        %swap3A_1677 = arith.constant 0 : index
        %swap3A_1678 = tpu.vector_load %arg8[%swap3A_1676, %swap3A_1677] {strides = array<i32>} : memref<256x16xf32, #tpu.memory_space<vmem>>, vector<16xf32>,
        tpu.vector_store %arg8[%swap3A_1676, %swap3A_1677], %gather3A_1674 {strides = array<i32>} : memref<256x16xf32, #tpu.memory_space<vmem>>, vector<16xf32>,
        %broadcast_in_dim3A_1679 = arith.constant 235 : i32
        %broadcast_in_dim3A_1680 = vector.broadcast %broadcast_in_dim3A_1679 : i32 to vector<16xi32>
        %gather3A_1681 = tpu.vector_load_idx %arg7[%iota3A, %broadcast_in_dim3A_1680] : memref<16x256xf32, #tpu.memory_space<vmem>>[vector<16xi32>, vector<16xi32>], vector<16xf32>,
        %swap3A_1682 = arith.constant 235 : i32
        %swap3A_1683 = arith.index_cast %swap3A_1682 : i32 to index
        %swap3A_1684 = arith.constant 0 : index
        %swap3A_1685 = tpu.vector_load %arg8[%swap3A_1683, %swap3A_1684] {strides = array<i32>} : memref<256x16xf32, #tpu.memory_space<vmem>>, vector<16xf32>,
        tpu.vector_store %arg8[%swap3A_1683, %swap3A_1684], %gather3A_1681 {strides = array<i32>} : memref<256x16xf32, #tpu.memory_space<vmem>>, vector<16xf32>,
        %broadcast_in_dim3A_1686 = arith.constant 236 : i32
        %broadcast_in_dim3A_1687 = vector.broadcast %broadcast_in_dim3A_1686 : i32 to vector<16xi32>
        %gather3A_1688 = tpu.vector_load_idx %arg7[%iota3A, %broadcast_in_dim3A_1687] : memref<16x256xf32, #tpu.memory_space<vmem>>[vector<16xi32>, vector<16xi32>], vector<16xf32>,
        %swap3A_1689 = arith.constant 236 : i32
        %swap3A_1690 = arith.index_cast %swap3A_1689 : i32 to index
        %swap3A_1691 = arith.constant 0 : index
        %swap3A_1692 = tpu.vector_load %arg8[%swap3A_1690, %swap3A_1691] {strides = array<i32>} : memref<256x16xf32, #tpu.memory_space<vmem>>, vector<16xf32>,
        tpu.vector_store %arg8[%swap3A_1690, %swap3A_1691], %gather3A_1688 {strides = array<i32>} : memref<256x16xf32, #tpu.memory_space<vmem>>, vector<16xf32>,
        %broadcast_in_dim3A_1693 = arith.constant 237 : i32
        %broadcast_in_dim3A_1694 = vector.broadcast %broadcast_in_dim3A_1693 : i32 to vector<16xi32>
        %gather3A_1695 = tpu.vector_load_idx %arg7[%iota3A, %broadcast_in_dim3A_1694] : memref<16x256xf32, #tpu.memory_space<vmem>>[vector<16xi32>, vector<16xi32>], vector<16xf32>,
        %swap3A_1696 = arith.constant 237 : i32
        %swap3A_1697 = arith.index_cast %swap3A_1696 : i32 to index
        %swap3A_1698 = arith.constant 0 : index
        %swap3A_1699 = tpu.vector_load %arg8[%swap3A_1697, %swap3A_1698] {strides = array<i32>} : memref<256x16xf32, #tpu.memory_space<vmem>>, vector<16xf32>,
        tpu.vector_store %arg8[%swap3A_1697, %swap3A_1698], %gather3A_1695 {strides = array<i32>} : memref<256x16xf32, #tpu.memory_space<vmem>>, vector<16xf32>,
        %broadcast_in_dim3A_1700 = arith.constant 238 : i32
        %broadcast_in_dim3A_1701 = vector.broadcast %broadcast_in_dim3A_1700 : i32 to vector<16xi32>
        %gather3A_1702 = tpu.vector_load_idx %arg7[%iota3A, %broadcast_in_dim3A_1701] : memref<16x256xf32, #tpu.memory_space<vmem>>[vector<16xi32>, vector<16xi32>], vector<16xf32>,
        %swap3A_1703 = arith.constant 238 : i32
        %swap3A_1704 = arith.index_cast %swap3A_1703 : i32 to index
        %swap3A_1705 = arith.constant 0 : index
        %swap3A_1706 = tpu.vector_load %arg8[%swap3A_1704, %swap3A_1705] {strides = array<i32>} : memref<256x16xf32, #tpu.memory_space<vmem>>, vector<16xf32>,
        tpu.vector_store %arg8[%swap3A_1704, %swap3A_1705], %gather3A_1702 {strides = array<i32>} : memref<256x16xf32, #tpu.memory_space<vmem>>, vector<16xf32>,
        %broadcast_in_dim3A_1707 = arith.constant 239 : i32
        %broadcast_in_dim3A_1708 = vector.broadcast %broadcast_in_dim3A_1707 : i32 to vector<16xi32>
        %gather3A_1709 = tpu.vector_load_idx %arg7[%iota3A, %broadcast_in_dim3A_1708] : memref<16x256xf32, #tpu.memory_space<vmem>>[vector<16xi32>, vector<16xi32>], vector<16xf32>,
        %swap3A_1710 = arith.constant 239 : i32
        %swap3A_1711 = arith.index_cast %swap3A_1710 : i32 to index
        %swap3A_1712 = arith.constant 0 : index
        %swap3A_1713 = tpu.vector_load %arg8[%swap3A_1711, %swap3A_1712] {strides = array<i32>} : memref<256x16xf32, #tpu.memory_space<vmem>>, vector<16xf32>,
        tpu.vector_store %arg8[%swap3A_1711, %swap3A_1712], %gather3A_1709 {strides = array<i32>} : memref<256x16xf32, #tpu.memory_space<vmem>>, vector<16xf32>,
        %broadcast_in_dim3A_1714 = arith.constant 240 : i32
        %broadcast_in_dim3A_1715 = vector.broadcast %broadcast_in_dim3A_1714 : i32 to vector<16xi32>
        %gather3A_1716 = tpu.vector_load_idx %arg7[%iota3A, %broadcast_in_dim3A_1715] : memref<16x256xf32, #tpu.memory_space<vmem>>[vector<16xi32>, vector<16xi32>], vector<16xf32>,
        %swap3A_1717 = arith.constant 240 : i32
        %swap3A_1718 = arith.index_cast %swap3A_1717 : i32 to index
        %swap3A_1719 = arith.constant 0 : index
        %swap3A_1720 = tpu.vector_load %arg8[%swap3A_1718, %swap3A_1719] {strides = array<i32>} : memref<256x16xf32, #tpu.memory_space<vmem>>, vector<16xf32>,
        tpu.vector_store %arg8[%swap3A_1718, %swap3A_1719], %gather3A_1716 {strides = array<i32>} : memref<256x16xf32, #tpu.memory_space<vmem>>, vector<16xf32>,
        %broadcast_in_dim3A_1721 = arith.constant 241 : i32
        %broadcast_in_dim3A_1722 = vector.broadcast %broadcast_in_dim3A_1721 : i32 to vector<16xi32>
        %gather3A_1723 = tpu.vector_load_idx %arg7[%iota3A, %broadcast_in_dim3A_1722] : memref<16x256xf32, #tpu.memory_space<vmem>>[vector<16xi32>, vector<16xi32>], vector<16xf32>,
        %swap3A_1724 = arith.constant 241 : i32
        %swap3A_1725 = arith.index_cast %swap3A_1724 : i32 to index
        %swap3A_1726 = arith.constant 0 : index
        %swap3A_1727 = tpu.vector_load %arg8[%swap3A_1725, %swap3A_1726] {strides = array<i32>} : memref<256x16xf32, #tpu.memory_space<vmem>>, vector<16xf32>,
        tpu.vector_store %arg8[%swap3A_1725, %swap3A_1726], %gather3A_1723 {strides = array<i32>} : memref<256x16xf32, #tpu.memory_space<vmem>>, vector<16xf32>,
        %broadcast_in_dim3A_1728 = arith.constant 242 : i32
        %broadcast_in_dim3A_1729 = vector.broadcast %broadcast_in_dim3A_1728 : i32 to vector<16xi32>
        %gather3A_1730 = tpu.vector_load_idx %arg7[%iota3A, %broadcast_in_dim3A_1729] : memref<16x256xf32, #tpu.memory_space<vmem>>[vector<16xi32>, vector<16xi32>], vector<16xf32>,
        %swap3A_1731 = arith.constant 242 : i32
        %swap3A_1732 = arith.index_cast %swap3A_1731 : i32 to index
        %swap3A_1733 = arith.constant 0 : index
        %swap3A_1734 = tpu.vector_load %arg8[%swap3A_1732, %swap3A_1733] {strides = array<i32>} : memref<256x16xf32, #tpu.memory_space<vmem>>, vector<16xf32>,
        tpu.vector_store %arg8[%swap3A_1732, %swap3A_1733], %gather3A_1730 {strides = array<i32>} : memref<256x16xf32, #tpu.memory_space<vmem>>, vector<16xf32>,
        %broadcast_in_dim3A_1735 = arith.constant 243 : i32
        %broadcast_in_dim3A_1736 = vector.broadcast %broadcast_in_dim3A_1735 : i32 to vector<16xi32>
        %gather3A_1737 = tpu.vector_load_idx %arg7[%iota3A, %broadcast_in_dim3A_1736] : memref<16x256xf32, #tpu.memory_space<vmem>>[vector<16xi32>, vector<16xi32>], vector<16xf32>,
        %swap3A_1738 = arith.constant 243 : i32
        %swap3A_1739 = arith.index_cast %swap3A_1738 : i32 to index
        %swap3A_1740 = arith.constant 0 : index
        %swap3A_1741 = tpu.vector_load %arg8[%swap3A_1739, %swap3A_1740] {strides = array<i32>} : memref<256x16xf32, #tpu.memory_space<vmem>>, vector<16xf32>,
        tpu.vector_store %arg8[%swap3A_1739, %swap3A_1740], %gather3A_1737 {strides = array<i32>} : memref<256x16xf32, #tpu.memory_space<vmem>>, vector<16xf32>,
        %broadcast_in_dim3A_1742 = arith.constant 244 : i32
        %broadcast_in_dim3A_1743 = vector.broadcast %broadcast_in_dim3A_1742 : i32 to vector<16xi32>
        %gather3A_1744 = tpu.vector_load_idx %arg7[%iota3A, %broadcast_in_dim3A_1743] : memref<16x256xf32, #tpu.memory_space<vmem>>[vector<16xi32>, vector<16xi32>], vector<16xf32>,
        %swap3A_1745 = arith.constant 244 : i32
        %swap3A_1746 = arith.index_cast %swap3A_1745 : i32 to index
        %swap3A_1747 = arith.constant 0 : index
        %swap3A_1748 = tpu.vector_load %arg8[%swap3A_1746, %swap3A_1747] {strides = array<i32>} : memref<256x16xf32, #tpu.memory_space<vmem>>, vector<16xf32>,
        tpu.vector_store %arg8[%swap3A_1746, %swap3A_1747], %gather3A_1744 {strides = array<i32>} : memref<256x16xf32, #tpu.memory_space<vmem>>, vector<16xf32>,
        %broadcast_in_dim3A_1749 = arith.constant 245 : i32
        %broadcast_in_dim3A_1750 = vector.broadcast %broadcast_in_dim3A_1749 : i32 to vector<16xi32>
        %gather3A_1751 = tpu.vector_load_idx %arg7[%iota3A, %broadcast_in_dim3A_1750] : memref<16x256xf32, #tpu.memory_space<vmem>>[vector<16xi32>, vector<16xi32>], vector<16xf32>,
        %swap3A_1752 = arith.constant 245 : i32
        %swap3A_1753 = arith.index_cast %swap3A_1752 : i32 to index
        %swap3A_1754 = arith.constant 0 : index
        %swap3A_1755 = tpu.vector_load %arg8[%swap3A_1753, %swap3A_1754] {strides = array<i32>} : memref<256x16xf32, #tpu.memory_space<vmem>>, vector<16xf32>,
        tpu.vector_store %arg8[%swap3A_1753, %swap3A_1754], %gather3A_1751 {strides = array<i32>} : memref<256x16xf32, #tpu.memory_space<vmem>>, vector<16xf32>,
        %broadcast_in_dim3A_1756 = arith.constant 246 : i32
        %broadcast_in_dim3A_1757 = vector.broadcast %broadcast_in_dim3A_1756 : i32 to vector<16xi32>
        %gather3A_1758 = tpu.vector_load_idx %arg7[%iota3A, %broadcast_in_dim3A_1757] : memref<16x256xf32, #tpu.memory_space<vmem>>[vector<16xi32>, vector<16xi32>], vector<16xf32>,
        %swap3A_1759 = arith.constant 246 : i32
        %swap3A_1760 = arith.index_cast %swap3A_1759 : i32 to index
        %swap3A_1761 = arith.constant 0 : index
        %swap3A_1762 = tpu.vector_load %arg8[%swap3A_1760, %swap3A_1761] {strides = array<i32>} : memref<256x16xf32, #tpu.memory_space<vmem>>, vector<16xf32>,
        tpu.vector_store %arg8[%swap3A_1760, %swap3A_1761], %gather3A_1758 {strides = array<i32>} : memref<256x16xf32, #tpu.memory_space<vmem>>, vector<16xf32>,
        %broadcast_in_dim3A_1763 = arith.constant 247 : i32
        %broadcast_in_dim3A_1764 = vector.broadcast %broadcast_in_dim3A_1763 : i32 to vector<16xi32>
        %gather3A_1765 = tpu.vector_load_idx %arg7[%iota3A, %broadcast_in_dim3A_1764] : memref<16x256xf32, #tpu.memory_space<vmem>>[vector<16xi32>, vector<16xi32>], vector<16xf32>,
        %swap3A_1766 = arith.constant 247 : i32
        %swap3A_1767 = arith.index_cast %swap3A_1766 : i32 to index
        %swap3A_1768 = arith.constant 0 : index
        %swap3A_1769 = tpu.vector_load %arg8[%swap3A_1767, %swap3A_1768] {strides = array<i32>} : memref<256x16xf32, #tpu.memory_space<vmem>>, vector<16xf32>,
        tpu.vector_store %arg8[%swap3A_1767, %swap3A_1768], %gather3A_1765 {strides = array<i32>} : memref<256x16xf32, #tpu.memory_space<vmem>>, vector<16xf32>,
        %broadcast_in_dim3A_1770 = arith.constant 248 : i32
        %broadcast_in_dim3A_1771 = vector.broadcast %broadcast_in_dim3A_1770 : i32 to vector<16xi32>
        %gather3A_1772 = tpu.vector_load_idx %arg7[%iota3A, %broadcast_in_dim3A_1771] : memref<16x256xf32, #tpu.memory_space<vmem>>[vector<16xi32>, vector<16xi32>], vector<16xf32>,
        %swap3A_1773 = arith.constant 248 : i32
        %swap3A_1774 = arith.index_cast %swap3A_1773 : i32 to index
        %swap3A_1775 = arith.constant 0 : index
        %swap3A_1776 = tpu.vector_load %arg8[%swap3A_1774, %swap3A_1775] {strides = array<i32>} : memref<256x16xf32, #tpu.memory_space<vmem>>, vector<16xf32>,
        tpu.vector_store %arg8[%swap3A_1774, %swap3A_1775], %gather3A_1772 {strides = array<i32>} : memref<256x16xf32, #tpu.memory_space<vmem>>, vector<16xf32>,
        %broadcast_in_dim3A_1777 = arith.constant 249 : i32
        %broadcast_in_dim3A_1778 = vector.broadcast %broadcast_in_dim3A_1777 : i32 to vector<16xi32>
        %gather3A_1779 = tpu.vector_load_idx %arg7[%iota3A, %broadcast_in_dim3A_1778] : memref<16x256xf32, #tpu.memory_space<vmem>>[vector<16xi32>, vector<16xi32>], vector<16xf32>,
        %swap3A_1780 = arith.constant 249 : i32
        %swap3A_1781 = arith.index_cast %swap3A_1780 : i32 to index
        %swap3A_1782 = arith.constant 0 : index
        %swap3A_1783 = tpu.vector_load %arg8[%swap3A_1781, %swap3A_1782] {strides = array<i32>} : memref<256x16xf32, #tpu.memory_space<vmem>>, vector<16xf32>,
        tpu.vector_store %arg8[%swap3A_1781, %swap3A_1782], %gather3A_1779 {strides = array<i32>} : memref<256x16xf32, #tpu.memory_space<vmem>>, vector<16xf32>,
        %broadcast_in_dim3A_1784 = arith.constant 250 : i32
        %broadcast_in_dim3A_1785 = vector.broadcast %broadcast_in_dim3A_1784 : i32 to vector<16xi32>
        %gather3A_1786 = tpu.vector_load_idx %arg7[%iota3A, %broadcast_in_dim3A_1785] : memref<16x256xf32, #tpu.memory_space<vmem>>[vector<16xi32>, vector<16xi32>], vector<16xf32>,
        %swap3A_1787 = arith.constant 250 : i32
        %swap3A_1788 = arith.index_cast %swap3A_1787 : i32 to index
        %swap3A_1789 = arith.constant 0 : index
        %swap3A_1790 = tpu.vector_load %arg8[%swap3A_1788, %swap3A_1789] {strides = array<i32>} : memref<256x16xf32, #tpu.memory_space<vmem>>, vector<16xf32>,
        tpu.vector_store %arg8[%swap3A_1788, %swap3A_1789], %gather3A_1786 {strides = array<i32>} : memref<256x16xf32, #tpu.memory_space<vmem>>, vector<16xf32>,
        %broadcast_in_dim3A_1791 = arith.constant 251 : i32
        %broadcast_in_dim3A_1792 = vector.broadcast %broadcast_in_dim3A_1791 : i32 to vector<16xi32>
        %gather3A_1793 = tpu.vector_load_idx %arg7[%iota3A, %broadcast_in_dim3A_1792] : memref<16x256xf32, #tpu.memory_space<vmem>>[vector<16xi32>, vector<16xi32>], vector<16xf32>,
        %swap3A_1794 = arith.constant 251 : i32
        %swap3A_1795 = arith.index_cast %swap3A_1794 : i32 to index
        %swap3A_1796 = arith.constant 0 : index
        %swap3A_1797 = tpu.vector_load %arg8[%swap3A_1795, %swap3A_1796] {strides = array<i32>} : memref<256x16xf32, #tpu.memory_space<vmem>>, vector<16xf32>,
        tpu.vector_store %arg8[%swap3A_1795, %swap3A_1796], %gather3A_1793 {strides = array<i32>} : memref<256x16xf32, #tpu.memory_space<vmem>>, vector<16xf32>,
        %broadcast_in_dim3A_1798 = arith.constant 252 : i32
        %broadcast_in_dim3A_1799 = vector.broadcast %broadcast_in_dim3A_1798 : i32 to vector<16xi32>
        %gather3A_1800 = tpu.vector_load_idx %arg7[%iota3A, %broadcast_in_dim3A_1799] : memref<16x256xf32, #tpu.memory_space<vmem>>[vector<16xi32>, vector<16xi32>], vector<16xf32>,
        %swap3A_1801 = arith.constant 252 : i32
        %swap3A_1802 = arith.index_cast %swap3A_1801 : i32 to index
        %swap3A_1803 = arith.constant 0 : index
        %swap3A_1804 = tpu.vector_load %arg8[%swap3A_1802, %swap3A_1803] {strides = array<i32>} : memref<256x16xf32, #tpu.memory_space<vmem>>, vector<16xf32>,
        tpu.vector_store %arg8[%swap3A_1802, %swap3A_1803], %gather3A_1800 {strides = array<i32>} : memref<256x16xf32, #tpu.memory_space<vmem>>, vector<16xf32>,
        %broadcast_in_dim3A_1805 = arith.constant 253 : i32
        %broadcast_in_dim3A_1806 = vector.broadcast %broadcast_in_dim3A_1805 : i32 to vector<16xi32>
        %gather3A_1807 = tpu.vector_load_idx %arg7[%iota3A, %broadcast_in_dim3A_1806] : memref<16x256xf32, #tpu.memory_space<vmem>>[vector<16xi32>, vector<16xi32>], vector<16xf32>,
        %swap3A_1808 = arith.constant 253 : i32
        %swap3A_1809 = arith.index_cast %swap3A_1808 : i32 to index
        %swap3A_1810 = arith.constant 0 : index
        %swap3A_1811 = tpu.vector_load %arg8[%swap3A_1809, %swap3A_1810] {strides = array<i32>} : memref<256x16xf32, #tpu.memory_space<vmem>>, vector<16xf32>,
        tpu.vector_store %arg8[%swap3A_1809, %swap3A_1810], %gather3A_1807 {strides = array<i32>} : memref<256x16xf32, #tpu.memory_space<vmem>>, vector<16xf32>,
        %broadcast_in_dim3A_1812 = arith.constant 254 : i32
        %broadcast_in_dim3A_1813 = vector.broadcast %broadcast_in_dim3A_1812 : i32 to vector<16xi32>
        %gather3A_1814 = tpu.vector_load_idx %arg7[%iota3A, %broadcast_in_dim3A_1813] : memref<16x256xf32, #tpu.memory_space<vmem>>[vector<16xi32>, vector<16xi32>], vector<16xf32>,
        %swap3A_1815 = arith.constant 254 : i32
        %swap3A_1816 = arith.index_cast %swap3A_1815 : i32 to index
        %swap3A_1817 = arith.constant 0 : index
        %swap3A_1818 = tpu.vector_load %arg8[%swap3A_1816, %swap3A_1817] {strides = array<i32>} : memref<256x16xf32, #tpu.memory_space<vmem>>, vector<16xf32>,
        tpu.vector_store %arg8[%swap3A_1816, %swap3A_1817], %gather3A_1814 {strides = array<i32>} : memref<256x16xf32, #tpu.memory_space<vmem>>, vector<16xf32>,
        %broadcast_in_dim3A_1819 = arith.constant 255 : i32
        %broadcast_in_dim3A_1820 = vector.broadcast %broadcast_in_dim3A_1819 : i32 to vector<16xi32>
        %gather3A_1821 = tpu.vector_load_idx %arg7[%iota3A, %broadcast_in_dim3A_1820] : memref<16x256xf32, #tpu.memory_space<vmem>>[vector<16xi32>, vector<16xi32>], vector<16xf32>,
        %swap3A_1822 = arith.constant 255 : i32
        %swap3A_1823 = arith.index_cast %swap3A_1822 : i32 to index
        %swap3A_1824 = arith.constant 0 : index
        %swap3A_1825 = tpu.vector_load %arg8[%swap3A_1823, %swap3A_1824] {strides = array<i32>} : memref<256x16xf32, #tpu.memory_space<vmem>>, vector<16xf32>,
        tpu.vector_store %arg8[%swap3A_1823, %swap3A_1824], %gather3A_1821 {strides = array<i32>} : memref<256x16xf32, #tpu.memory_space<vmem>>, vector<16xf32>,
        %mul3A_1826 = arith.constant 16 : i32
        %mul3A_1827 = arith.muli %add3A_10, %mul3A_1826 : i32
        "tpu.region"() ({
          %run_scoped3A = tpu.sem_alloc : memref<!tpu.dma_semaphore, #tpu.memory_space<semaphore_mem>>
          %dma_start3A_1828 = arith.constant 0 : i32
          %dma_start3A_1829 = tpu.memref_slice %arg4[%dma_start3A_1828, %mul3A_1827] : memref<256x28000xf32, #tpu.memory_space<hbm>> -> memref<256x16xf32, #tpu.memory_space<hbm>>
          %dma_start3A_1830 = arith.constant 0 : i32
          %dma_start3A_1831 = tpu.memref_slice %arg4[%dma_start3A_1830, %mul3A_1827] : memref<256x28000xf32, #tpu.memory_space<hbm>> -> memref<256x16xf32, #tpu.memory_space<hbm>>
          tpu.enqueue_dma source(%arg8 : memref<256x16xf32, #tpu.memory_space<vmem>>) target(%dma_start3A_1831 : memref<256x16xf32, #tpu.memory_space<hbm>>) target_semaphore(%run_scoped3A : memref<!tpu.dma_semaphore, #tpu.memory_space<semaphore_mem>>)
          %dma_wait3A_1832 = arith.constant 0 : i32
          %dma_wait3A_1833 = tpu.memref_slice %arg4[%dma_wait3A_1832, %mul3A_1827] : memref<256x28000xf32, #tpu.memory_space<hbm>> -> memref<256x16xf32, #tpu.memory_space<hbm>>
          %dma_wait3A_1834 = arith.constant 0 : i32
          %dma_wait3A_1835 = tpu.memref_slice %arg4[%dma_wait3A_1834, %mul3A_1827] : memref<256x28000xf32, #tpu.memory_space<hbm>> -> memref<256x16xf32, #tpu.memory_space<hbm>>
          tpu.wait_dma2 semaphore(%run_scoped3A : memref<!tpu.dma_semaphore, #tpu.memory_space<semaphore_mem>>) src(%arg8 : memref<256x16xf32, #tpu.memory_space<vmem>>) dst(%dma_wait3A_1835 : memref<256x16xf32, #tpu.memory_space<hbm>>)
          tpu.yield
        }) : () -> ()
      } else {
      }
    }
    %scan3A_6 = arith.constant 55 : i32
    return
  }
}

</mosaic_0001>

<sc_bundles>
// kernel: kernel.3.cloned.1.call-start
scs
__scs_entry_jumppad:
0x0: {  	(pc) =	sbr.rel $0x88, $3  }
0x1: {  	(tag) =	ssettag $0x0;
	lr =	simm.s32 $0x1  }
0x2: {  	[smem:$0x3F9F] =	sst lr;
	_ =	strace $0xD0000000  }
0x3: {  	_ = 	snop  }
0x4: {  	_ = 	snop  }
0x5: {  	_ = 	snop  }
0x6: {  	_ = 	snop  }
0x7: {  	_ = 	snop  }
__scs_overlays_trampoline_lowered:
0x8: {  	[smem:$0x3FAE] =	sst s0  }
0x9: {  	[smem:$0x3FAF] =	sst s1  }
0xa: {  	[smem:$0x3FB0] =	sst s2  }
0xb: {  	[smem:$0x3FB1] =	sst s3  }
0xc: {  	[smem:$0x3FB2] =	sst s4  }
0xd: {  	[smem:$0x3FB3] =	sst s5  }
0xe: {  	[smem:$0x3FB4] =	sst s6  }
0xf: {  	[smem:$0x3FB5] =	sst s7  }
0x10: {  	[smem:$0x3FB6] =	sst s8  }
0x11: {  	[smem:$0x3FB7] =	sst s9;
	s0 =	simm.s32 @!p0 $0x0  }
0x12: {  	s1 =	sld [smem:$0x3F9D];
	s0 =	simm.s32 @p0 $0x1  }
0x13: {  	[smem:$0x3FB8] =	sst s0;
	s0 =	simm.s32 @!p1 $0x0  }
0x14: {  	s2 =	sld [smem:$0x3F9C];
	s0 =	simm.s32 @p1 $0x1  }
0x15: {  	[smem:$0x3FB9] =	sst s0;
	s0 =	simm.s32 @!p2 $0x0  }
0x16: {  	s3 =	sld [smem:$0x3FDB];
	s0 =	simm.s32 @p2 $0x1  }
0x17: {  	s4 =	simm.s32 $0x1BF5;
	[smem:$0x3FBB] =	sst s0  }
0x18: {  	s0 =	sld [smem:$0x3F9E];
	_ =	swait.ge [sflag:s4], $0x0  }
0x19: {  	s7 =	sld [smem:$0x3F9F]  }
0x1a: {  	s8 =	sadd.s32 $0xFFFFE003, lr  }
0x1b: {  	s9 =	sadd.s32 $0xFFFFFEF7, lr;
	s5 =	simm.s32 $0xFFFFFFFF;
	p2 =	slt.u32 s8, $0xFFFFF086  }
0x1c: {  	p1 =	slt.u32 s9, $0xF7A;
	s5 =	simm.s32 @!p2 $0x0  }
0x1d: {  	s5 =	simm.s32 @p1 $0x1;
	p0 =	seq.s32 s7, s2  }
0x1e: {  	s7 =	smul.u32 @!p0 $0xF7A, s2;
	p2 =	seq.s32 @!p0 s5, $0x0  }
0x1f: {  	s9 =	smul.u32 $0xF7A, s1;
	s8 =	simm.s32 @!p0 $0x1BF5;
	p2 =	por !p2, p0  }
0x20: {  	[sflag:s8] =	ssyncset.s32 @!p0 $0xFFFFF086;
	s6 =	sadd.s32 @!p0 s3, s7;
	s7 =	simm.s32 @!p0 $0x108  }
0x21: {  	s3 =	sadd.s32 s3, s9;
	s6 =	sadd.s32 @!p0 $0x88, s6;
	s7 =	simm.s32 @p2 $0x1082  }
0x22: {  	[simem:s7], [sflag:s8] =	dma.local @!p0 [hbm:s6], $0xF7A  }
0x23: {  	s9 =	sor.u32 $0xD0000000, s2;
	s6 =	simm.s32 $0x108;
	_ =	swait.ge @!p0 [sflag:s8], $0x0  }
0x24: {  	s3 =	sadd.s32 $0x88, s3;
	s6 =	simm.s32 @!p1 $0x1082;
	[sflag:s4] =	ssyncset.s32 $0xFFFFF086  }
0x25: {  	[simem:s6], [sflag:s4] =	dma.local [hbm:s3], $0xF7A  }
0x26: {  	[smem:$0x3F9F] =	sst s1;
	(tag) =	ssettag s2;
	_ =	strace s9  }
0x27: {  	s1 =	sld [smem:$0x3FAF]  }
0x28: {  	s2 =	sld [smem:$0x3FB0]  }
0x29: {  	s4 =	sld [smem:$0x3FB2]  }
0x2a: {  	p0 =	seq.s32 s5, $0x0;
	s5 =	sld [smem:$0x3FB3]  }
0x2b: {  	s6 =	sld [smem:$0x3FB4]  }
0x2c: {  	s7 =	sld [smem:$0x3FB5]  }
0x2d: {  	s3 =	simm.s32 $0x108;
	s8 =	sld [smem:$0x3FB6]  }
0x2e: {  	s3 =	simm.s32 @!p0 $0x1082;
	s9 =	sld [smem:$0x3FB7]  }
0x2f: {  	lr =	sadd.s32 s0, s3;
	s0 =	sld [smem:$0x3FAE]  }
0x30: {  	s3 =	sld [smem:$0x3FB1]  }
0x31: {  	[smem:$0x3FBA] =	sst s10  }
0x32: {  	s10 =	sld [smem:$0x3FB8];
	_ =	sdelay $0x3  }
0x33: {  	p0 =	seq.s32 s10, $0x1;
	s10 =	sld [smem:$0x3FBA];
	_ =	sdelay $0x3  }
0x34: {  	[smem:$0x3FBA] =	sst s10  }
0x35: {  	s10 =	sld [smem:$0x3FB9];
	_ =	sdelay $0x3  }
0x36: {  	p1 =	seq.s32 s10, $0x1;
	s10 =	sld [smem:$0x3FBA];
	_ =	sdelay $0x3  }
0x37: {  	[smem:$0x3FBA] =	sst s10  }
0x38: {  	s10 =	sld [smem:$0x3FBB]  }
0x39: {  	_ = 	snop;
	(pc) =	sbr.ind lr, $3  }
0x3a: {  	_ = 	snop  }
0x3b: {  	_ = 	snop  }
0x3c: {  	p2 =	seq.s32 s10, $0x1;
	s10 =	sld [smem:$0x3FBA]  }
0x3d: {  	_ =	shalt  }
0x3e: {  	_ =	shalt  }
0x3f: {  	_ =	shalt  }
0x40: {  	_ =	shalt  }
0x41: {  	_ =	shalt  }
0x42: {  	_ =	shalt  }
0x43: {  	_ =	shalt  }
0x44: {  	_ =	shalt  }
0x45: {  	_ =	shalt  }
0x46: {  	_ =	shalt  }
0x47: {  	_ =	shalt  }
0x48: {  	_ =	shalt  }
0x49: {  	_ =	shalt  }
0x4a: {  	_ =	shalt  }
0x4b: {  	_ =	shalt  }
0x4c: {  	_ =	shalt  }
0x4d: {  	_ =	shalt  }
0x4e: {  	_ =	shalt  }
0x4f: {  	_ =	shalt  }
0x50: {  	_ =	shalt  }
0x51: {  	_ =	shalt  }
0x52: {  	_ =	shalt  }
0x53: {  	_ =	shalt  }
0x54: {  	_ =	shalt  }
0x55: {  	_ =	shalt  }
0x56: {  	_ =	shalt  }
0x57: {  	_ =	shalt  }
0x58: {  	_ =	shalt  }
0x59: {  	_ =	shalt  }
0x5a: {  	_ =	shalt  }
0x5b: {  	_ =	shalt  }
0x5c: {  	_ =	shalt  }
0x5d: {  	_ =	shalt  }
0x5e: {  	_ =	shalt  }
0x5f: {  	_ =	shalt  }
0x60: {  	_ =	shalt  }
0x61: {  	_ =	shalt  }
0x62: {  	_ =	shalt  }
0x63: {  	_ =	shalt  }
0x64: {  	_ =	shalt  }
0x65: {  	_ =	shalt  }
0x66: {  	_ =	shalt  }
0x67: {  	_ =	shalt  }
0x68: {  	_ =	shalt  }
0x69: {  	_ =	shalt  }
0x6a: {  	_ =	shalt  }
0x6b: {  	_ =	shalt  }
0x6c: {  	_ =	shalt  }
0x6d: {  	_ =	shalt  }
0x6e: {  	_ =	shalt  }
0x6f: {  	_ =	shalt  }
0x70: {  	_ =	shalt  }
0x71: {  	_ =	shalt  }
0x72: {  	_ =	shalt  }
0x73: {  	_ =	shalt  }
0x74: {  	_ =	shalt  }
0x75: {  	_ =	shalt  }
0x76: {  	_ =	shalt  }
0x77: {  	_ =	shalt  }
0x78: {  	_ =	shalt  }
0x79: {  	_ =	shalt  }
0x7a: {  	_ =	shalt  }
0x7b: {  	_ =	shalt  }
0x7c: {  	_ =	shalt  }
0x7d: {  	_ =	shalt  }
0x7e: {  	_ =	shalt  }
0x7f: {  	_ =	shalt  }
0x80: {  	_ =	shalt  }
0x81: {  	_ =	shalt  }
0x82: {  	_ =	shalt  }
0x83: {  	_ =	shalt  }
0x84: {  	_ =	shalt  }
0x85: {  	_ =	shalt  }
0x86: {  	_ =	shalt  }
0x87: {  	_ =	shalt  }
.Lfunc_end0:
.L_simem_size_0:
called_computation_lowered:
.L_overlay_start_0:
0x88: {  	s2 =	sld [smem:$0x3FD9]  }
0x89: {  	s3 =	sld [smem:$0x3FFE];
	_ =	sdelay $0x1  }
0x8a: {  	s1 =	srdreg.scid  }
0x8b: {  	s0 =	sand.u32 $0x1, s1  }
0x8c: {  	s17 =	sshll.u32 s0, $0xA;
	s2 =	sadd.s32 s3, s2  }
0x8d: {  	s2 =	sadd.s32 s2, s17  }
0x8e: {  	[smem:$0x3FC6] =	sst s2  }
0x8f: {  	_ = 	snop  }
0x90: {  	s2 =	sld [smem:$0x3FD0];
	(tm) =	ssettm $0x1  }
0x91: {  	s18 =	sld [smem:$0x3FFB];
	_ =	sdelay $0x3  }
0x92: {  	_ =	strace s18  }
0x93: {  	s3 =	sld [smem:$0x3FFC];
	_ =	sdelay $0x3  }
0x94: {  	_ =	strace s3  }
0x95: {  	s3 =	sld [smem:$0x3FFD];
	_ =	sdelay $0x3  }
0x96: {  	_ =	strace s3  }
0x97: {  	_ =	strace $0x8FFFFFFF  }
0x98: {  	s19 =	sld [smem:$0x3FDB];
	_ =	sdelay $0x1  }
0x99: {  	s4 =	simm.s32 $_scs_section_size  }
0x9a: {  	s5 =	simm.s32 $_size__tile_overlayer_lowered;
	s6 =	simm.s32 $_tile_overlayer_lowered  }
0x9b: {  	s22 =	simm.s32 $0x1BFF;
	s21 =	sshll.u32 s6, $0x1;
	s3 =	sadd.s32 s4, s19  }
0x9c: {  	s7 =	simm.s32 $0x0;
	s20 =	sshll.u32 s5, $0x1;
	s5 =	sadd.s32 s21, s3  }
0x9d: {  	[timem:s7], [sflag:s22] =	dma.local [hbm:s5], s20  }
0x9e: {  	_ =	swait.ge [sflag:s22], s20  }
0x9f: {  	s4 =	ssub.s32 $0x0, s20;
	[sflag:s22] =	ssyncset.done $0x0  }
0xa0: {  	[sflag:s22] =	ssyncadd.s32 s4;
	_ =	sdelay $0x1  }
0xa1: {  	s23 =	simm.s32 $0x1B8B  }
0xa2: {  	_ =	swait.ge [sflag:s23], $0x1  }
0xa3: {  	[sflag:s23] =	ssyncset.done $0x0  }
0xa4: {  	s25 =	simm.s32 $0x1B8E;
	s24 =	sld [smem:$0x3FFE];
	[sflag:s23] =	ssyncadd.s32 $0xFFFFFFFF  }
0xa5: {  	s26 =	simm.s32 $execute0_lowered;
	[smem:$0x3FD2] =	sst s25  }
0xa6: {  	s5 =	sshll.u32 s26, $0x1;
	_ =	strace $0x80000046;
	[dreg:$0x1] =	wrdreg $0xFFFFFFFF  }
0xa7: {  	s28 =	simm.s32 $_size_execute0_lowered;
	s3 =	sadd.s32 s3, s5;
	[dreg:$0x0] =	wrdreg $0x0  }
0xa8: {  	s5 =	sshll.u32 s28, $0x1;
	[dreg:$0x2] =	wrdreg s3  }
0xa9: {  	[dreg:$0x3] =	wrdreg s5  }
0xaa: {  	[dreg:$0x4] =	wrdreg $0xC0  }
0xab: {  	_ =	task [dreg:s7], $0x5FFFF  }
0xac: {  	[dreg:$0x1] =	wrdreg $0xFFFFFFFF  }
0xad: {  	[dreg:$0x0] =	wrdreg $0x60  }
0xae: {  	[dreg:$0x2] =	wrdreg s24  }
0xaf: {  	[dreg:$0x3] =	wrdreg s2  }
0xb0: {  	[dreg:$0x4] =	wrdreg $0x9  }
0xb1: {  	_ =	task.clear_ibuf [dreg:s7], $0x5FFFF;
	_ =	strace $0x90000046  }
0xb2: {  	s29 =	simm.s32 $0x9;
	_ =	strace $0x80000048  }
0xb3: {  	_ =	swait.ge [sflag:s29], $0x1  }
0xb4: {  	[sflag:s29] =	ssyncadd.s32 $0xFFFFFFFF  }
0xb5: {  	_ =	strace $0x90000048  }
0xb6: {  	_ =	sfence  }
0xb7: {  	s30 =	sld [smem:$0x0];
	_ =	sdelay $0x2  }
0xb8: {  	s31 =	sshll.u32 s1, $0xD;
	s1 =	sshrl.u32 s1, $0x2  }
0xb9: {  	s3 =	sand.u32 $0x4000, s31;
	s1 =	sadd.s32 s1, s30  }
0xba: {  	s0 =	sor.u32 s3, s0;
	s1 =	sshll.u32 s1, $0x11  }
0xbb: {  	s0 =	sor.u32 s1, s0  }
0xbc: {  	s0 =	sadd.s32 $0x8F2B, s0  }
0xbd: {  	[sflag:s0] =	ssyncadd.remote.s32 $0x1  }
0xbe: {  	_ =	sfence.sel $0xFFFF  }
0xbf: {  	[dreg:$0x0] =	wrdreg $0xFFFFFFFF;
	(pc) =	sbr.abs _section_cstart, $3  }
0xc0: {  	[dreg:$0x1] =	wrdreg $0xFFFFFFFF  }
0xc1: {  	_ =	task.clear_ibuf [dreg:s7], $0x2FFFF;
	_ =	strace $0x9FFFFFFF  }
0xc2: {  	(tm) =	ssettm $0x7FFFFFFF  }
0xc3: {  	_ =	shalt  }
tec
execute0_lowered:
.L_overlay_start_1:
0x0: {  	(tag) =	ssettag $0x1  }
0x1: {  	v0 =	vimm.f32 $1.500000000e+01;
	vm0 =	vcmask $0x300  }
0x2: {  	vm14 =	vcmask $0x704;
	v0 =	vsel vm0, $0x0, v0  }
0x3: {  	vm15 =	vcmask $0xB08;
	v0 =	vsel vm14, $0x3F800000, v0  }
0x4: {  	vm4 =	vcmask $0xF0C;
	v0 =	vsel vm15, $0x40000000, v0  }
0x5: {  	vm5 =	vcmask $0x1310;
	v0 =	vsel vm4, $0x40400000, v0  }
0x6: {  	vm6 =	vcmask $0x1714;
	v0 =	vsel vm5, $0x40800000, v0  }
0x7: {  	vm7 =	vcmask $0x1B18;
	v0 =	vsel vm6, $0x40A00000, v0  }
0x8: {  	vm8 =	vcmask $0x1F1C;
	v0 =	vsel vm7, $0x40C00000, v0  }
0x9: {  	vm9 =	vcmask $0x2320;
	v0 =	vsel vm8, $0x40E00000, v0  }
0xa: {  	vm10 =	vcmask $0x2724;
	v0 =	vsel vm9, $0x41000000, v0  }
0xb: {  	vm11 =	vcmask $0x2B28;
	v0 =	vsel vm10, $0x41100000, v0  }
0xc: {  	vm12 =	vcmask $0x2F2C;
	v0 =	vsel vm11, $0x41200000, v0  }
0xd: {  	vm13 =	vcmask $0x3330;
	v1 =	vlaneseq.u32;
	v0 =	vsel vm12, $0x41300000, v0  }
0xe: {  	vm14 =	vcmask $0x3734;
	v2 =	vsel vm13, $0x41400000, v0;
	v0 =	vmul.u32 $0x100, v1  }
0xf: {  	vm15 =	vcmask $0x3B38;
	v1 =	vsel vm14, $0x41500000, v2  }
0x10: {  	v1 =	vsel vm15, $0x41600000, v1;
	v3 =	vor.u32 $0x2, v0  }
0x11: {  	v4 =	vor.u32 $0x3, v0;
	v5 =	vor.u32 $0x4, v0;
	v6 =	vor.u32 $0x5, v0  }
0x12: {  	v7 =	vor.u32 $0x6, v0;
	v8 =	vor.u32 $0x7, v0;
	v9 =	vor.u32 $0x8, v0  }
0x13: {  	v10 =	vor.u32 $0x9, v0;
	v11 =	vor.u32 $0xA, v0;
	v12 =	vor.u32 $0xB, v0  }
0x14: {  	v13 =	vor.u32 $0xC, v0;
	v14 =	vor.u32 $0xD, v0;
	v15 =	vor.u32 $0xE, v0  }
0x15: {  	v16 =	vor.u32 $0xF, v0;
	v17 =	vor.u32 $0x10, v0;
	v18 =	vor.u32 $0x11, v0  }
0x16: {  	v19 =	vor.u32 $0x12, v0;
	v20 =	vor.u32 $0x13, v0;
	v21 =	vor.u32 $0x14, v0  }
0x17: {  	v22 =	vor.u32 $0x15, v0;
	v23 =	vor.u32 $0x16, v0;
	v24 =	vor.u32 $0x17, v0  }
0x18: {  	v25 =	vor.u32 $0x18, v0;
	v26 =	vor.u32 $0x19, v0;
	v27 =	vor.u32 $0x1A, v0  }
0x19: {  	s4 =	rddreg [dreg:$0x0];
	v28 =	vor.u32 $0x1B, v0;
	v29 =	vor.u32 $0x1C, v0;
	v30 =	vor.u32 $0x1D, v0  }
0x1a: {  	s7 =	rddreg [dreg:$0x1];
	v31 =	vor.u32 $0x1E, v0;
	v32 =	vor.u32 $0x1F, v0;
	v33 =	vor.u32 $0x20, v0  }
0x1b: {  	s0 =	rddreg [dreg:$0x2];
	s1 =	simm.s32 $0x0;
	v34 =	vor.u32 $0x21, v0;
	v35 =	vor.u32 $0x22, v0;
	v36 =	vor.u32 $0x23, v0  }
0x1c: {  	s2 =	srdreg.scid;
	s11 =	simm.s32 $0x20;
	s12 =	simm.s32 $0x1;
	v37 =	vor.u32 $0x24, v0;
	v38 =	vor.u32 $0x25, v0;
	v39 =	vor.u32 $0x26, v0  }
0x1d: {  	s13 =	simm.s32 $0x6D60;
	s14 =	simm.s32 $0x1020;
	s15 =	simm.s32 $0x0;
	v40 =	vor.u32 $0x27, v0;
	v41 =	vor.u32 $0x28, v0;
	v42 =	vor.u32 $0x29, v0  }
0x1e: {  	[smem:$0x7FF] =	sst s1;
	s8 =	sand.u32 $0x1, s2;
	s3 =	sadd.s32 $0x400, s4;
	v43 =	vor.u32 $0x2A, v0;
	v44 =	vor.u32 $0x2B, v0;
	v45 =	vor.u32 $0x2C, v0  }
0x1f: {  	s2 =	stileid.u32;
	s4 =	sadd.s32 $0x80400, s4;
	s5 =	ssub.s32 $0x2, s8;
	v46 =	vor.u32 $0x2D, v0;
	v47 =	vor.u32 $0x2E, v0;
	v48 =	vor.u32 $0x2F, v0  }
.Ltmp0:
0x20: {  	s9 =	sshll.u32 s2, $0x2;
	s31 =	sshll.u32 s8, $0x1;
	v49 =	vor.u32 $0x30, v0;
	v50 =	vor.u32 $0x31, v0;
	v51 =	vor.u32 $0x32, v0;
	(pc) =	sbr.rel .LBB2_1-.Ltmp0, $4  }
0x21: {  	s10 =	sshll.u32 s2, $0x5;
	s8 =	sshll.u32 s8, $0x4;
	s6 =	sshrl.u32 s5, $0x1;
	v52 =	vor.u32 $0x33, v0;
	v53 =	vor.u32 $0x34, v0;
	v54 =	vor.u32 $0x35, v0  }
0x22: {  	s7 =	sadd.s32 s9, s7;
	s8 =	sor.u32 s8, s10;
	s9 =	simm.s32 $0x2;
	v55 =	vor.u32 $0x36, v0;
	v56 =	vor.u32 $0x37, v0;
	[tilespmem:$0x1FFE0] =	vst v1;
	v1 =	vor.u32 $0x1, v0  }
0x23: {  	s10 =	simm.s32 $0x10;
	s6 =	ssub.s32 s5, s6;
	s5 =	sshll.u32 s2, $0x1;
	v57 =	vor.u32 $0x38, v0;
	v58 =	vor.u32 $0x39, v0;
	v59 =	vor.u32 $0x3A, v0;
	[tilespmem:$0x1FFF0] =	vst v1  }
0x24: {  	s7 =	sadd.s32 s31, s7;
	s6 =	smax.u32 s6, $0x1;
	v60 =	vor.u32 $0x3B, v0;
	v61 =	vor.u32 $0x3C, v0;
	v62 =	vor.u32 $0x3D, v0;
	_ =	strace $0x80000047  }
.LBB2_5:
0x25: {  	s15 =	sadd.s32 $0x1, s15  }
0x26: {  	p0 =	sne.s32 s15, s6  }
.Ltmp1:
0x27: {  	_ = 	snop;
	(pc) =	sbr.rel @!p0 .LBB2_6-.Ltmp1, $1  }
0x28: {  	_ =	sdelay $0x3  }
.LBB2_1:
0x29: {  	[tilespmem:s1], [sflag:$0x2] =	stream.linear.gather [hbm4b:s4+s1], $0x10, $0x38;
	[tilespmem:$0x2020] =	vst v63  }
0x2a: {  	_ =	swait.ge [sflag:s9], $0x10  }
0x2b: {  	[sflag:s9] =	ssyncset.done $0x0  }
0x2c: {  	[sflag:s9] =	ssyncadd.s32 $0xFFFFFFF0  }
0x2d: {  	v63 =	vld [tilespmem:$0x0]  }
.Ltmp2:
0x2e: {  	_ = 	snop;
	(pc) =	sbr.rel .LBB2_2-.Ltmp2, $2  }
0x2f: {  	_ =	sdelay $0x2  }
0x30: {  	s16 =	smov.u32 s8;
	s17 =	smov.u32 s7;
	s18 =	simm.s32 $0x0;
	v63 =	vcvt.s32.f32 v63  }
.LBB2_4:
0x31: {  	s18 =	sadd.s32 $0x20, s18  }
0x32: {  	p0 =	sne.s32 s18, $0x6E0  }
.Ltmp3:
0x33: {  	_ = 	snop;
	(pc) =	sbr.rel @!p0 .LBB2_5-.Ltmp3, $2  }
0x34: {  	_ =	sdelay $0x2  }
0x35: {  	s17 =	sadd.s32 $0x40, s17;
	s16 =	sadd.s32 $0x200, s16  }
.LBB2_2:
0x36: {  	s19 =	sadd.s32 s18, s5  }
0x37: {  	p0 =	sgt.u32 s19, $0x6D5  }
.Ltmp4:
0x38: {  	_ = 	snop;
	(pc) =	sbr.rel @p0 .LBB2_4-.Ltmp4, $1  }
0x39: {  	_ =	sdelay $0x3  }
0x3a: {  	v1 =	vld [tilespmem:$0x1FFE0];
	_ =	sdelay $0x2  }
0x3b: {  	s19 =	scvt.s32.f32 s16;
	_ =	sdelay $0x1  }
0x3c: {  	v1 =	vadd.f32 s19, v1;
	_ =	sdelay $0x1  }
0x3d: {  	v1 =	vadd.f32 v63, v1;
	_ =	sdelay $0x1  }
0x3e: {  	v1 =	vmul.f32 $5.804988740e-01, v1;
	_ =	sdelay $0x1  }
0x3f: {  	v1 =	vadd.f32 $8.388608000e+06, v1;
	_ =	sdelay $0x1  }
0x40: {  	v1 =	vadd.f32 $-8.388608000e+06, v1;
	_ =	sdelay $0x1  }
0x41: {  	v1 =	vtrunc.f32 v1  }
0x42: {  	v1 =	vcvt.f32.s32 v1;
	_ =	sdelay $0x1  }
0x43: {  	vm0 =	vlt.s32 v1, $0x3FFF  }
0x44: {  	v1 =	vnsel vm0, $0x3FFF, v1  }
0x45: {  	[tilespmem:$0x10] =	vst v1  }
0x46: {  	[tilespmem:s11], [sflag:$0x1] =	stream.indirect.gather [hbm4b:s3+s10], $0x100, s10, s10, $0xb8;
	[tilespmem:$0x2020] =	vst v63  }
0x47: {  	_ =	swait.ge [sflag:s12], $0x1000  }
0x48: {  	[sflag:s12] =	ssyncset.done $0x0  }
0x49: {  	[sflag:s12] =	ssyncadd.s32 $0xFFFFF000  }
0x4a: {  	v1 =	vld.idx.msk [tilespmem:v0+s11+$0x0], $0xffff;
	_ =	sdelay $0x4  }
0x4b: {  	[tilespmem:$0x1020] =	vst v1;
	v1 =	vld [tilespmem:$0x1FFF0];
	_ =	sdelay $0x7  }
0x4c: {  	v1 =	vld.idx.msk [tilespmem:v1+s11+$0x0], $0xffff;
	_ =	sdelay $0x4  }
0x4d: {  	[tilespmem:$0x1030] =	vst v1  }
0x4e: {  	v1 =	vld.idx.msk [tilespmem:v3+s11+$0x0], $0xffff;
	_ =	sdelay $0x4  }
0x4f: {  	[tilespmem:$0x1040] =	vst v1  }
0x50: {  	v1 =	vld.idx.msk [tilespmem:v4+s11+$0x0], $0xffff;
	_ =	sdelay $0x4  }
0x51: {  	[tilespmem:$0x1050] =	vst v1  }
0x52: {  	v1 =	vld.idx.msk [tilespmem:v5+s11+$0x0], $0xffff;
	_ =	sdelay $0x4  }
0x53: {  	[tilespmem:$0x1060] =	vst v1  }
0x54: {  	v1 =	vld.idx.msk [tilespmem:v6+s11+$0x0], $0xffff;
	_ =	sdelay $0x4  }
0x55: {  	[tilespmem:$0x1070] =	vst v1  }
0x56: {  	v1 =	vld.idx.msk [tilespmem:v7+s11+$0x0], $0xffff;
	_ =	sdelay $0x4  }
0x57: {  	[tilespmem:$0x1080] =	vst v1  }
0x58: {  	v1 =	vld.idx.msk [tilespmem:v8+s11+$0x0], $0xffff;
	_ =	sdelay $0x4  }
0x59: {  	[tilespmem:$0x1090] =	vst v1  }
0x5a: {  	v1 =	vld.idx.msk [tilespmem:v9+s11+$0x0], $0xffff;
	_ =	sdelay $0x4  }
0x5b: {  	[tilespmem:$0x10A0] =	vst v1  }
0x5c: {  	v1 =	vld.idx.msk [tilespmem:v10+s11+$0x0], $0xffff;
	_ =	sdelay $0x4  }
0x5d: {  	[tilespmem:$0x10B0] =	vst v1  }
0x5e: {  	v1 =	vld.idx.msk [tilespmem:v11+s11+$0x0], $0xffff;
	_ =	sdelay $0x4  }
0x5f: {  	[tilespmem:$0x10C0] =	vst v1  }
0x60: {  	v1 =	vld.idx.msk [tilespmem:v12+s11+$0x0], $0xffff;
	_ =	sdelay $0x4  }
0x61: {  	[tilespmem:$0x10D0] =	vst v1  }
0x62: {  	v1 =	vld.idx.msk [tilespmem:v13+s11+$0x0], $0xffff;
	_ =	sdelay $0x4  }
0x63: {  	[tilespmem:$0x10E0] =	vst v1  }
0x64: {  	v1 =	vld.idx.msk [tilespmem:v14+s11+$0x0], $0xffff;
	_ =	sdelay $0x4  }
0x65: {  	[tilespmem:$0x10F0] =	vst v1  }
0x66: {  	v1 =	vld.idx.msk [tilespmem:v15+s11+$0x0], $0xffff;
	_ =	sdelay $0x4  }
0x67: {  	[tilespmem:$0x1100] =	vst v1  }
0x68: {  	v1 =	vld.idx.msk [tilespmem:v16+s11+$0x0], $0xffff;
	_ =	sdelay $0x4  }
0x69: {  	[tilespmem:$0x1110] =	vst v1  }
0x6a: {  	v1 =	vld.idx.msk [tilespmem:v17+s11+$0x0], $0xffff;
	_ =	sdelay $0x4  }
0x6b: {  	[tilespmem:$0x1120] =	vst v1  }
0x6c: {  	v1 =	vld.idx.msk [tilespmem:v18+s11+$0x0], $0xffff;
	_ =	sdelay $0x4  }
0x6d: {  	[tilespmem:$0x1130] =	vst v1  }
0x6e: {  	v1 =	vld.idx.msk [tilespmem:v19+s11+$0x0], $0xffff;
	_ =	sdelay $0x4  }
0x6f: {  	[tilespmem:$0x1140] =	vst v1  }
0x70: {  	v1 =	vld.idx.msk [tilespmem:v20+s11+$0x0], $0xffff;
	_ =	sdelay $0x4  }
0x71: {  	[tilespmem:$0x1150] =	vst v1  }
0x72: {  	v1 =	vld.idx.msk [tilespmem:v21+s11+$0x0], $0xffff;
	_ =	sdelay $0x4  }
0x73: {  	[tilespmem:$0x1160] =	vst v1  }
0x74: {  	v1 =	vld.idx.msk [tilespmem:v22+s11+$0x0], $0xffff;
	_ =	sdelay $0x4  }
0x75: {  	[tilespmem:$0x1170] =	vst v1  }
0x76: {  	v1 =	vld.idx.msk [tilespmem:v23+s11+$0x0], $0xffff;
	_ =	sdelay $0x4  }
0x77: {  	[tilespmem:$0x1180] =	vst v1  }
0x78: {  	v1 =	vld.idx.msk [tilespmem:v24+s11+$0x0], $0xffff;
	_ =	sdelay $0x4  }
0x79: {  	[tilespmem:$0x1190] =	vst v1  }
0x7a: {  	v1 =	vld.idx.msk [tilespmem:v25+s11+$0x0], $0xffff;
	_ =	sdelay $0x4  }
0x7b: {  	[tilespmem:$0x11A0] =	vst v1  }
0x7c: {  	v1 =	vld.idx.msk [tilespmem:v26+s11+$0x0], $0xffff;
	_ =	sdelay $0x4  }
0x7d: {  	[tilespmem:$0x11B0] =	vst v1  }
0x7e: {  	v1 =	vld.idx.msk [tilespmem:v27+s11+$0x0], $0xffff;
	_ =	sdelay $0x4  }
0x7f: {  	[tilespmem:$0x11C0] =	vst v1  }
0x80: {  	v1 =	vld.idx.msk [tilespmem:v28+s11+$0x0], $0xffff;
	_ =	sdelay $0x4  }
0x81: {  	[tilespmem:$0x11D0] =	vst v1  }
0x82: {  	v1 =	vld.idx.msk [tilespmem:v29+s11+$0x0], $0xffff;
	_ =	sdelay $0x4  }
0x83: {  	[tilespmem:$0x11E0] =	vst v1  }
0x84: {  	v1 =	vld.idx.msk [tilespmem:v30+s11+$0x0], $0xffff;
	_ =	sdelay $0x4  }
0x85: {  	[tilespmem:$0x11F0] =	vst v1  }
0x86: {  	v1 =	vld.idx.msk [tilespmem:v31+s11+$0x0], $0xffff;
	_ =	sdelay $0x4  }
0x87: {  	[tilespmem:$0x1200] =	vst v1  }
0x88: {  	v1 =	vld.idx.msk [tilespmem:v32+s11+$0x0], $0xffff;
	_ =	sdelay $0x4  }
0x89: {  	[tilespmem:$0x1210] =	vst v1  }
0x8a: {  	v1 =	vld.idx.msk [tilespmem:v33+s11+$0x0], $0xffff;
	_ =	sdelay $0x4  }
0x8b: {  	[tilespmem:$0x1220] =	vst v1  }
0x8c: {  	v1 =	vld.idx.msk [tilespmem:v34+s11+$0x0], $0xffff;
	_ =	sdelay $0x4  }
0x8d: {  	[tilespmem:$0x1230] =	vst v1  }
0x8e: {  	v1 =	vld.idx.msk [tilespmem:v35+s11+$0x0], $0xffff;
	_ =	sdelay $0x4  }
0x8f: {  	[tilespmem:$0x1240] =	vst v1  }
0x90: {  	v1 =	vld.idx.msk [tilespmem:v36+s11+$0x0], $0xffff;
	_ =	sdelay $0x4  }
0x91: {  	[tilespmem:$0x1250] =	vst v1  }
0x92: {  	v1 =	vld.idx.msk [tilespmem:v37+s11+$0x0], $0xffff;
	_ =	sdelay $0x4  }
0x93: {  	[tilespmem:$0x1260] =	vst v1  }
0x94: {  	v1 =	vld.idx.msk [tilespmem:v38+s11+$0x0], $0xffff;
	_ =	sdelay $0x4  }
0x95: {  	[tilespmem:$0x1270] =	vst v1  }
0x96: {  	v1 =	vld.idx.msk [tilespmem:v39+s11+$0x0], $0xffff;
	_ =	sdelay $0x4  }
0x97: {  	[tilespmem:$0x1280] =	vst v1  }
0x98: {  	v1 =	vld.idx.msk [tilespmem:v40+s11+$0x0], $0xffff;
	_ =	sdelay $0x4  }
0x99: {  	[tilespmem:$0x1290] =	vst v1  }
0x9a: {  	v1 =	vld.idx.msk [tilespmem:v41+s11+$0x0], $0xffff;
	_ =	sdelay $0x4  }
0x9b: {  	[tilespmem:$0x12A0] =	vst v1  }
0x9c: {  	v1 =	vld.idx.msk [tilespmem:v42+s11+$0x0], $0xffff;
	_ =	sdelay $0x4  }
0x9d: {  	[tilespmem:$0x12B0] =	vst v1  }
0x9e: {  	v1 =	vld.idx.msk [tilespmem:v43+s11+$0x0], $0xffff;
	_ =	sdelay $0x4  }
0x9f: {  	[tilespmem:$0x12C0] =	vst v1  }
0xa0: {  	v1 =	vld.idx.msk [tilespmem:v44+s11+$0x0], $0xffff;
	_ =	sdelay $0x4  }
0xa1: {  	[tilespmem:$0x12D0] =	vst v1  }
0xa2: {  	v1 =	vld.idx.msk [tilespmem:v45+s11+$0x0], $0xffff;
	_ =	sdelay $0x4  }
0xa3: {  	[tilespmem:$0x12E0] =	vst v1  }
0xa4: {  	v1 =	vld.idx.msk [tilespmem:v46+s11+$0x0], $0xffff;
	_ =	sdelay $0x4  }
0xa5: {  	[tilespmem:$0x12F0] =	vst v1  }
0xa6: {  	v1 =	vld.idx.msk [tilespmem:v47+s11+$0x0], $0xffff;
	_ =	sdelay $0x4  }
0xa7: {  	[tilespmem:$0x1300] =	vst v1  }
0xa8: {  	v1 =	vld.idx.msk [tilespmem:v48+s11+$0x0], $0xffff;
	_ =	sdelay $0x4  }
0xa9: {  	[tilespmem:$0x1310] =	vst v1  }
0xaa: {  	v1 =	vld.idx.msk [tilespmem:v49+s11+$0x0], $0xffff;
	_ =	sdelay $0x4  }
0xab: {  	[tilespmem:$0x1320] =	vst v1  }
0xac: {  	v1 =	vld.idx.msk [tilespmem:v50+s11+$0x0], $0xffff;
	_ =	sdelay $0x4  }
0xad: {  	[tilespmem:$0x1330] =	vst v1  }
0xae: {  	v1 =	vld.idx.msk [tilespmem:v51+s11+$0x0], $0xffff;
	_ =	sdelay $0x4  }
0xaf: {  	[tilespmem:$0x1340] =	vst v1  }
0xb0: {  	v1 =	vld.idx.msk [tilespmem:v52+s11+$0x0], $0xffff;
	_ =	sdelay $0x4  }
0xb1: {  	[tilespmem:$0x1350] =	vst v1  }
0xb2: {  	v1 =	vld.idx.msk [tilespmem:v53+s11+$0x0], $0xffff;
	_ =	sdelay $0x4  }
0xb3: {  	[tilespmem:$0x1360] =	vst v1  }
0xb4: {  	v1 =	vld.idx.msk [tilespmem:v54+s11+$0x0], $0xffff;
	_ =	sdelay $0x4  }
0xb5: {  	[tilespmem:$0x1370] =	vst v1  }
0xb6: {  	v1 =	vld.idx.msk [tilespmem:v55+s11+$0x0], $0xffff;
	_ =	sdelay $0x4  }
0xb7: {  	[tilespmem:$0x1380] =	vst v1  }
0xb8: {  	v1 =	vld.idx.msk [tilespmem:v56+s11+$0x0], $0xffff;
	_ =	sdelay $0x4  }
0xb9: {  	[tilespmem:$0x1390] =	vst v1  }
0xba: {  	v1 =	vld.idx.msk [tilespmem:v57+s11+$0x0], $0xffff;
	_ =	sdelay $0x4  }
0xbb: {  	[tilespmem:$0x13A0] =	vst v1  }
0xbc: {  	v1 =	vld.idx.msk [tilespmem:v58+s11+$0x0], $0xffff;
	_ =	sdelay $0x4  }
0xbd: {  	[tilespmem:$0x13B0] =	vst v1  }
0xbe: {  	v1 =	vld.idx.msk [tilespmem:v59+s11+$0x0], $0xffff;
	_ =	sdelay $0x4  }
0xbf: {  	[tilespmem:$0x13C0] =	vst v1  }
0xc0: {  	v1 =	vld.idx.msk [tilespmem:v60+s11+$0x0], $0xffff;
	_ =	sdelay $0x4  }
0xc1: {  	[tilespmem:$0x13D0] =	vst v1  }
0xc2: {  	v1 =	vld.idx.msk [tilespmem:v61+s11+$0x0], $0xffff;
	_ =	sdelay $0x4  }
0xc3: {  	[tilespmem:$0x13E0] =	vst v1  }
0xc4: {  	v1 =	vld.idx.msk [tilespmem:v62+s11+$0x0], $0xffff  }
0xc5: {  	v2 =	vor.u32 $0x3E, v0;
	_ =	sdelay $0x3  }
0xc6: {  	[tilespmem:$0x13F0] =	vst v1  }
0xc7: {  	v1 =	vld.idx.msk [tilespmem:v2+s11+$0x0], $0xffff  }
0xc8: {  	v2 =	vor.u32 $0x3F, v0;
	_ =	sdelay $0x3  }
0xc9: {  	[tilespmem:$0x1400] =	vst v1  }
0xca: {  	v1 =	vld.idx.msk [tilespmem:v2+s11+$0x0], $0xffff  }
0xcb: {  	v2 =	vor.u32 $0x40, v0;
	_ =	sdelay $0x3  }
0xcc: {  	[tilespmem:$0x1410] =	vst v1  }
0xcd: {  	v1 =	vld.idx.msk [tilespmem:v2+s11+$0x0], $0xffff  }
0xce: {  	v2 =	vor.u32 $0x41, v0;
	_ =	sdelay $0x3  }
0xcf: {  	[tilespmem:$0x1420] =	vst v1  }
0xd0: {  	v1 =	vld.idx.msk [tilespmem:v2+s11+$0x0], $0xffff  }
0xd1: {  	v2 =	vor.u32 $0x42, v0;
	_ =	sdelay $0x3  }
0xd2: {  	[tilespmem:$0x1430] =	vst v1  }
0xd3: {  	v1 =	vld.idx.msk [tilespmem:v2+s11+$0x0], $0xffff  }
0xd4: {  	v2 =	vor.u32 $0x43, v0;
	_ =	sdelay $0x3  }
0xd5: {  	[tilespmem:$0x1440] =	vst v1  }
0xd6: {  	v1 =	vld.idx.msk [tilespmem:v2+s11+$0x0], $0xffff  }
0xd7: {  	v2 =	vor.u32 $0x44, v0;
	_ =	sdelay $0x3  }
0xd8: {  	[tilespmem:$0x1450] =	vst v1  }
0xd9: {  	v1 =	vld.idx.msk [tilespmem:v2+s11+$0x0], $0xffff  }
0xda: {  	v2 =	vor.u32 $0x45, v0;
	_ =	sdelay $0x3  }
0xdb: {  	[tilespmem:$0x1460] =	vst v1  }
0xdc: {  	v1 =	vld.idx.msk [tilespmem:v2+s11+$0x0], $0xffff  }
0xdd: {  	v2 =	vor.u32 $0x46, v0;
	_ =	sdelay $0x3  }
0xde: {  	[tilespmem:$0x1470] =	vst v1  }
0xdf: {  	v1 =	vld.idx.msk [tilespmem:v2+s11+$0x0], $0xffff  }
0xe0: {  	v2 =	vor.u32 $0x47, v0;
	_ =	sdelay $0x3  }
0xe1: {  	[tilespmem:$0x1480] =	vst v1  }
0xe2: {  	v1 =	vld.idx.msk [tilespmem:v2+s11+$0x0], $0xffff  }
0xe3: {  	v2 =	vor.u32 $0x48, v0;
	_ =	sdelay $0x3  }
0xe4: {  	[tilespmem:$0x1490] =	vst v1  }
0xe5: {  	v1 =	vld.idx.msk [tilespmem:v2+s11+$0x0], $0xffff  }
0xe6: {  	v2 =	vor.u32 $0x49, v0;
	_ =	sdelay $0x3  }
0xe7: {  	[tilespmem:$0x14A0] =	vst v1  }
0xe8: {  	v1 =	vld.idx.msk [tilespmem:v2+s11+$0x0], $0xffff  }
0xe9: {  	v2 =	vor.u32 $0x4A, v0;
	_ =	sdelay $0x3  }
0xea: {  	[tilespmem:$0x14B0] =	vst v1  }
0xeb: {  	v1 =	vld.idx.msk [tilespmem:v2+s11+$0x0], $0xffff  }
0xec: {  	v2 =	vor.u32 $0x4B, v0;
	_ =	sdelay $0x3  }
0xed: {  	[tilespmem:$0x14C0] =	vst v1  }
0xee: {  	v1 =	vld.idx.msk [tilespmem:v2+s11+$0x0], $0xffff  }
0xef: {  	v2 =	vor.u32 $0x4C, v0;
	_ =	sdelay $0x3  }
0xf0: {  	[tilespmem:$0x14D0] =	vst v1  }
0xf1: {  	v1 =	vld.idx.msk [tilespmem:v2+s11+$0x0], $0xffff  }
0xf2: {  	v2 =	vor.u32 $0x4D, v0;
	_ =	sdelay $0x3  }
0xf3: {  	[tilespmem:$0x14E0] =	vst v1  }
0xf4: {  	v1 =	vld.idx.msk [tilespmem:v2+s11+$0x0], $0xffff  }
0xf5: {  	v2 =	vor.u32 $0x4E, v0;
	_ =	sdelay $0x3  }
0xf6: {  	[tilespmem:$0x14F0] =	vst v1  }
0xf7: {  	v1 =	vld.idx.msk [tilespmem:v2+s11+$0x0], $0xffff  }
0xf8: {  	v2 =	vor.u32 $0x4F, v0;
	_ =	sdelay $0x3  }
0xf9: {  	[tilespmem:$0x1500] =	vst v1  }
0xfa: {  	v1 =	vld.idx.msk [tilespmem:v2+s11+$0x0], $0xffff  }
0xfb: {  	v2 =	vor.u32 $0x50, v0;
	_ =	sdelay $0x3  }
0xfc: {  	[tilespmem:$0x1510] =	vst v1  }
0xfd: {  	v1 =	vld.idx.msk [tilespmem:v2+s11+$0x0], $0xffff  }
0xfe: {  	v2 =	vor.u32 $0x51, v0;
	_ =	sdelay $0x3  }
0xff: {  	[tilespmem:$0x1520] =	vst v1  }
0x100: {  	v1 =	vld.idx.msk [tilespmem:v2+s11+$0x0], $0xffff  }
0x101: {  	v2 =	vor.u32 $0x52, v0;
	_ =	sdelay $0x3  }
0x102: {  	[tilespmem:$0x1530] =	vst v1  }
0x103: {  	v1 =	vld.idx.msk [tilespmem:v2+s11+$0x0], $0xffff  }
0x104: {  	v2 =	vor.u32 $0x53, v0;
	_ =	sdelay $0x3  }
0x105: {  	[tilespmem:$0x1540] =	vst v1  }
0x106: {  	v1 =	vld.idx.msk [tilespmem:v2+s11+$0x0], $0xffff  }
0x107: {  	v2 =	vor.u32 $0x54, v0;
	_ =	sdelay $0x3  }
0x108: {  	[tilespmem:$0x1550] =	vst v1  }
0x109: {  	v1 =	vld.idx.msk [tilespmem:v2+s11+$0x0], $0xffff  }
0x10a: {  	v2 =	vor.u32 $0x55, v0;
	_ =	sdelay $0x3  }
0x10b: {  	[tilespmem:$0x1560] =	vst v1  }
0x10c: {  	v1 =	vld.idx.msk [tilespmem:v2+s11+$0x0], $0xffff  }
0x10d: {  	v2 =	vor.u32 $0x56, v0;
	_ =	sdelay $0x3  }
0x10e: {  	[tilespmem:$0x1570] =	vst v1  }
0x10f: {  	v1 =	vld.idx.msk [tilespmem:v2+s11+$0x0], $0xffff  }
0x110: {  	v2 =	vor.u32 $0x57, v0;
	_ =	sdelay $0x3  }
0x111: {  	[tilespmem:$0x1580] =	vst v1  }
0x112: {  	v1 =	vld.idx.msk [tilespmem:v2+s11+$0x0], $0xffff  }
0x113: {  	v2 =	vor.u32 $0x58, v0;
	_ =	sdelay $0x3  }
0x114: {  	[tilespmem:$0x1590] =	vst v1  }
0x115: {  	v1 =	vld.idx.msk [tilespmem:v2+s11+$0x0], $0xffff  }
0x116: {  	v2 =	vor.u32 $0x59, v0;
	_ =	sdelay $0x3  }
0x117: {  	[tilespmem:$0x15A0] =	vst v1  }
0x118: {  	v1 =	vld.idx.msk [tilespmem:v2+s11+$0x0], $0xffff  }
0x119: {  	v2 =	vor.u32 $0x5A, v0;
	_ =	sdelay $0x3  }
0x11a: {  	[tilespmem:$0x15B0] =	vst v1  }
0x11b: {  	v1 =	vld.idx.msk [tilespmem:v2+s11+$0x0], $0xffff  }
0x11c: {  	v2 =	vor.u32 $0x5B, v0;
	_ =	sdelay $0x3  }
0x11d: {  	[tilespmem:$0x15C0] =	vst v1  }
0x11e: {  	v1 =	vld.idx.msk [tilespmem:v2+s11+$0x0], $0xffff  }
0x11f: {  	v2 =	vor.u32 $0x5C, v0;
	_ =	sdelay $0x3  }
0x120: {  	[tilespmem:$0x15D0] =	vst v1  }
0x121: {  	v1 =	vld.idx.msk [tilespmem:v2+s11+$0x0], $0xffff  }
0x122: {  	v2 =	vor.u32 $0x5D, v0;
	_ =	sdelay $0x3  }
0x123: {  	[tilespmem:$0x15E0] =	vst v1  }
0x124: {  	v1 =	vld.idx.msk [tilespmem:v2+s11+$0x0], $0xffff  }
0x125: {  	v2 =	vor.u32 $0x5E, v0;
	_ =	sdelay $0x3  }
0x126: {  	[tilespmem:$0x15F0] =	vst v1  }
0x127: {  	v1 =	vld.idx.msk [tilespmem:v2+s11+$0x0], $0xffff  }
0x128: {  	v2 =	vor.u32 $0x5F, v0;
	_ =	sdelay $0x3  }
0x129: {  	[tilespmem:$0x1600] =	vst v1  }
0x12a: {  	v1 =	vld.idx.msk [tilespmem:v2+s11+$0x0], $0xffff  }
0x12b: {  	v2 =	vor.u32 $0x60, v0;
	_ =	sdelay $0x3  }
0x12c: {  	[tilespmem:$0x1610] =	vst v1  }
0x12d: {  	v1 =	vld.idx.msk [tilespmem:v2+s11+$0x0], $0xffff  }
0x12e: {  	v2 =	vor.u32 $0x61, v0;
	_ =	sdelay $0x3  }
0x12f: {  	[tilespmem:$0x1620] =	vst v1  }
0x130: {  	v1 =	vld.idx.msk [tilespmem:v2+s11+$0x0], $0xffff  }
0x131: {  	v2 =	vor.u32 $0x62, v0;
	_ =	sdelay $0x3  }
0x132: {  	[tilespmem:$0x1630] =	vst v1  }
0x133: {  	v1 =	vld.idx.msk [tilespmem:v2+s11+$0x0], $0xffff  }
0x134: {  	v2 =	vor.u32 $0x63, v0;
	_ =	sdelay $0x3  }
0x135: {  	[tilespmem:$0x1640] =	vst v1  }
0x136: {  	v1 =	vld.idx.msk [tilespmem:v2+s11+$0x0], $0xffff  }
0x137: {  	v2 =	vor.u32 $0x64, v0;
	_ =	sdelay $0x3  }
0x138: {  	[tilespmem:$0x1650] =	vst v1  }
0x139: {  	v1 =	vld.idx.msk [tilespmem:v2+s11+$0x0], $0xffff  }
0x13a: {  	v2 =	vor.u32 $0x65, v0;
	_ =	sdelay $0x3  }
0x13b: {  	[tilespmem:$0x1660] =	vst v1  }
0x13c: {  	v1 =	vld.idx.msk [tilespmem:v2+s11+$0x0], $0xffff  }
0x13d: {  	v2 =	vor.u32 $0x66, v0;
	_ =	sdelay $0x3  }
0x13e: {  	[tilespmem:$0x1670] =	vst v1  }
0x13f: {  	v1 =	vld.idx.msk [tilespmem:v2+s11+$0x0], $0xffff  }
0x140: {  	v2 =	vor.u32 $0x67, v0;
	_ =	sdelay $0x3  }
0x141: {  	[tilespmem:$0x1680] =	vst v1  }
0x142: {  	v1 =	vld.idx.msk [tilespmem:v2+s11+$0x0], $0xffff  }
0x143: {  	v2 =	vor.u32 $0x68, v0;
	_ =	sdelay $0x3  }
0x144: {  	[tilespmem:$0x1690] =	vst v1  }
0x145: {  	v1 =	vld.idx.msk [tilespmem:v2+s11+$0x0], $0xffff  }
0x146: {  	v2 =	vor.u32 $0x69, v0;
	_ =	sdelay $0x3  }
0x147: {  	[tilespmem:$0x16A0] =	vst v1  }
0x148: {  	v1 =	vld.idx.msk [tilespmem:v2+s11+$0x0], $0xffff  }
0x149: {  	v2 =	vor.u32 $0x6A, v0;
	_ =	sdelay $0x3  }
0x14a: {  	[tilespmem:$0x16B0] =	vst v1  }
0x14b: {  	v1 =	vld.idx.msk [tilespmem:v2+s11+$0x0], $0xffff  }
0x14c: {  	v2 =	vor.u32 $0x6B, v0;
	_ =	sdelay $0x3  }
0x14d: {  	[tilespmem:$0x16C0] =	vst v1  }
0x14e: {  	v1 =	vld.idx.msk [tilespmem:v2+s11+$0x0], $0xffff  }
0x14f: {  	v2 =	vor.u32 $0x6C, v0;
	_ =	sdelay $0x3  }
0x150: {  	[tilespmem:$0x16D0] =	vst v1  }
0x151: {  	v1 =	vld.idx.msk [tilespmem:v2+s11+$0x0], $0xffff  }
0x152: {  	v2 =	vor.u32 $0x6D, v0;
	_ =	sdelay $0x3  }
0x153: {  	[tilespmem:$0x16E0] =	vst v1  }
0x154: {  	v1 =	vld.idx.msk [tilespmem:v2+s11+$0x0], $0xffff  }
0x155: {  	v2 =	vor.u32 $0x6E, v0;
	_ =	sdelay $0x3  }
0x156: {  	[tilespmem:$0x16F0] =	vst v1  }
0x157: {  	v1 =	vld.idx.msk [tilespmem:v2+s11+$0x0], $0xffff  }
0x158: {  	v2 =	vor.u32 $0x6F, v0;
	_ =	sdelay $0x3  }
0x159: {  	[tilespmem:$0x1700] =	vst v1  }
0x15a: {  	v1 =	vld.idx.msk [tilespmem:v2+s11+$0x0], $0xffff  }
0x15b: {  	v2 =	vor.u32 $0x70, v0;
	_ =	sdelay $0x3  }
0x15c: {  	[tilespmem:$0x1710] =	vst v1  }
0x15d: {  	v1 =	vld.idx.msk [tilespmem:v2+s11+$0x0], $0xffff  }
0x15e: {  	v2 =	vor.u32 $0x71, v0;
	_ =	sdelay $0x3  }
0x15f: {  	[tilespmem:$0x1720] =	vst v1  }
0x160: {  	v1 =	vld.idx.msk [tilespmem:v2+s11+$0x0], $0xffff  }
0x161: {  	v2 =	vor.u32 $0x72, v0;
	_ =	sdelay $0x3  }
0x162: {  	[tilespmem:$0x1730] =	vst v1  }
0x163: {  	v1 =	vld.idx.msk [tilespmem:v2+s11+$0x0], $0xffff  }
0x164: {  	v2 =	vor.u32 $0x73, v0;
	_ =	sdelay $0x3  }
0x165: {  	[tilespmem:$0x1740] =	vst v1  }
0x166: {  	v1 =	vld.idx.msk [tilespmem:v2+s11+$0x0], $0xffff  }
0x167: {  	v2 =	vor.u32 $0x74, v0;
	_ =	sdelay $0x3  }
0x168: {  	[tilespmem:$0x1750] =	vst v1  }
0x169: {  	v1 =	vld.idx.msk [tilespmem:v2+s11+$0x0], $0xffff  }
0x16a: {  	v2 =	vor.u32 $0x75, v0;
	_ =	sdelay $0x3  }
0x16b: {  	[tilespmem:$0x1760] =	vst v1  }
0x16c: {  	v1 =	vld.idx.msk [tilespmem:v2+s11+$0x0], $0xffff  }
0x16d: {  	v2 =	vor.u32 $0x76, v0;
	_ =	sdelay $0x3  }
0x16e: {  	[tilespmem:$0x1770] =	vst v1  }
0x16f: {  	v1 =	vld.idx.msk [tilespmem:v2+s11+$0x0], $0xffff  }
0x170: {  	v2 =	vor.u32 $0x77, v0;
	_ =	sdelay $0x3  }
0x171: {  	[tilespmem:$0x1780] =	vst v1  }
0x172: {  	v1 =	vld.idx.msk [tilespmem:v2+s11+$0x0], $0xffff  }
0x173: {  	v2 =	vor.u32 $0x78, v0;
	_ =	sdelay $0x3  }
0x174: {  	[tilespmem:$0x1790] =	vst v1  }
0x175: {  	v1 =	vld.idx.msk [tilespmem:v2+s11+$0x0], $0xffff  }
0x176: {  	v2 =	vor.u32 $0x79, v0;
	_ =	sdelay $0x3  }
0x177: {  	[tilespmem:$0x17A0] =	vst v1  }
0x178: {  	v1 =	vld.idx.msk [tilespmem:v2+s11+$0x0], $0xffff  }
0x179: {  	v2 =	vor.u32 $0x7A, v0;
	_ =	sdelay $0x3  }
0x17a: {  	[tilespmem:$0x17B0] =	vst v1  }
0x17b: {  	v1 =	vld.idx.msk [tilespmem:v2+s11+$0x0], $0xffff  }
0x17c: {  	v2 =	vor.u32 $0x7B, v0;
	_ =	sdelay $0x3  }
0x17d: {  	[tilespmem:$0x17C0] =	vst v1  }
0x17e: {  	v1 =	vld.idx.msk [tilespmem:v2+s11+$0x0], $0xffff  }
0x17f: {  	v2 =	vor.u32 $0x7C, v0;
	_ =	sdelay $0x3  }
0x180: {  	[tilespmem:$0x17D0] =	vst v1  }
0x181: {  	v1 =	vld.idx.msk [tilespmem:v2+s11+$0x0], $0xffff  }
0x182: {  	v2 =	vor.u32 $0x7D, v0;
	_ =	sdelay $0x3  }
0x183: {  	[tilespmem:$0x17E0] =	vst v1  }
0x184: {  	v1 =	vld.idx.msk [tilespmem:v2+s11+$0x0], $0xffff  }
0x185: {  	v2 =	vor.u32 $0x7E, v0;
	_ =	sdelay $0x3  }
0x186: {  	[tilespmem:$0x17F0] =	vst v1  }
0x187: {  	v1 =	vld.idx.msk [tilespmem:v2+s11+$0x0], $0xffff  }
0x188: {  	v2 =	vor.u32 $0x7F, v0;
	_ =	sdelay $0x3  }
0x189: {  	[tilespmem:$0x1800] =	vst v1  }
0x18a: {  	v1 =	vld.idx.msk [tilespmem:v2+s11+$0x0], $0xffff  }
0x18b: {  	v2 =	vor.u32 $0x80, v0;
	_ =	sdelay $0x3  }
0x18c: {  	[tilespmem:$0x1810] =	vst v1  }
0x18d: {  	v1 =	vld.idx.msk [tilespmem:v2+s11+$0x0], $0xffff  }
0x18e: {  	v2 =	vor.u32 $0x81, v0;
	_ =	sdelay $0x3  }
0x18f: {  	[tilespmem:$0x1820] =	vst v1  }
0x190: {  	v1 =	vld.idx.msk [tilespmem:v2+s11+$0x0], $0xffff  }
0x191: {  	v2 =	vor.u32 $0x82, v0;
	_ =	sdelay $0x3  }
0x192: {  	[tilespmem:$0x1830] =	vst v1  }
0x193: {  	v1 =	vld.idx.msk [tilespmem:v2+s11+$0x0], $0xffff  }
0x194: {  	v2 =	vor.u32 $0x83, v0;
	_ =	sdelay $0x3  }
0x195: {  	[tilespmem:$0x1840] =	vst v1  }
0x196: {  	v1 =	vld.idx.msk [tilespmem:v2+s11+$0x0], $0xffff  }
0x197: {  	v2 =	vor.u32 $0x84, v0;
	_ =	sdelay $0x3  }
0x198: {  	[tilespmem:$0x1850] =	vst v1  }
0x199: {  	v1 =	vld.idx.msk [tilespmem:v2+s11+$0x0], $0xffff  }
0x19a: {  	v2 =	vor.u32 $0x85, v0;
	_ =	sdelay $0x3  }
0x19b: {  	[tilespmem:$0x1860] =	vst v1  }
0x19c: {  	v1 =	vld.idx.msk [tilespmem:v2+s11+$0x0], $0xffff  }
0x19d: {  	v2 =	vor.u32 $0x86, v0;
	_ =	sdelay $0x3  }
0x19e: {  	[tilespmem:$0x1870] =	vst v1  }
0x19f: {  	v1 =	vld.idx.msk [tilespmem:v2+s11+$0x0], $0xffff  }
0x1a0: {  	v2 =	vor.u32 $0x87, v0;
	_ =	sdelay $0x3  }
0x1a1: {  	[tilespmem:$0x1880] =	vst v1  }
0x1a2: {  	v1 =	vld.idx.msk [tilespmem:v2+s11+$0x0], $0xffff  }
0x1a3: {  	v2 =	vor.u32 $0x88, v0;
	_ =	sdelay $0x3  }
0x1a4: {  	[tilespmem:$0x1890] =	vst v1  }
0x1a5: {  	v1 =	vld.idx.msk [tilespmem:v2+s11+$0x0], $0xffff  }
0x1a6: {  	v2 =	vor.u32 $0x89, v0;
	_ =	sdelay $0x3  }
0x1a7: {  	[tilespmem:$0x18A0] =	vst v1  }
0x1a8: {  	v1 =	vld.idx.msk [tilespmem:v2+s11+$0x0], $0xffff  }
0x1a9: {  	v2 =	vor.u32 $0x8A, v0;
	_ =	sdelay $0x3  }
0x1aa: {  	[tilespmem:$0x18B0] =	vst v1  }
0x1ab: {  	v1 =	vld.idx.msk [tilespmem:v2+s11+$0x0], $0xffff  }
0x1ac: {  	v2 =	vor.u32 $0x8B, v0;
	_ =	sdelay $0x3  }
0x1ad: {  	[tilespmem:$0x18C0] =	vst v1  }
0x1ae: {  	v1 =	vld.idx.msk [tilespmem:v2+s11+$0x0], $0xffff  }
0x1af: {  	v2 =	vor.u32 $0x8C, v0;
	_ =	sdelay $0x3  }
0x1b0: {  	[tilespmem:$0x18D0] =	vst v1  }
0x1b1: {  	v1 =	vld.idx.msk [tilespmem:v2+s11+$0x0], $0xffff  }
0x1b2: {  	v2 =	vor.u32 $0x8D, v0;
	_ =	sdelay $0x3  }
0x1b3: {  	[tilespmem:$0x18E0] =	vst v1  }
0x1b4: {  	v1 =	vld.idx.msk [tilespmem:v2+s11+$0x0], $0xffff  }
0x1b5: {  	v2 =	vor.u32 $0x8E, v0;
	_ =	sdelay $0x3  }
0x1b6: {  	[tilespmem:$0x18F0] =	vst v1  }
0x1b7: {  	v1 =	vld.idx.msk [tilespmem:v2+s11+$0x0], $0xffff  }
0x1b8: {  	v2 =	vor.u32 $0x8F, v0;
	_ =	sdelay $0x3  }
0x1b9: {  	[tilespmem:$0x1900] =	vst v1  }
0x1ba: {  	v1 =	vld.idx.msk [tilespmem:v2+s11+$0x0], $0xffff  }
0x1bb: {  	v2 =	vor.u32 $0x90, v0;
	_ =	sdelay $0x3  }
0x1bc: {  	[tilespmem:$0x1910] =	vst v1  }
0x1bd: {  	v1 =	vld.idx.msk [tilespmem:v2+s11+$0x0], $0xffff  }
0x1be: {  	v2 =	vor.u32 $0x91, v0;
	_ =	sdelay $0x3  }
0x1bf: {  	[tilespmem:$0x1920] =	vst v1  }
0x1c0: {  	v1 =	vld.idx.msk [tilespmem:v2+s11+$0x0], $0xffff  }
0x1c1: {  	v2 =	vor.u32 $0x92, v0;
	_ =	sdelay $0x3  }
0x1c2: {  	[tilespmem:$0x1930] =	vst v1  }
0x1c3: {  	v1 =	vld.idx.msk [tilespmem:v2+s11+$0x0], $0xffff  }
0x1c4: {  	v2 =	vor.u32 $0x93, v0;
	_ =	sdelay $0x3  }
0x1c5: {  	[tilespmem:$0x1940] =	vst v1  }
0x1c6: {  	v1 =	vld.idx.msk [tilespmem:v2+s11+$0x0], $0xffff  }
0x1c7: {  	v2 =	vor.u32 $0x94, v0;
	_ =	sdelay $0x3  }
0x1c8: {  	[tilespmem:$0x1950] =	vst v1  }
0x1c9: {  	v1 =	vld.idx.msk [tilespmem:v2+s11+$0x0], $0xffff  }
0x1ca: {  	v2 =	vor.u32 $0x95, v0;
	_ =	sdelay $0x3  }
0x1cb: {  	[tilespmem:$0x1960] =	vst v1  }
0x1cc: {  	v1 =	vld.idx.msk [tilespmem:v2+s11+$0x0], $0xffff  }
0x1cd: {  	v2 =	vor.u32 $0x96, v0;
	_ =	sdelay $0x3  }
0x1ce: {  	[tilespmem:$0x1970] =	vst v1  }
0x1cf: {  	v1 =	vld.idx.msk [tilespmem:v2+s11+$0x0], $0xffff  }
0x1d0: {  	v2 =	vor.u32 $0x97, v0;
	_ =	sdelay $0x3  }
0x1d1: {  	[tilespmem:$0x1980] =	vst v1  }
0x1d2: {  	v1 =	vld.idx.msk [tilespmem:v2+s11+$0x0], $0xffff  }
0x1d3: {  	v2 =	vor.u32 $0x98, v0;
	_ =	sdelay $0x3  }
0x1d4: {  	[tilespmem:$0x1990] =	vst v1  }
0x1d5: {  	v1 =	vld.idx.msk [tilespmem:v2+s11+$0x0], $0xffff  }
0x1d6: {  	v2 =	vor.u32 $0x99, v0;
	_ =	sdelay $0x3  }
0x1d7: {  	[tilespmem:$0x19A0] =	vst v1  }
0x1d8: {  	v1 =	vld.idx.msk [tilespmem:v2+s11+$0x0], $0xffff  }
0x1d9: {  	v2 =	vor.u32 $0x9A, v0;
	_ =	sdelay $0x3  }
0x1da: {  	[tilespmem:$0x19B0] =	vst v1  }
0x1db: {  	v1 =	vld.idx.msk [tilespmem:v2+s11+$0x0], $0xffff  }
0x1dc: {  	v2 =	vor.u32 $0x9B, v0;
	_ =	sdelay $0x3  }
0x1dd: {  	[tilespmem:$0x19C0] =	vst v1  }
0x1de: {  	v1 =	vld.idx.msk [tilespmem:v2+s11+$0x0], $0xffff  }
0x1df: {  	v2 =	vor.u32 $0x9C, v0;
	_ =	sdelay $0x3  }
0x1e0: {  	[tilespmem:$0x19D0] =	vst v1  }
0x1e1: {  	v1 =	vld.idx.msk [tilespmem:v2+s11+$0x0], $0xffff  }
0x1e2: {  	v2 =	vor.u32 $0x9D, v0;
	_ =	sdelay $0x3  }
0x1e3: {  	[tilespmem:$0x19E0] =	vst v1  }
0x1e4: {  	v1 =	vld.idx.msk [tilespmem:v2+s11+$0x0], $0xffff  }
0x1e5: {  	v2 =	vor.u32 $0x9E, v0;
	_ =	sdelay $0x3  }
0x1e6: {  	[tilespmem:$0x19F0] =	vst v1  }
0x1e7: {  	v1 =	vld.idx.msk [tilespmem:v2+s11+$0x0], $0xffff  }
0x1e8: {  	v2 =	vor.u32 $0x9F, v0;
	_ =	sdelay $0x3  }
0x1e9: {  	[tilespmem:$0x1A00] =	vst v1  }
0x1ea: {  	v1 =	vld.idx.msk [tilespmem:v2+s11+$0x0], $0xffff  }
0x1eb: {  	v2 =	vor.u32 $0xA0, v0;
	_ =	sdelay $0x3  }
0x1ec: {  	[tilespmem:$0x1A10] =	vst v1  }
0x1ed: {  	v1 =	vld.idx.msk [tilespmem:v2+s11+$0x0], $0xffff  }
0x1ee: {  	v2 =	vor.u32 $0xA1, v0;
	_ =	sdelay $0x3  }
0x1ef: {  	[tilespmem:$0x1A20] =	vst v1  }
0x1f0: {  	v1 =	vld.idx.msk [tilespmem:v2+s11+$0x0], $0xffff  }
0x1f1: {  	v2 =	vor.u32 $0xA2, v0;
	_ =	sdelay $0x3  }
0x1f2: {  	[tilespmem:$0x1A30] =	vst v1  }
0x1f3: {  	v1 =	vld.idx.msk [tilespmem:v2+s11+$0x0], $0xffff  }
0x1f4: {  	v2 =	vor.u32 $0xA3, v0;
	_ =	sdelay $0x3  }
0x1f5: {  	[tilespmem:$0x1A40] =	vst v1  }
0x1f6: {  	v1 =	vld.idx.msk [tilespmem:v2+s11+$0x0], $0xffff  }
0x1f7: {  	v2 =	vor.u32 $0xA4, v0;
	_ =	sdelay $0x3  }
0x1f8: {  	[tilespmem:$0x1A50] =	vst v1  }
0x1f9: {  	v1 =	vld.idx.msk [tilespmem:v2+s11+$0x0], $0xffff  }
0x1fa: {  	v2 =	vor.u32 $0xA5, v0;
	_ =	sdelay $0x3  }
0x1fb: {  	[tilespmem:$0x1A60] =	vst v1  }
0x1fc: {  	v1 =	vld.idx.msk [tilespmem:v2+s11+$0x0], $0xffff  }
0x1fd: {  	v2 =	vor.u32 $0xA6, v0;
	_ =	sdelay $0x3  }
0x1fe: {  	[tilespmem:$0x1A70] =	vst v1  }
0x1ff: {  	v1 =	vld.idx.msk [tilespmem:v2+s11+$0x0], $0xffff  }
0x200: {  	v2 =	vor.u32 $0xA7, v0;
	_ =	sdelay $0x3  }
0x201: {  	[tilespmem:$0x1A80] =	vst v1  }
0x202: {  	v1 =	vld.idx.msk [tilespmem:v2+s11+$0x0], $0xffff  }
0x203: {  	v2 =	vor.u32 $0xA8, v0;
	_ =	sdelay $0x3  }
0x204: {  	[tilespmem:$0x1A90] =	vst v1  }
0x205: {  	v1 =	vld.idx.msk [tilespmem:v2+s11+$0x0], $0xffff  }
0x206: {  	v2 =	vor.u32 $0xA9, v0;
	_ =	sdelay $0x3  }
0x207: {  	[tilespmem:$0x1AA0] =	vst v1  }
0x208: {  	v1 =	vld.idx.msk [tilespmem:v2+s11+$0x0], $0xffff  }
0x209: {  	v2 =	vor.u32 $0xAA, v0;
	_ =	sdelay $0x3  }
0x20a: {  	[tilespmem:$0x1AB0] =	vst v1  }
0x20b: {  	v1 =	vld.idx.msk [tilespmem:v2+s11+$0x0], $0xffff  }
0x20c: {  	v2 =	vor.u32 $0xAB, v0;
	_ =	sdelay $0x3  }
0x20d: {  	[tilespmem:$0x1AC0] =	vst v1  }
0x20e: {  	v1 =	vld.idx.msk [tilespmem:v2+s11+$0x0], $0xffff  }
0x20f: {  	v2 =	vor.u32 $0xAC, v0;
	_ =	sdelay $0x3  }
0x210: {  	[tilespmem:$0x1AD0] =	vst v1  }
0x211: {  	v1 =	vld.idx.msk [tilespmem:v2+s11+$0x0], $0xffff  }
0x212: {  	v2 =	vor.u32 $0xAD, v0;
	_ =	sdelay $0x3  }
0x213: {  	[tilespmem:$0x1AE0] =	vst v1  }
0x214: {  	v1 =	vld.idx.msk [tilespmem:v2+s11+$0x0], $0xffff  }
0x215: {  	v2 =	vor.u32 $0xAE, v0;
	_ =	sdelay $0x3  }
0x216: {  	[tilespmem:$0x1AF0] =	vst v1  }
0x217: {  	v1 =	vld.idx.msk [tilespmem:v2+s11+$0x0], $0xffff  }
0x218: {  	v2 =	vor.u32 $0xAF, v0;
	_ =	sdelay $0x3  }
0x219: {  	[tilespmem:$0x1B00] =	vst v1  }
0x21a: {  	v1 =	vld.idx.msk [tilespmem:v2+s11+$0x0], $0xffff  }
0x21b: {  	v2 =	vor.u32 $0xB0, v0;
	_ =	sdelay $0x3  }
0x21c: {  	[tilespmem:$0x1B10] =	vst v1  }
0x21d: {  	v1 =	vld.idx.msk [tilespmem:v2+s11+$0x0], $0xffff  }
0x21e: {  	v2 =	vor.u32 $0xB1, v0;
	_ =	sdelay $0x3  }
0x21f: {  	[tilespmem:$0x1B20] =	vst v1  }
0x220: {  	v1 =	vld.idx.msk [tilespmem:v2+s11+$0x0], $0xffff  }
0x221: {  	v2 =	vor.u32 $0xB2, v0;
	_ =	sdelay $0x3  }
0x222: {  	[tilespmem:$0x1B30] =	vst v1  }
0x223: {  	v1 =	vld.idx.msk [tilespmem:v2+s11+$0x0], $0xffff  }
0x224: {  	v2 =	vor.u32 $0xB3, v0;
	_ =	sdelay $0x3  }
0x225: {  	[tilespmem:$0x1B40] =	vst v1  }
0x226: {  	v1 =	vld.idx.msk [tilespmem:v2+s11+$0x0], $0xffff  }
0x227: {  	v2 =	vor.u32 $0xB4, v0;
	_ =	sdelay $0x3  }
0x228: {  	[tilespmem:$0x1B50] =	vst v1  }
0x229: {  	v1 =	vld.idx.msk [tilespmem:v2+s11+$0x0], $0xffff  }
0x22a: {  	v2 =	vor.u32 $0xB5, v0;
	_ =	sdelay $0x3  }
0x22b: {  	[tilespmem:$0x1B60] =	vst v1  }
0x22c: {  	v1 =	vld.idx.msk [tilespmem:v2+s11+$0x0], $0xffff  }
0x22d: {  	v2 =	vor.u32 $0xB6, v0;
	_ =	sdelay $0x3  }
0x22e: {  	[tilespmem:$0x1B70] =	vst v1  }
0x22f: {  	v1 =	vld.idx.msk [tilespmem:v2+s11+$0x0], $0xffff  }
0x230: {  	v2 =	vor.u32 $0xB7, v0;
	_ =	sdelay $0x3  }
0x231: {  	[tilespmem:$0x1B80] =	vst v1  }
0x232: {  	v1 =	vld.idx.msk [tilespmem:v2+s11+$0x0], $0xffff  }
0x233: {  	v2 =	vor.u32 $0xB8, v0;
	_ =	sdelay $0x3  }
0x234: {  	[tilespmem:$0x1B90] =	vst v1  }
0x235: {  	v1 =	vld.idx.msk [tilespmem:v2+s11+$0x0], $0xffff  }
0x236: {  	v2 =	vor.u32 $0xB9, v0;
	_ =	sdelay $0x3  }
0x237: {  	[tilespmem:$0x1BA0] =	vst v1  }
0x238: {  	v1 =	vld.idx.msk [tilespmem:v2+s11+$0x0], $0xffff  }
0x239: {  	v2 =	vor.u32 $0xBA, v0;
	_ =	sdelay $0x3  }
0x23a: {  	[tilespmem:$0x1BB0] =	vst v1  }
0x23b: {  	v1 =	vld.idx.msk [tilespmem:v2+s11+$0x0], $0xffff  }
0x23c: {  	v2 =	vor.u32 $0xBB, v0;
	_ =	sdelay $0x3  }
0x23d: {  	[tilespmem:$0x1BC0] =	vst v1  }
0x23e: {  	v1 =	vld.idx.msk [tilespmem:v2+s11+$0x0], $0xffff  }
0x23f: {  	v2 =	vor.u32 $0xBC, v0;
	_ =	sdelay $0x3  }
0x240: {  	[tilespmem:$0x1BD0] =	vst v1  }
0x241: {  	v1 =	vld.idx.msk [tilespmem:v2+s11+$0x0], $0xffff  }
0x242: {  	v2 =	vor.u32 $0xBD, v0;
	_ =	sdelay $0x3  }
0x243: {  	[tilespmem:$0x1BE0] =	vst v1  }
0x244: {  	v1 =	vld.idx.msk [tilespmem:v2+s11+$0x0], $0xffff  }
0x245: {  	v2 =	vor.u32 $0xBE, v0;
	_ =	sdelay $0x3  }
0x246: {  	[tilespmem:$0x1BF0] =	vst v1  }
0x247: {  	v1 =	vld.idx.msk [tilespmem:v2+s11+$0x0], $0xffff  }
0x248: {  	v2 =	vor.u32 $0xBF, v0;
	_ =	sdelay $0x3  }
0x249: {  	[tilespmem:$0x1C00] =	vst v1  }
0x24a: {  	v1 =	vld.idx.msk [tilespmem:v2+s11+$0x0], $0xffff  }
0x24b: {  	v2 =	vor.u32 $0xC0, v0;
	_ =	sdelay $0x3  }
0x24c: {  	[tilespmem:$0x1C10] =	vst v1  }
0x24d: {  	v1 =	vld.idx.msk [tilespmem:v2+s11+$0x0], $0xffff  }
0x24e: {  	v2 =	vor.u32 $0xC1, v0;
	_ =	sdelay $0x3  }
0x24f: {  	[tilespmem:$0x1C20] =	vst v1  }
0x250: {  	v1 =	vld.idx.msk [tilespmem:v2+s11+$0x0], $0xffff  }
0x251: {  	v2 =	vor.u32 $0xC2, v0;
	_ =	sdelay $0x3  }
0x252: {  	[tilespmem:$0x1C30] =	vst v1  }
0x253: {  	v1 =	vld.idx.msk [tilespmem:v2+s11+$0x0], $0xffff  }
0x254: {  	v2 =	vor.u32 $0xC3, v0;
	_ =	sdelay $0x3  }
0x255: {  	[tilespmem:$0x1C40] =	vst v1  }
0x256: {  	v1 =	vld.idx.msk [tilespmem:v2+s11+$0x0], $0xffff  }
0x257: {  	v2 =	vor.u32 $0xC4, v0;
	_ =	sdelay $0x3  }
0x258: {  	[tilespmem:$0x1C50] =	vst v1  }
0x259: {  	v1 =	vld.idx.msk [tilespmem:v2+s11+$0x0], $0xffff  }
0x25a: {  	v2 =	vor.u32 $0xC5, v0;
	_ =	sdelay $0x3  }
0x25b: {  	[tilespmem:$0x1C60] =	vst v1  }
0x25c: {  	v1 =	vld.idx.msk [tilespmem:v2+s11+$0x0], $0xffff  }
0x25d: {  	v2 =	vor.u32 $0xC6, v0;
	_ =	sdelay $0x3  }
0x25e: {  	[tilespmem:$0x1C70] =	vst v1  }
0x25f: {  	v1 =	vld.idx.msk [tilespmem:v2+s11+$0x0], $0xffff  }
0x260: {  	v2 =	vor.u32 $0xC7, v0;
	_ =	sdelay $0x3  }
0x261: {  	[tilespmem:$0x1C80] =	vst v1  }
0x262: {  	v1 =	vld.idx.msk [tilespmem:v2+s11+$0x0], $0xffff  }
0x263: {  	v2 =	vor.u32 $0xC8, v0;
	_ =	sdelay $0x3  }
0x264: {  	[tilespmem:$0x1C90] =	vst v1  }
0x265: {  	v1 =	vld.idx.msk [tilespmem:v2+s11+$0x0], $0xffff  }
0x266: {  	v2 =	vor.u32 $0xC9, v0;
	_ =	sdelay $0x3  }
0x267: {  	[tilespmem:$0x1CA0] =	vst v1  }
0x268: {  	v1 =	vld.idx.msk [tilespmem:v2+s11+$0x0], $0xffff  }
0x269: {  	v2 =	vor.u32 $0xCA, v0;
	_ =	sdelay $0x3  }
0x26a: {  	[tilespmem:$0x1CB0] =	vst v1  }
0x26b: {  	v1 =	vld.idx.msk [tilespmem:v2+s11+$0x0], $0xffff  }
0x26c: {  	v2 =	vor.u32 $0xCB, v0;
	_ =	sdelay $0x3  }
0x26d: {  	[tilespmem:$0x1CC0] =	vst v1  }
0x26e: {  	v1 =	vld.idx.msk [tilespmem:v2+s11+$0x0], $0xffff  }
0x26f: {  	v2 =	vor.u32 $0xCC, v0;
	_ =	sdelay $0x3  }
0x270: {  	[tilespmem:$0x1CD0] =	vst v1  }
0x271: {  	v1 =	vld.idx.msk [tilespmem:v2+s11+$0x0], $0xffff  }
0x272: {  	v2 =	vor.u32 $0xCD, v0;
	_ =	sdelay $0x3  }
0x273: {  	[tilespmem:$0x1CE0] =	vst v1  }
0x274: {  	v1 =	vld.idx.msk [tilespmem:v2+s11+$0x0], $0xffff  }
0x275: {  	v2 =	vor.u32 $0xCE, v0;
	_ =	sdelay $0x3  }
0x276: {  	[tilespmem:$0x1CF0] =	vst v1  }
0x277: {  	v1 =	vld.idx.msk [tilespmem:v2+s11+$0x0], $0xffff  }
0x278: {  	v2 =	vor.u32 $0xCF, v0;
	_ =	sdelay $0x3  }
0x279: {  	[tilespmem:$0x1D00] =	vst v1  }
0x27a: {  	v1 =	vld.idx.msk [tilespmem:v2+s11+$0x0], $0xffff  }
0x27b: {  	v2 =	vor.u32 $0xD0, v0;
	_ =	sdelay $0x3  }
0x27c: {  	[tilespmem:$0x1D10] =	vst v1  }
0x27d: {  	v1 =	vld.idx.msk [tilespmem:v2+s11+$0x0], $0xffff  }
0x27e: {  	v2 =	vor.u32 $0xD1, v0;
	_ =	sdelay $0x3  }
0x27f: {  	[tilespmem:$0x1D20] =	vst v1  }
0x280: {  	v1 =	vld.idx.msk [tilespmem:v2+s11+$0x0], $0xffff  }
0x281: {  	v2 =	vor.u32 $0xD2, v0;
	_ =	sdelay $0x3  }
0x282: {  	[tilespmem:$0x1D30] =	vst v1  }
0x283: {  	v1 =	vld.idx.msk [tilespmem:v2+s11+$0x0], $0xffff  }
0x284: {  	v2 =	vor.u32 $0xD3, v0;
	_ =	sdelay $0x3  }
0x285: {  	[tilespmem:$0x1D40] =	vst v1  }
0x286: {  	v1 =	vld.idx.msk [tilespmem:v2+s11+$0x0], $0xffff  }
0x287: {  	v2 =	vor.u32 $0xD4, v0;
	_ =	sdelay $0x3  }
0x288: {  	[tilespmem:$0x1D50] =	vst v1  }
0x289: {  	v1 =	vld.idx.msk [tilespmem:v2+s11+$0x0], $0xffff  }
0x28a: {  	v2 =	vor.u32 $0xD5, v0;
	_ =	sdelay $0x3  }
0x28b: {  	[tilespmem:$0x1D60] =	vst v1  }
0x28c: {  	v1 =	vld.idx.msk [tilespmem:v2+s11+$0x0], $0xffff  }
0x28d: {  	v2 =	vor.u32 $0xD6, v0;
	_ =	sdelay $0x3  }
0x28e: {  	[tilespmem:$0x1D70] =	vst v1  }
0x28f: {  	v1 =	vld.idx.msk [tilespmem:v2+s11+$0x0], $0xffff  }
0x290: {  	v2 =	vor.u32 $0xD7, v0;
	_ =	sdelay $0x3  }
0x291: {  	[tilespmem:$0x1D80] =	vst v1  }
0x292: {  	v1 =	vld.idx.msk [tilespmem:v2+s11+$0x0], $0xffff  }
0x293: {  	v2 =	vor.u32 $0xD8, v0;
	_ =	sdelay $0x3  }
0x294: {  	[tilespmem:$0x1D90] =	vst v1  }
0x295: {  	v1 =	vld.idx.msk [tilespmem:v2+s11+$0x0], $0xffff  }
0x296: {  	v2 =	vor.u32 $0xD9, v0;
	_ =	sdelay $0x3  }
0x297: {  	[tilespmem:$0x1DA0] =	vst v1  }
0x298: {  	v1 =	vld.idx.msk [tilespmem:v2+s11+$0x0], $0xffff  }
0x299: {  	v2 =	vor.u32 $0xDA, v0;
	_ =	sdelay $0x3  }
0x29a: {  	[tilespmem:$0x1DB0] =	vst v1  }
0x29b: {  	v1 =	vld.idx.msk [tilespmem:v2+s11+$0x0], $0xffff  }
0x29c: {  	v2 =	vor.u32 $0xDB, v0;
	_ =	sdelay $0x3  }
0x29d: {  	[tilespmem:$0x1DC0] =	vst v1  }
0x29e: {  	v1 =	vld.idx.msk [tilespmem:v2+s11+$0x0], $0xffff  }
0x29f: {  	v2 =	vor.u32 $0xDC, v0;
	_ =	sdelay $0x3  }
0x2a0: {  	[tilespmem:$0x1DD0] =	vst v1  }
0x2a1: {  	v1 =	vld.idx.msk [tilespmem:v2+s11+$0x0], $0xffff  }
0x2a2: {  	v2 =	vor.u32 $0xDD, v0;
	_ =	sdelay $0x3  }
0x2a3: {  	[tilespmem:$0x1DE0] =	vst v1  }
0x2a4: {  	v1 =	vld.idx.msk [tilespmem:v2+s11+$0x0], $0xffff  }
0x2a5: {  	v2 =	vor.u32 $0xDE, v0;
	_ =	sdelay $0x3  }
0x2a6: {  	[tilespmem:$0x1DF0] =	vst v1  }
0x2a7: {  	v1 =	vld.idx.msk [tilespmem:v2+s11+$0x0], $0xffff  }
0x2a8: {  	v2 =	vor.u32 $0xDF, v0;
	_ =	sdelay $0x3  }
0x2a9: {  	[tilespmem:$0x1E00] =	vst v1  }
0x2aa: {  	v1 =	vld.idx.msk [tilespmem:v2+s11+$0x0], $0xffff  }
0x2ab: {  	v2 =	vor.u32 $0xE0, v0;
	_ =	sdelay $0x3  }
0x2ac: {  	[tilespmem:$0x1E10] =	vst v1  }
0x2ad: {  	v1 =	vld.idx.msk [tilespmem:v2+s11+$0x0], $0xffff  }
0x2ae: {  	v2 =	vor.u32 $0xE1, v0;
	_ =	sdelay $0x3  }
0x2af: {  	[tilespmem:$0x1E20] =	vst v1  }
0x2b0: {  	v1 =	vld.idx.msk [tilespmem:v2+s11+$0x0], $0xffff  }
0x2b1: {  	v2 =	vor.u32 $0xE2, v0;
	_ =	sdelay $0x3  }
0x2b2: {  	[tilespmem:$0x1E30] =	vst v1  }
0x2b3: {  	v1 =	vld.idx.msk [tilespmem:v2+s11+$0x0], $0xffff  }
0x2b4: {  	v2 =	vor.u32 $0xE3, v0;
	_ =	sdelay $0x3  }
0x2b5: {  	[tilespmem:$0x1E40] =	vst v1  }
0x2b6: {  	v1 =	vld.idx.msk [tilespmem:v2+s11+$0x0], $0xffff  }
0x2b7: {  	v2 =	vor.u32 $0xE4, v0;
	_ =	sdelay $0x3  }
0x2b8: {  	[tilespmem:$0x1E50] =	vst v1  }
0x2b9: {  	v1 =	vld.idx.msk [tilespmem:v2+s11+$0x0], $0xffff  }
0x2ba: {  	v2 =	vor.u32 $0xE5, v0;
	_ =	sdelay $0x3  }
0x2bb: {  	[tilespmem:$0x1E60] =	vst v1  }
0x2bc: {  	v1 =	vld.idx.msk [tilespmem:v2+s11+$0x0], $0xffff  }
0x2bd: {  	v2 =	vor.u32 $0xE6, v0;
	_ =	sdelay $0x3  }
0x2be: {  	[tilespmem:$0x1E70] =	vst v1  }
0x2bf: {  	v1 =	vld.idx.msk [tilespmem:v2+s11+$0x0], $0xffff  }
0x2c0: {  	v2 =	vor.u32 $0xE7, v0;
	_ =	sdelay $0x3  }
0x2c1: {  	[tilespmem:$0x1E80] =	vst v1  }
0x2c2: {  	v1 =	vld.idx.msk [tilespmem:v2+s11+$0x0], $0xffff  }
0x2c3: {  	v2 =	vor.u32 $0xE8, v0;
	_ =	sdelay $0x3  }
0x2c4: {  	[tilespmem:$0x1E90] =	vst v1  }
0x2c5: {  	v1 =	vld.idx.msk [tilespmem:v2+s11+$0x0], $0xffff  }
0x2c6: {  	v2 =	vor.u32 $0xE9, v0;
	_ =	sdelay $0x3  }
0x2c7: {  	[tilespmem:$0x1EA0] =	vst v1  }
0x2c8: {  	v1 =	vld.idx.msk [tilespmem:v2+s11+$0x0], $0xffff  }
0x2c9: {  	v2 =	vor.u32 $0xEA, v0;
	_ =	sdelay $0x3  }
0x2ca: {  	[tilespmem:$0x1EB0] =	vst v1  }
0x2cb: {  	v1 =	vld.idx.msk [tilespmem:v2+s11+$0x0], $0xffff  }
0x2cc: {  	v2 =	vor.u32 $0xEB, v0;
	_ =	sdelay $0x3  }
0x2cd: {  	[tilespmem:$0x1EC0] =	vst v1  }
0x2ce: {  	v1 =	vld.idx.msk [tilespmem:v2+s11+$0x0], $0xffff  }
0x2cf: {  	v2 =	vor.u32 $0xEC, v0;
	_ =	sdelay $0x3  }
0x2d0: {  	[tilespmem:$0x1ED0] =	vst v1  }
0x2d1: {  	v1 =	vld.idx.msk [tilespmem:v2+s11+$0x0], $0xffff  }
0x2d2: {  	v2 =	vor.u32 $0xED, v0;
	_ =	sdelay $0x3  }
0x2d3: {  	[tilespmem:$0x1EE0] =	vst v1  }
0x2d4: {  	v1 =	vld.idx.msk [tilespmem:v2+s11+$0x0], $0xffff  }
0x2d5: {  	v2 =	vor.u32 $0xEE, v0;
	_ =	sdelay $0x3  }
0x2d6: {  	[tilespmem:$0x1EF0] =	vst v1  }
0x2d7: {  	v1 =	vld.idx.msk [tilespmem:v2+s11+$0x0], $0xffff  }
0x2d8: {  	v2 =	vor.u32 $0xEF, v0;
	_ =	sdelay $0x3  }
0x2d9: {  	[tilespmem:$0x1F00] =	vst v1  }
0x2da: {  	v1 =	vld.idx.msk [tilespmem:v2+s11+$0x0], $0xffff  }
0x2db: {  	v2 =	vor.u32 $0xF0, v0;
	_ =	sdelay $0x3  }
0x2dc: {  	[tilespmem:$0x1F10] =	vst v1  }
0x2dd: {  	v1 =	vld.idx.msk [tilespmem:v2+s11+$0x0], $0xffff  }
0x2de: {  	v2 =	vor.u32 $0xF1, v0;
	_ =	sdelay $0x3  }
0x2df: {  	[tilespmem:$0x1F20] =	vst v1  }
0x2e0: {  	v1 =	vld.idx.msk [tilespmem:v2+s11+$0x0], $0xffff  }
0x2e1: {  	v2 =	vor.u32 $0xF2, v0;
	_ =	sdelay $0x3  }
0x2e2: {  	[tilespmem:$0x1F30] =	vst v1  }
0x2e3: {  	v1 =	vld.idx.msk [tilespmem:v2+s11+$0x0], $0xffff  }
0x2e4: {  	v2 =	vor.u32 $0xF3, v0;
	_ =	sdelay $0x3  }
0x2e5: {  	[tilespmem:$0x1F40] =	vst v1  }
0x2e6: {  	v1 =	vld.idx.msk [tilespmem:v2+s11+$0x0], $0xffff  }
0x2e7: {  	v2 =	vor.u32 $0xF4, v0;
	_ =	sdelay $0x3  }
0x2e8: {  	[tilespmem:$0x1F50] =	vst v1  }
0x2e9: {  	v1 =	vld.idx.msk [tilespmem:v2+s11+$0x0], $0xffff  }
0x2ea: {  	v2 =	vor.u32 $0xF5, v0;
	_ =	sdelay $0x3  }
0x2eb: {  	[tilespmem:$0x1F60] =	vst v1  }
0x2ec: {  	v1 =	vld.idx.msk [tilespmem:v2+s11+$0x0], $0xffff  }
0x2ed: {  	v2 =	vor.u32 $0xF6, v0;
	_ =	sdelay $0x3  }
0x2ee: {  	[tilespmem:$0x1F70] =	vst v1  }
0x2ef: {  	v1 =	vld.idx.msk [tilespmem:v2+s11+$0x0], $0xffff  }
0x2f0: {  	v2 =	vor.u32 $0xF7, v0;
	_ =	sdelay $0x3  }
0x2f1: {  	[tilespmem:$0x1F80] =	vst v1  }
0x2f2: {  	v1 =	vld.idx.msk [tilespmem:v2+s11+$0x0], $0xffff  }
0x2f3: {  	v2 =	vor.u32 $0xF8, v0;
	_ =	sdelay $0x3  }
0x2f4: {  	[tilespmem:$0x1F90] =	vst v1  }
0x2f5: {  	v1 =	vld.idx.msk [tilespmem:v2+s11+$0x0], $0xffff  }
0x2f6: {  	v2 =	vor.u32 $0xF9, v0;
	_ =	sdelay $0x3  }
0x2f7: {  	[tilespmem:$0x1FA0] =	vst v1  }
0x2f8: {  	v1 =	vld.idx.msk [tilespmem:v2+s11+$0x0], $0xffff  }
0x2f9: {  	v2 =	vor.u32 $0xFA, v0;
	_ =	sdelay $0x3  }
0x2fa: {  	[tilespmem:$0x1FB0] =	vst v1  }
0x2fb: {  	v1 =	vld.idx.msk [tilespmem:v2+s11+$0x0], $0xffff  }
0x2fc: {  	v2 =	vor.u32 $0xFB, v0;
	_ =	sdelay $0x3  }
0x2fd: {  	[tilespmem:$0x1FC0] =	vst v1  }
0x2fe: {  	v1 =	vld.idx.msk [tilespmem:v2+s11+$0x0], $0xffff  }
0x2ff: {  	v2 =	vor.u32 $0xFC, v0;
	_ =	sdelay $0x3  }
0x300: {  	[tilespmem:$0x1FD0] =	vst v1  }
0x301: {  	v1 =	vld.idx.msk [tilespmem:v2+s11+$0x0], $0xffff  }
0x302: {  	v2 =	vor.u32 $0xFD, v0;
	_ =	sdelay $0x3  }
0x303: {  	[tilespmem:$0x1FE0] =	vst v1  }
0x304: {  	v1 =	vld.idx.msk [tilespmem:v2+s11+$0x0], $0xffff  }
0x305: {  	v2 =	vor.u32 $0xFE, v0;
	_ =	sdelay $0x3  }
0x306: {  	[tilespmem:$0x1FF0] =	vst v1  }
0x307: {  	v1 =	vld.idx.msk [tilespmem:v2+s11+$0x0], $0xffff  }
0x308: {  	v2 =	vor.u32 $0xFF, v0;
	_ =	sdelay $0x3  }
0x309: {  	[tilespmem:$0x2000] =	vst v1  }
0x30a: {  	v1 =	vld.idx.msk [tilespmem:v2+s11+$0x0], $0xffff;
	_ =	sdelay $0x4  }
.Ltmp5:
0x30b: {  	[tilespmem:$0x2010] =	vst v1;
	(pc) =	sbr.rel .LBB2_4-.Ltmp5, $4  }
0x30c: {  	[hbm4b:s17+s10] =	stream.strided.scatter [tilespmem:s14], [sflag:$0x2], $0x1000, s13, s10, $0x38;
	[tilespmem:$0x2020] =	vst v63  }
0x30d: {  	_ =	swait.ge [sflag:s9], $0x1000  }
0x30e: {  	[sflag:s9] =	ssyncset.done $0x0  }
0x30f: {  	[sflag:s9] =	ssyncadd.s32 $0xFFFFF000  }
.LBB2_6:
0x310: {  	_ =	sfence.sel $0x180000  }
0x311: {  	[bflag:$0x0] =	sbarrier.arrive $0xFFFF  }
0x312: {  	p0 =	sne.s32 s2, $0x0;
	_ =	strace $0x90000047  }
0x313: {  	s0 =	sadd.s32 @!p0 $0x100000, s0;
	[bflag:$0x2] =	sbarrier.arrive $0xFFFF  }
0x314: {  	[sflag:s0] =	ssyncadd.tile.s32 @!p0 $0x1;
	_ =	shalt  }
.Lfunc_end2:
_tile_overlayer_lowered:
.L_overlay_start_2:
0x315: {  	(tag) =	ssettag $0x2  }
0x316: {  	s0 =	rddreg [dreg:$0x0];
	s2 =	stileid.u32  }
0x317: {  	s1 =	rddreg [dreg:$0x1];
	p0 =	sne.s32 s2, $0x0  }
0x318: {  	s3 =	rddreg [dreg:$0x2];
	[bflag:$0x3] =	sbarrier.arrive $0xFFFF;
	s2 =	simm.s32 @!p0 $0x1C02  }
0x319: {  	[timem:s3], [sflag:s2] =	dma.local @!p0 [hbm:s0], s1  }
0x31a: {  	s0 =	simm.s32 @!p0 $0x2  }
0x31b: {  	_ =	swait.ge @!p0 [sflag:s0], s1  }
0x31c: {  	s1 =	ssub.s32 @!p0 $0x0, s1;
	[sflag:s0] =	ssyncset.done @!p0 $0x0  }
0x31d: {  	[sflag:s0] =	ssyncadd.s32 @!p0 s1  }
0x31e: {  	[bflag:$0x3] =	sbarrier.arrive $0xFFFF  }
0x31f: {  	_ =	shalt  }

</sc_bundles>
